<compile_context>
chip_gen: v7x
topology: tpu7x:2x2x1
jax: 0.10.2.dev20260603
libtpu: 0.0.44.dev20260713+nightly
codegen_flags: <defaults>
</compile_context>

<pallas_src>
import functools

import jax
import jax.numpy as jnp
from jax import lax
from jax.experimental import pallas as pl
from jax.experimental.pallas import tpu as pltpu
from jax.experimental.pallas import tpu_sc as plsc

E = 160000
G = 50
F = 128
X = 8
BM = 2048
E_PAD = ((E + X * (BM - 1)) // BM) * BM
NB = E_PAD // BM
NW = 32
ROWS_2D = E // 128
SHIFT = 0.6931471805599453


def _iscan_rows(x):
    n = x.shape[0]
    d = 1
    while d < n:
        pad = jnp.zeros((d,) + x.shape[1:], x.dtype)
        x = x + jnp.concatenate([pad, x[:-d]], axis=0)
        d *= 2
    return x


def _iscan_lanes(x):
    n = x.shape[1]
    d = 1
    while d < n:
        pad = jnp.zeros(x.shape[:1] + (d,), x.dtype)
        x = x + jnp.concatenate([pad, x[:, :-d]], axis=1)
        d *= 2
    return x


def _route_kernel(col_ref, pos_ref, be_ref):
    c2 = col_ref[...]
    totals = [jnp.sum((c2 == c).astype(jnp.int32)) for c in range(X)]
    starts, ends_blk = [], []
    run = 0
    for c in range(X):
        pc = ((totals[c] + BM - 1) // BM) * BM
        starts.append(run)
        run = run + pc
        ends_blk.append(run // BM)
    pos = jnp.zeros((ROWS_2D, 128), jnp.int32)
    for c in range(X):
        m = (c2 == c).astype(jnp.int32)
        colcnt = jnp.sum(m, axis=0, keepdims=True)
        colexcl = _iscan_lanes(colcnt) - colcnt
        within = _iscan_rows(m)
        p = starts[c] + colexcl + within - 1
        pos = jnp.where(c2 == c, p, pos)
    pos_ref[...] = pos
    b = (lax.broadcasted_iota(jnp.int32, (X, 128), 0) * 128
         + lax.broadcasted_iota(jnp.int32, (X, 128), 1))
    e = sum([(b >= eb).astype(jnp.int32) for eb in ends_blk])
    be_ref[...] = jnp.minimum(e, X - 1)


def _route(colors2d):
    return pl.pallas_call(
        _route_kernel,
        out_shape=(
            jax.ShapeDtypeStruct((ROWS_2D, 128), jnp.int32),
            jax.ShapeDtypeStruct((X, 128), jnp.int32),
        ),
    )(colors2d)


def _sc_wid():
    return lax.axis_index("s") * 2 + lax.axis_index("c")


RPW = ROWS_2D // NW


def _worker_rows():
    wid = _sc_wid()
    r0 = wid * RPW
    nt = jnp.where(wid == NW - 1, ROWS_2D - (NW - 1) * RPW, RPW)
    return r0, nt


def _scatter_body(pos_hbm, ea_hbm, xs_hbm, idx_v, rows_v, sem_l, sem_s):
    r0, nt = _worker_rows()

    def loads(t, b):
        r = r0 + t
        pltpu.async_copy(pos_hbm.at[r], idx_v.at[b], sem_l)
        pltpu.async_copy(ea_hbm.at[pl.ds(r * 128, 128)], rows_v.at[b], sem_l)

    def wait_loads(t, b):
        r = r0 + t
        pltpu.make_async_copy(pos_hbm.at[r], idx_v.at[b], sem_l).wait()
        pltpu.make_async_copy(ea_hbm.at[pl.ds(r * 128, 128)], rows_v.at[b],
                              sem_l).wait()

    def wait_scatter(b):
        pltpu.make_async_copy(rows_v.at[b], xs_hbm.at[idx_v.at[b]],
                              sem_s).wait()

    loads(0, 0)
    loads(1, 1)

    def tile(t, carry):
        b = lax.rem(t, 4)

        @pl.when(t >= 2)
        def _():
            wait_scatter(lax.rem(t - 2, 4))

        @pl.when(t + 2 < nt)
        def _():
            loads(t + 2, lax.rem(t + 2, 4))

        wait_loads(t, b)
        pltpu.async_copy(rows_v.at[b], xs_hbm.at[idx_v.at[b]], sem_s)
        return carry

    lax.fori_loop(0, nt, tile, 0)
    wait_scatter(lax.rem(nt - 2, 4))
    wait_scatter(lax.rem(nt - 1, 4))


def _scatter(pos2d, x128):
    mesh = plsc.VectorSubcoreMesh(core_axis_name="c", subcore_axis_name="s")
    run = functools.partial(
        pl.kernel,
        mesh=mesh,
        out_type=jax.ShapeDtypeStruct((E_PAD, F), jnp.float32),
        scratch_types=[
            pltpu.VMEM((4, 128), jnp.int32),
            pltpu.VMEM((4, 128, F), jnp.float32),
            pltpu.SemaphoreType.DMA,
            pltpu.SemaphoreType.DMA,
        ],
    )(_scatter_body)
    return run(pos2d, x128)


def _mlp_kernel(be_ref, x_ref, w1_ref, b1_ref, w2_ref, b2_ref, y_ref):
    e = be_ref[pl.program_id(0)]
    x = x_ref[...][:, :G].astype(jnp.bfloat16)
    w1 = w1_ref[pl.ds(e, 1)][0]
    h = (jnp.dot(x, w1, preferred_element_type=jnp.float32)
         + b1_ref[pl.ds(e, 1)])
    sp = jnp.maximum(h, 0.0) + jnp.log(1.0 + jnp.exp(-jnp.abs(h))) - SHIFT
    w2 = w2_ref[pl.ds(e, 1)][0]
    y_ref[...] = (jnp.dot(sp.astype(jnp.bfloat16), w2,
                          preferred_element_type=jnp.float32)
                  + b2_ref[pl.ds(e, 1)])


def _mlp(block_expert, x_sorted, W1, b1, W2, b2):
    grid_spec = pltpu.PrefetchScalarGridSpec(
        num_scalar_prefetch=1,
        grid=(NB,),
        in_specs=[
            pl.BlockSpec((BM, F), lambda i, be: (i, 0)),
            pl.BlockSpec((X, G, F), lambda i, be: (0, 0, 0)),
            pl.BlockSpec((X, F), lambda i, be: (0, 0)),
            pl.BlockSpec((X, F, F), lambda i, be: (0, 0, 0)),
            pl.BlockSpec((X, F), lambda i, be: (0, 0)),
        ],
        out_specs=pl.BlockSpec((BM, F), lambda i, be: (i, 0)),
    )
    return pl.pallas_call(
        _mlp_kernel,
        grid_spec=grid_spec,
        out_shape=jax.ShapeDtypeStruct((E_PAD, F), jnp.float32),
        compiler_params=pltpu.CompilerParams(
            dimension_semantics=("parallel",)),
    )(block_expert, x_sorted, W1, b1, W2, b2)


def _gather_body(pos_hbm, ys_hbm, out_hbm, idx_v, rows_v, sem_i, sem_g, sem_s):
    r0, nt = _worker_rows()

    def load_idx(t, b):
        pltpu.async_copy(pos_hbm.at[r0 + t], idx_v.at[b], sem_i)

    def wait_idx(t, b):
        pltpu.make_async_copy(pos_hbm.at[r0 + t], idx_v.at[b], sem_i).wait()

    def gath(b):
        pltpu.async_copy(ys_hbm.at[idx_v.at[b]], rows_v.at[b], sem_g)

    def wait_gath(b):
        pltpu.make_async_copy(ys_hbm.at[idx_v.at[b]], rows_v.at[b],
                              sem_g).wait()

    def store(t, b):
        pltpu.async_copy(rows_v.at[b], out_hbm.at[pl.ds((r0 + t) * 128, 128)],
                         sem_s)

    def wait_store(t, b):
        pltpu.make_async_copy(rows_v.at[b],
                              out_hbm.at[pl.ds((r0 + t) * 128, 128)],
                              sem_s).wait()

    load_idx(0, 0)
    load_idx(1, 1)
    wait_idx(0, 0)
    gath(0)

    def tile(t, carry):
        b = lax.rem(t, 4)

        @pl.when(t >= 2)
        def _():
            wait_store(t - 2, lax.rem(t - 2, 4))

        @pl.when(t + 2 < nt)
        def _():
            load_idx(t + 2, lax.rem(t + 2, 4))

        @pl.when(t + 1 < nt)
        def _():
            b1 = lax.rem(t + 1, 4)
            wait_idx(t + 1, b1)
            gath(b1)

        wait_gath(b)
        store(t, b)
        return carry

    lax.fori_loop(0, nt, tile, 0)
    wait_store(nt - 2, lax.rem(nt - 2, 4))
    wait_store(nt - 1, lax.rem(nt - 1, 4))


def _gather(pos2d, y_sorted):
    mesh = plsc.VectorSubcoreMesh(core_axis_name="c", subcore_axis_name="s")
    run = functools.partial(
        pl.kernel,
        mesh=mesh,
        out_type=jax.ShapeDtypeStruct((E, F), jnp.float32),
        scratch_types=[
            pltpu.VMEM((4, 128), jnp.int32),
            pltpu.VMEM((4, 128, F), jnp.float32),
            pltpu.SemaphoreType.DMA,
            pltpu.SemaphoreType.DMA,
            pltpu.SemaphoreType.DMA,
        ],
    )(_gather_body)
    return run(pos2d, y_sorted)


def kernel(edge_attr, colors, W1, b1, W2, b2):
    pos2d, be2d = _route(colors.reshape(ROWS_2D, 128))
    block_expert = be2d.reshape(X * 128)
    x128 = jnp.pad(edge_attr, ((0, 0), (0, F - G)))
    x_sorted = _scatter(pos2d, x128)
    y_sorted = _mlp(block_expert, x_sorted, W1.astype(jnp.bfloat16),
                    b1, W2.astype(jnp.bfloat16), b2)
    return _gather(pos2d, y_sorted)

# --- scband reference (transcript-rebuilt; emitter-appended) ---
"""Pipeline reference for scband-colored-mlp-1451698946130 (READ-ONLY COPY).

The authoritative reference and input builder live on the scoring server;
editing this copy changes nothing except your own understanding.
"""

import jax, jax.numpy as jnp
import numpy as np

NUM_EXPERTS = 8
NUM_GAUSSIANS = 50
NUM_FILTERS = 128
NUM_EDGES = 160000
SHIFT = float(np.log(2.0))


def setup_inputs(seed: int = 0) -> dict:
    key = jax.random.key(seed)
    k1, k2, k3, k4, k5, k6 = jax.random.split(key, 6)
    edge_attr = jax.random.normal(k1, (NUM_EDGES, NUM_GAUSSIANS), dtype=jnp.float32)
    colors = jax.random.randint(k2, (NUM_EDGES,), 0, NUM_EXPERTS, dtype=jnp.int32)
    # stacked per-expert MLP parameters (expert i: Linear(G,F) -> ShiftedSoftplus -> Linear(F,F))
    W1 = jax.random.normal(k3, (NUM_EXPERTS, NUM_GAUSSIANS, NUM_FILTERS), dtype=jnp.float32) * 0.05
    b1 = jax.random.normal(k4, (NUM_EXPERTS, NUM_FILTERS), dtype=jnp.float32) * 0.05
    W2 = jax.random.normal(k5, (NUM_EXPERTS, NUM_FILTERS, NUM_FILTERS), dtype=jnp.float32) * 0.05
    b2 = jax.random.normal(k6, (NUM_EXPERTS, NUM_FILTERS), dtype=jnp.float32) * 0.05
    return {"edge_attr": edge_attr, "colors": colors, "W1": W1, "b1": b1, "W2": W2, "b2": b2}


def reference(edge_attr, colors, W1, b1, W2, b2):
    # Faithful translation of ColoredMLP.forward:
    # out = zeros([E, num_filters]); out[colors == i] = mlp_i(edge_attr[colors == i])
    E = edge_attr.shape[0]
    F = W1.shape[-1]
    out = jnp.zeros((E, F), dtype=edge_attr.dtype)
    for i in range(W1.shape[0]):
        h = edge_attr @ W1[i] + b1[i]
        h = jax.nn.softplus(h) - SHIFT  # ShiftedSoftplus
        y = h @ W2[i] + b2[i]
        mask = (colors == i)[:, None]
        out = jnp.where(mask, y, out)
    return out

if __name__ == "__main__":
    import jax
    _d = setup_inputs()
    print(jax.jit(kernel)(*tuple(_d.values())))

</pallas_src>

<mosaic_0001>
#map = affine_map<(d0, d1) -> (0, 0)>
module attributes {stable_mosaic.version = 14 : i64} {
  func.func @_scatter_body(%arg0: i32, %arg1: i32, %arg2: memref<1250x128xi32, #tpu.memory_space<hbm>>, %arg3: memref<160000x128xf32, #tpu.memory_space<hbm>>, %arg4: memref<176128x128xf32, #tpu.memory_space<hbm>>, %arg5: memref<4x128xi32, #tpu.memory_space<vmem>>, %arg6: memref<4x128x128xf32, #tpu.memory_space<vmem>>, %arg7: memref<!tpu.dma_semaphore, #tpu.memory_space<semaphore_mem>>, %arg8: memref<!tpu.dma_semaphore, #tpu.memory_space<semaphore_mem>>) attributes {dimension_semantics = [#tpu.dimension_semantics<core_parallel>, #tpu.dimension_semantics<subcore_parallel>], iteration_bounds = array<i64: 2, 16>, scalar_prefetch = 0 : i64, scratch_operands = 4 : i64, tpu.core_type = #tpu.core_type<sc_vector_subcore>, window_params = [{transform_indices = #map}, {transform_indices = #map}, {transform_indices = #map}]} {
    %mul3A = arith.constant 2 : i32
    %mul3A_0 = arith.muli %arg1, %mul3A : i32
    %add3A = arith.addi %mul3A_0, %arg0 : i32
    %mul3A_1 = arith.constant 39 : i32
    %mul3A_2 = arith.muli %add3A, %mul3A_1 : i32
    %eq3A = arith.constant 31 : i32
    %eq3A_3 = arith.cmpi eq, %add3A, %eq3A : i32
    %jit3A = arith.constant 41 : i32
    %jit3A_4 = arith.constant 39 : i32
    %select_n3A = arith.select %eq3A_3, %jit3A, %jit3A_4 : i32
    %add3A_5 = arith.constant 0 : i32
    %add3A_6 = arith.addi %mul3A_2, %add3A_5 : i32
    %dma_start3A = arith.constant 0 : i32
    %dma_start3A_7 = arith.constant 0 : i32
    %dma_start3A_8 = tpu.memref_slice %arg5[%dma_start3A, %dma_start3A_7] : memref<4x128xi32, #tpu.memory_space<vmem>> -> memref<1x128xi32, #tpu.memory_space<vmem>>
    %dma_start3A_9 = tpu.memref_squeeze %dma_start3A_8 : memref<1x128xi32, #tpu.memory_space<vmem>> -> memref<128xi32, #tpu.memory_space<vmem>>
    %dma_start3A_10 = arith.constant 0 : i32
    %dma_start3A_11 = tpu.memref_slice %arg2[%add3A_6, %dma_start3A_10] : memref<1250x128xi32, #tpu.memory_space<hbm>> -> memref<1x128xi32, #tpu.memory_space<hbm>>
    %dma_start3A_12 = tpu.memref_squeeze %dma_start3A_11 : memref<1x128xi32, #tpu.memory_space<hbm>> -> memref<128xi32, #tpu.memory_space<hbm>>
    %dma_start3A_13 = arith.constant 0 : i32
    %dma_start3A_14 = tpu.memref_slice %arg5[%dma_start3A, %dma_start3A_13] : memref<4x128xi32, #tpu.memory_space<vmem>> -> memref<1x128xi32, #tpu.memory_space<vmem>>
    %dma_start3A_15 = tpu.memref_squeeze %dma_start3A_14 : memref<1x128xi32, #tpu.memory_space<vmem>> -> memref<128xi32, #tpu.memory_space<vmem>>
    %dma_start3A_16 = arith.constant 0 : i32
    %dma_start3A_17 = tpu.memref_slice %arg2[%add3A_6, %dma_start3A_16] : memref<1250x128xi32, #tpu.memory_space<hbm>> -> memref<1x128xi32, #tpu.memory_space<hbm>>
    %dma_start3A_18 = tpu.memref_squeeze %dma_start3A_17 : memref<1x128xi32, #tpu.memory_space<hbm>> -> memref<128xi32, #tpu.memory_space<hbm>>
    tpu.enqueue_dma source(%dma_start3A_18 : memref<128xi32, #tpu.memory_space<hbm>>) target(%dma_start3A_15 : memref<128xi32, #tpu.memory_space<vmem>>) target_semaphore(%arg7 : memref<!tpu.dma_semaphore, #tpu.memory_space<semaphore_mem>>)
    %mul3A_19 = arith.constant 128 : i32
    %mul3A_20 = arith.muli %add3A_6, %mul3A_19 : i32
    %dma_start3A_21 = arith.constant 0 : i32
    %dma_start3A_22 = arith.constant 0 : i32
    %dma_start3A_23 = arith.constant 0 : i32
    %dma_start3A_24 = tpu.memref_slice %arg6[%dma_start3A_21, %dma_start3A_22, %dma_start3A_23] : memref<4x128x128xf32, #tpu.memory_space<vmem>> -> memref<1x128x128xf32, #tpu.memory_space<vmem>>
    %dma_start3A_25 = tpu.memref_squeeze %dma_start3A_24 : memref<1x128x128xf32, #tpu.memory_space<vmem>> -> memref<128x128xf32, #tpu.memory_space<vmem>>
    %dma_start3A_26 = arith.constant 0 : i32
    %dma_start3A_27 = tpu.memref_slice %arg3[%mul3A_20, %dma_start3A_26] : memref<160000x128xf32, #tpu.memory_space<hbm>> -> memref<128x128xf32, #tpu.memory_space<hbm>>
    %dma_start3A_28 = arith.constant 0 : i32
    %dma_start3A_29 = arith.constant 0 : i32
    %dma_start3A_30 = tpu.memref_slice %arg6[%dma_start3A_21, %dma_start3A_28, %dma_start3A_29] : memref<4x128x128xf32, #tpu.memory_space<vmem>> -> memref<1x128x128xf32, #tpu.memory_space<vmem>>
    %dma_start3A_31 = tpu.memref_squeeze %dma_start3A_30 : memref<1x128x128xf32, #tpu.memory_space<vmem>> -> memref<128x128xf32, #tpu.memory_space<vmem>>
    %dma_start3A_32 = arith.constant 0 : i32
    %dma_start3A_33 = tpu.memref_slice %arg3[%mul3A_20, %dma_start3A_32] : memref<160000x128xf32, #tpu.memory_space<hbm>> -> memref<128x128xf32, #tpu.memory_space<hbm>>
    tpu.enqueue_dma source(%dma_start3A_33 : memref<128x128xf32, #tpu.memory_space<hbm>>) target(%dma_start3A_31 : memref<128x128xf32, #tpu.memory_space<vmem>>) target_semaphore(%arg7 : memref<!tpu.dma_semaphore, #tpu.memory_space<semaphore_mem>>)
    %add3A_34 = arith.constant 1 : i32
    %add3A_35 = arith.addi %mul3A_2, %add3A_34 : i32
    %dma_start3A_36 = arith.constant 1 : i32
    %dma_start3A_37 = arith.constant 0 : i32
    %dma_start3A_38 = tpu.memref_slice %arg5[%dma_start3A_36, %dma_start3A_37] : memref<4x128xi32, #tpu.memory_space<vmem>> -> memref<1x128xi32, #tpu.memory_space<vmem>>
    %dma_start3A_39 = tpu.memref_squeeze %dma_start3A_38 : memref<1x128xi32, #tpu.memory_space<vmem>> -> memref<128xi32, #tpu.memory_space<vmem>>
    %dma_start3A_40 = arith.constant 0 : i32
    %dma_start3A_41 = tpu.memref_slice %arg2[%add3A_35, %dma_start3A_40] : memref<1250x128xi32, #tpu.memory_space<hbm>> -> memref<1x128xi32, #tpu.memory_space<hbm>>
    %dma_start3A_42 = tpu.memref_squeeze %dma_start3A_41 : memref<1x128xi32, #tpu.memory_space<hbm>> -> memref<128xi32, #tpu.memory_space<hbm>>
    %dma_start3A_43 = arith.constant 0 : i32
    %dma_start3A_44 = tpu.memref_slice %arg5[%dma_start3A_36, %dma_start3A_43] : memref<4x128xi32, #tpu.memory_space<vmem>> -> memref<1x128xi32, #tpu.memory_space<vmem>>
    %dma_start3A_45 = tpu.memref_squeeze %dma_start3A_44 : memref<1x128xi32, #tpu.memory_space<vmem>> -> memref<128xi32, #tpu.memory_space<vmem>>
    %dma_start3A_46 = arith.constant 0 : i32
    %dma_start3A_47 = tpu.memref_slice %arg2[%add3A_35, %dma_start3A_46] : memref<1250x128xi32, #tpu.memory_space<hbm>> -> memref<1x128xi32, #tpu.memory_space<hbm>>
    %dma_start3A_48 = tpu.memref_squeeze %dma_start3A_47 : memref<1x128xi32, #tpu.memory_space<hbm>> -> memref<128xi32, #tpu.memory_space<hbm>>
    tpu.enqueue_dma source(%dma_start3A_48 : memref<128xi32, #tpu.memory_space<hbm>>) target(%dma_start3A_45 : memref<128xi32, #tpu.memory_space<vmem>>) target_semaphore(%arg7 : memref<!tpu.dma_semaphore, #tpu.memory_space<semaphore_mem>>)
    %mul3A_49 = arith.constant 128 : i32
    %mul3A_50 = arith.muli %add3A_35, %mul3A_49 : i32
    %dma_start3A_51 = arith.constant 1 : i32
    %dma_start3A_52 = arith.constant 0 : i32
    %dma_start3A_53 = arith.constant 0 : i32
    %dma_start3A_54 = tpu.memref_slice %arg6[%dma_start3A_51, %dma_start3A_52, %dma_start3A_53] : memref<4x128x128xf32, #tpu.memory_space<vmem>> -> memref<1x128x128xf32, #tpu.memory_space<vmem>>
    %dma_start3A_55 = tpu.memref_squeeze %dma_start3A_54 : memref<1x128x128xf32, #tpu.memory_space<vmem>> -> memref<128x128xf32, #tpu.memory_space<vmem>>
    %dma_start3A_56 = arith.constant 0 : i32
    %dma_start3A_57 = tpu.memref_slice %arg3[%mul3A_50, %dma_start3A_56] : memref<160000x128xf32, #tpu.memory_space<hbm>> -> memref<128x128xf32, #tpu.memory_space<hbm>>
    %dma_start3A_58 = arith.constant 0 : i32
    %dma_start3A_59 = arith.constant 0 : i32
    %dma_start3A_60 = tpu.memref_slice %arg6[%dma_start3A_51, %dma_start3A_58, %dma_start3A_59] : memref<4x128x128xf32, #tpu.memory_space<vmem>> -> memref<1x128x128xf32, #tpu.memory_space<vmem>>
    %dma_start3A_61 = tpu.memref_squeeze %dma_start3A_60 : memref<1x128x128xf32, #tpu.memory_space<vmem>> -> memref<128x128xf32, #tpu.memory_space<vmem>>
    %dma_start3A_62 = arith.constant 0 : i32
    %dma_start3A_63 = tpu.memref_slice %arg3[%mul3A_50, %dma_start3A_62] : memref<160000x128xf32, #tpu.memory_space<hbm>> -> memref<128x128xf32, #tpu.memory_space<hbm>>
    tpu.enqueue_dma source(%dma_start3A_63 : memref<128x128xf32, #tpu.memory_space<hbm>>) target(%dma_start3A_61 : memref<128x128xf32, #tpu.memory_space<vmem>>) target_semaphore(%arg7 : memref<!tpu.dma_semaphore, #tpu.memory_space<semaphore_mem>>)
    %while3A = arith.constant 0 : i32
    %while3A_64 = arith.constant 0 : i32
    %while3A_65 = arith.subi %select_n3A, %while3A_64 : i32
    %while3A_66 = arith.addi %while3A_64, %while3A_65 : i32
    %while3A_67 = arith.constant 1 : i32
    %while3A_68 = arith.divsi %while3A_65, %while3A_67 : i32
    %while3A_69 = arith.muli %while3A_68, %while3A_67 : i32
    %while3A_70 = arith.addi %while3A_64, %while3A_69 : i32
    %while3A_71 = arith.constant 1 : i32
    scf.for %while3A_98 = %while3A_64 to %while3A_70 step %while3A_71  : i32 {
      %rem3A_99 = arith.constant 4 : i32
      %rem3A_100 = arith.remsi %while3A_98, %rem3A_99 : i32
      %ge3A = arith.constant 2 : i32
      %ge3A_101 = arith.cmpi sge, %while3A_98, %ge3A : i32
      %convert_element_type3A = arith.extui %ge3A_101 : i1 to i32
      %cond3A = arith.constant 0 : i32
      %cond3A_102 = arith.cmpi ne, %convert_element_type3A, %cond3A : i32
      scf.if %cond3A_102 {
        %sub3A_145 = arith.constant 2 : i32
        %sub3A_146 = arith.subi %while3A_98, %sub3A_145 : i32
        %rem3A_147 = arith.constant 4 : i32
        %rem3A_148 = arith.remsi %sub3A_146, %rem3A_147 : i32
        %dma_wait3A_149 = arith.constant 0 : i32
        %dma_wait3A_150 = arith.constant 0 : i32
        %dma_wait3A_151 = tpu.memref_slice %arg6[%rem3A_148, %dma_wait3A_149, %dma_wait3A_150] : memref<4x128x128xf32, #tpu.memory_space<vmem>> -> memref<1x128x128xf32, #tpu.memory_space<vmem>>
        %dma_wait3A_152 = tpu.memref_squeeze %dma_wait3A_151 : memref<1x128x128xf32, #tpu.memory_space<vmem>> -> memref<128x128xf32, #tpu.memory_space<vmem>>
        %dma_wait3A_153 = arith.constant 0 : i32
        %dma_wait3A_154 = tpu.memref_slice %arg5[%rem3A_148, %dma_wait3A_153] : memref<4x128xi32, #tpu.memory_space<vmem>> -> memref<1x128xi32, #tpu.memory_space<vmem>>
        %dma_wait3A_155 = tpu.memref_squeeze %dma_wait3A_154 : memref<1x128xi32, #tpu.memory_space<vmem>> -> memref<128xi32, #tpu.memory_space<vmem>>
        %dma_wait3A_156 = arith.constant 0 : i32
        %dma_wait3A_157 = arith.constant 0 : i32
        %dma_wait3A_158 = tpu.memref_slice %arg4[%dma_wait3A_156, %dma_wait3A_157] : memref<176128x128xf32, #tpu.memory_space<hbm>> -> memref<176128x128xf32, #tpu.memory_space<hbm>>
        tpu.wait_indirect_dma semaphore(%arg8 : memref<!tpu.dma_semaphore, #tpu.memory_space<semaphore_mem>>) src(%dma_wait3A_152 : memref<128x128xf32, #tpu.memory_space<vmem>>) dst(%dma_wait3A_158 : memref<176128x128xf32, #tpu.memory_space<hbm>>)
      } else {
      }
      %add3A_103 = arith.constant 2 : i32
      %add3A_104 = arith.addi %while3A_98, %add3A_103 : i32
      %lt3A = arith.cmpi slt, %add3A_104, %select_n3A : i32
      %convert_element_type3A_105 = arith.extui %lt3A : i1 to i32
      %cond3A_106 = arith.constant 0 : i32
      %cond3A_107 = arith.cmpi ne, %convert_element_type3A_105, %cond3A_106 : i32
      scf.if %cond3A_107 {
        %add3A_145 = arith.constant 2 : i32
        %add3A_146 = arith.addi %while3A_98, %add3A_145 : i32
        %add3A_147 = arith.constant 2 : i32
        %add3A_148 = arith.addi %while3A_98, %add3A_147 : i32
        %rem3A_149 = arith.constant 4 : i32
        %rem3A_150 = arith.remsi %add3A_148, %rem3A_149 : i32
        %add3A_151 = arith.addi %mul3A_2, %add3A_146 : i32
        %dma_start3A_152 = arith.constant 0 : i32
        %dma_start3A_153 = tpu.memref_slice %arg5[%rem3A_150, %dma_start3A_152] : memref<4x128xi32, #tpu.memory_space<vmem>> -> memref<1x128xi32, #tpu.memory_space<vmem>>
        %dma_start3A_154 = tpu.memref_squeeze %dma_start3A_153 : memref<1x128xi32, #tpu.memory_space<vmem>> -> memref<128xi32, #tpu.memory_space<vmem>>
        %dma_start3A_155 = arith.constant 0 : i32
        %dma_start3A_156 = tpu.memref_slice %arg2[%add3A_151, %dma_start3A_155] : memref<1250x128xi32, #tpu.memory_space<hbm>> -> memref<1x128xi32, #tpu.memory_space<hbm>>
        %dma_start3A_157 = tpu.memref_squeeze %dma_start3A_156 : memref<1x128xi32, #tpu.memory_space<hbm>> -> memref<128xi32, #tpu.memory_space<hbm>>
        %dma_start3A_158 = arith.constant 0 : i32
        %dma_start3A_159 = tpu.memref_slice %arg5[%rem3A_150, %dma_start3A_158] : memref<4x128xi32, #tpu.memory_space<vmem>> -> memref<1x128xi32, #tpu.memory_space<vmem>>
        %dma_start3A_160 = tpu.memref_squeeze %dma_start3A_159 : memref<1x128xi32, #tpu.memory_space<vmem>> -> memref<128xi32, #tpu.memory_space<vmem>>
        %dma_start3A_161 = arith.constant 0 : i32
        %dma_start3A_162 = tpu.memref_slice %arg2[%add3A_151, %dma_start3A_161] : memref<1250x128xi32, #tpu.memory_space<hbm>> -> memref<1x128xi32, #tpu.memory_space<hbm>>
        %dma_start3A_163 = tpu.memref_squeeze %dma_start3A_162 : memref<1x128xi32, #tpu.memory_space<hbm>> -> memref<128xi32, #tpu.memory_space<hbm>>
        tpu.enqueue_dma source(%dma_start3A_163 : memref<128xi32, #tpu.memory_space<hbm>>) target(%dma_start3A_160 : memref<128xi32, #tpu.memory_space<vmem>>) target_semaphore(%arg7 : memref<!tpu.dma_semaphore, #tpu.memory_space<semaphore_mem>>)
        %mul3A_164 = arith.constant 128 : i32
        %mul3A_165 = arith.muli %add3A_151, %mul3A_164 : i32
        %dma_start3A_166 = arith.constant 0 : i32
        %dma_start3A_167 = arith.constant 0 : i32
        %dma_start3A_168 = tpu.memref_slice %arg6[%rem3A_150, %dma_start3A_166, %dma_start3A_167] : memref<4x128x128xf32, #tpu.memory_space<vmem>> -> memref<1x128x128xf32, #tpu.memory_space<vmem>>
        %dma_start3A_169 = tpu.memref_squeeze %dma_start3A_168 : memref<1x128x128xf32, #tpu.memory_space<vmem>> -> memref<128x128xf32, #tpu.memory_space<vmem>>
        %dma_start3A_170 = arith.constant 0 : i32
        %dma_start3A_171 = tpu.memref_slice %arg3[%mul3A_165, %dma_start3A_170] : memref<160000x128xf32, #tpu.memory_space<hbm>> -> memref<128x128xf32, #tpu.memory_space<hbm>>
        %dma_start3A_172 = arith.constant 0 : i32
        %dma_start3A_173 = arith.constant 0 : i32
        %dma_start3A_174 = tpu.memref_slice %arg6[%rem3A_150, %dma_start3A_172, %dma_start3A_173] : memref<4x128x128xf32, #tpu.memory_space<vmem>> -> memref<1x128x128xf32, #tpu.memory_space<vmem>>
        %dma_start3A_175 = tpu.memref_squeeze %dma_start3A_174 : memref<1x128x128xf32, #tpu.memory_space<vmem>> -> memref<128x128xf32, #tpu.memory_space<vmem>>
        %dma_start3A_176 = arith.constant 0 : i32
        %dma_start3A_177 = tpu.memref_slice %arg3[%mul3A_165, %dma_start3A_176] : memref<160000x128xf32, #tpu.memory_space<hbm>> -> memref<128x128xf32, #tpu.memory_space<hbm>>
        tpu.enqueue_dma source(%dma_start3A_177 : memref<128x128xf32, #tpu.memory_space<hbm>>) target(%dma_start3A_175 : memref<128x128xf32, #tpu.memory_space<vmem>>) target_semaphore(%arg7 : memref<!tpu.dma_semaphore, #tpu.memory_space<semaphore_mem>>)
      } else {
      }
      %add3A_108 = arith.addi %mul3A_2, %while3A_98 : i32
      %dma_wait3A_109 = arith.constant 0 : i32
      %dma_wait3A_110 = tpu.memref_slice %arg5[%rem3A_100, %dma_wait3A_109] : memref<4x128xi32, #tpu.memory_space<vmem>> -> memref<1x128xi32, #tpu.memory_space<vmem>>
      %dma_wait3A_111 = tpu.memref_squeeze %dma_wait3A_110 : memref<1x128xi32, #tpu.memory_space<vmem>> -> memref<128xi32, #tpu.memory_space<vmem>>
      %dma_wait3A_112 = arith.constant 0 : i32
      %dma_wait3A_113 = tpu.memref_slice %arg2[%add3A_108, %dma_wait3A_112] : memref<1250x128xi32, #tpu.memory_space<hbm>> -> memref<1x128xi32, #tpu.memory_space<hbm>>
      %dma_wait3A_114 = tpu.memref_squeeze %dma_wait3A_113 : memref<1x128xi32, #tpu.memory_space<hbm>> -> memref<128xi32, #tpu.memory_space<hbm>>
      %dma_wait3A_115 = arith.constant 0 : i32
      %dma_wait3A_116 = tpu.memref_slice %arg5[%rem3A_100, %dma_wait3A_115] : memref<4x128xi32, #tpu.memory_space<vmem>> -> memref<1x128xi32, #tpu.memory_space<vmem>>
      %dma_wait3A_117 = tpu.memref_squeeze %dma_wait3A_116 : memref<1x128xi32, #tpu.memory_space<vmem>> -> memref<128xi32, #tpu.memory_space<vmem>>
      %dma_wait3A_118 = arith.constant 0 : i32
      %dma_wait3A_119 = tpu.memref_slice %arg2[%add3A_108, %dma_wait3A_118] : memref<1250x128xi32, #tpu.memory_space<hbm>> -> memref<1x128xi32, #tpu.memory_space<hbm>>
      %dma_wait3A_120 = tpu.memref_squeeze %dma_wait3A_119 : memref<1x128xi32, #tpu.memory_space<hbm>> -> memref<128xi32, #tpu.memory_space<hbm>>
      tpu.wait_dma2 semaphore(%arg7 : memref<!tpu.dma_semaphore, #tpu.memory_space<semaphore_mem>>) src(%dma_wait3A_120 : memref<128xi32, #tpu.memory_space<hbm>>) dst(%dma_wait3A_117 : memref<128xi32, #tpu.memory_space<vmem>>)
      %mul3A_121 = arith.constant 128 : i32
      %mul3A_122 = arith.muli %add3A_108, %mul3A_121 : i32
      %dma_wait3A_123 = arith.constant 0 : i32
      %dma_wait3A_124 = arith.constant 0 : i32
      %dma_wait3A_125 = tpu.memref_slice %arg6[%rem3A_100, %dma_wait3A_123, %dma_wait3A_124] : memref<4x128x128xf32, #tpu.memory_space<vmem>> -> memref<1x128x128xf32, #tpu.memory_space<vmem>>
      %dma_wait3A_126 = tpu.memref_squeeze %dma_wait3A_125 : memref<1x128x128xf32, #tpu.memory_space<vmem>> -> memref<128x128xf32, #tpu.memory_space<vmem>>
      %dma_wait3A_127 = arith.constant 0 : i32
      %dma_wait3A_128 = tpu.memref_slice %arg3[%mul3A_122, %dma_wait3A_127] : memref<160000x128xf32, #tpu.memory_space<hbm>> -> memref<128x128xf32, #tpu.memory_space<hbm>>
      %dma_wait3A_129 = arith.constant 0 : i32
      %dma_wait3A_130 = arith.constant 0 : i32
      %dma_wait3A_131 = tpu.memref_slice %arg6[%rem3A_100, %dma_wait3A_129, %dma_wait3A_130] : memref<4x128x128xf32, #tpu.memory_space<vmem>> -> memref<1x128x128xf32, #tpu.memory_space<vmem>>
      %dma_wait3A_132 = tpu.memref_squeeze %dma_wait3A_131 : memref<1x128x128xf32, #tpu.memory_space<vmem>> -> memref<128x128xf32, #tpu.memory_space<vmem>>
      %dma_wait3A_133 = arith.constant 0 : i32
      %dma_wait3A_134 = tpu.memref_slice %arg3[%mul3A_122, %dma_wait3A_133] : memref<160000x128xf32, #tpu.memory_space<hbm>> -> memref<128x128xf32, #tpu.memory_space<hbm>>
      tpu.wait_dma2 semaphore(%arg7 : memref<!tpu.dma_semaphore, #tpu.memory_space<semaphore_mem>>) src(%dma_wait3A_134 : memref<128x128xf32, #tpu.memory_space<hbm>>) dst(%dma_wait3A_132 : memref<128x128xf32, #tpu.memory_space<vmem>>)
      %dma_start3A_135 = arith.constant 0 : i32
      %dma_start3A_136 = arith.constant 0 : i32
      %dma_start3A_137 = tpu.memref_slice %arg6[%rem3A_100, %dma_start3A_135, %dma_start3A_136] : memref<4x128x128xf32, #tpu.memory_space<vmem>> -> memref<1x128x128xf32, #tpu.memory_space<vmem>>
      %dma_start3A_138 = tpu.memref_squeeze %dma_start3A_137 : memref<1x128x128xf32, #tpu.memory_space<vmem>> -> memref<128x128xf32, #tpu.memory_space<vmem>>
      %dma_start3A_139 = arith.constant 0 : i32
      %dma_start3A_140 = tpu.memref_slice %arg5[%rem3A_100, %dma_start3A_139] : memref<4x128xi32, #tpu.memory_space<vmem>> -> memref<1x128xi32, #tpu.memory_space<vmem>>
      %dma_start3A_141 = tpu.memref_squeeze %dma_start3A_140 : memref<1x128xi32, #tpu.memory_space<vmem>> -> memref<128xi32, #tpu.memory_space<vmem>>
      %dma_start3A_142 = arith.constant 0 : i32
      %dma_start3A_143 = arith.constant 0 : i32
      %dma_start3A_144 = tpu.memref_slice %arg4[%dma_start3A_142, %dma_start3A_143] : memref<176128x128xf32, #tpu.memory_space<hbm>> -> memref<176128x128xf32, #tpu.memory_space<hbm>>
      tpu.enqueue_indirect_dma source(%dma_start3A_138 : memref<128x128xf32, #tpu.memory_space<vmem>>) target(%dma_start3A_144 : memref<176128x128xf32, #tpu.memory_space<hbm>>) offsets(%dma_start3A_141 : memref<128xi32, #tpu.memory_space<vmem>>) semaphore(%arg8 : memref<!tpu.dma_semaphore, #tpu.memory_space<semaphore_mem>>)
    }
    %while3A_72 = arith.constant 1 : i32
    scf.for %while3A_98 = %while3A_70 to %while3A_66 step %while3A_72  : i32 {
      %rem3A_99 = arith.constant 4 : i32
      %rem3A_100 = arith.remsi %while3A_98, %rem3A_99 : i32
      %ge3A = arith.constant 2 : i32
      %ge3A_101 = arith.cmpi sge, %while3A_98, %ge3A : i32
      %convert_element_type3A = arith.extui %ge3A_101 : i1 to i32
      %cond3A = arith.constant 0 : i32
      %cond3A_102 = arith.cmpi ne, %convert_element_type3A, %cond3A : i32
      scf.if %cond3A_102 {
        %sub3A_145 = arith.constant 2 : i32
        %sub3A_146 = arith.subi %while3A_98, %sub3A_145 : i32
        %rem3A_147 = arith.constant 4 : i32
        %rem3A_148 = arith.remsi %sub3A_146, %rem3A_147 : i32
        %dma_wait3A_149 = arith.constant 0 : i32
        %dma_wait3A_150 = arith.constant 0 : i32
        %dma_wait3A_151 = tpu.memref_slice %arg6[%rem3A_148, %dma_wait3A_149, %dma_wait3A_150] : memref<4x128x128xf32, #tpu.memory_space<vmem>> -> memref<1x128x128xf32, #tpu.memory_space<vmem>>
        %dma_wait3A_152 = tpu.memref_squeeze %dma_wait3A_151 : memref<1x128x128xf32, #tpu.memory_space<vmem>> -> memref<128x128xf32, #tpu.memory_space<vmem>>
        %dma_wait3A_153 = arith.constant 0 : i32
        %dma_wait3A_154 = tpu.memref_slice %arg5[%rem3A_148, %dma_wait3A_153] : memref<4x128xi32, #tpu.memory_space<vmem>> -> memref<1x128xi32, #tpu.memory_space<vmem>>
        %dma_wait3A_155 = tpu.memref_squeeze %dma_wait3A_154 : memref<1x128xi32, #tpu.memory_space<vmem>> -> memref<128xi32, #tpu.memory_space<vmem>>
        %dma_wait3A_156 = arith.constant 0 : i32
        %dma_wait3A_157 = arith.constant 0 : i32
        %dma_wait3A_158 = tpu.memref_slice %arg4[%dma_wait3A_156, %dma_wait3A_157] : memref<176128x128xf32, #tpu.memory_space<hbm>> -> memref<176128x128xf32, #tpu.memory_space<hbm>>
        tpu.wait_indirect_dma semaphore(%arg8 : memref<!tpu.dma_semaphore, #tpu.memory_space<semaphore_mem>>) src(%dma_wait3A_152 : memref<128x128xf32, #tpu.memory_space<vmem>>) dst(%dma_wait3A_158 : memref<176128x128xf32, #tpu.memory_space<hbm>>)
      } else {
      }
      %add3A_103 = arith.constant 2 : i32
      %add3A_104 = arith.addi %while3A_98, %add3A_103 : i32
      %lt3A = arith.cmpi slt, %add3A_104, %select_n3A : i32
      %convert_element_type3A_105 = arith.extui %lt3A : i1 to i32
      %cond3A_106 = arith.constant 0 : i32
      %cond3A_107 = arith.cmpi ne, %convert_element_type3A_105, %cond3A_106 : i32
      scf.if %cond3A_107 {
        %add3A_145 = arith.constant 2 : i32
        %add3A_146 = arith.addi %while3A_98, %add3A_145 : i32
        %add3A_147 = arith.constant 2 : i32
        %add3A_148 = arith.addi %while3A_98, %add3A_147 : i32
        %rem3A_149 = arith.constant 4 : i32
        %rem3A_150 = arith.remsi %add3A_148, %rem3A_149 : i32
        %add3A_151 = arith.addi %mul3A_2, %add3A_146 : i32
        %dma_start3A_152 = arith.constant 0 : i32
        %dma_start3A_153 = tpu.memref_slice %arg5[%rem3A_150, %dma_start3A_152] : memref<4x128xi32, #tpu.memory_space<vmem>> -> memref<1x128xi32, #tpu.memory_space<vmem>>
        %dma_start3A_154 = tpu.memref_squeeze %dma_start3A_153 : memref<1x128xi32, #tpu.memory_space<vmem>> -> memref<128xi32, #tpu.memory_space<vmem>>
        %dma_start3A_155 = arith.constant 0 : i32
        %dma_start3A_156 = tpu.memref_slice %arg2[%add3A_151, %dma_start3A_155] : memref<1250x128xi32, #tpu.memory_space<hbm>> -> memref<1x128xi32, #tpu.memory_space<hbm>>
        %dma_start3A_157 = tpu.memref_squeeze %dma_start3A_156 : memref<1x128xi32, #tpu.memory_space<hbm>> -> memref<128xi32, #tpu.memory_space<hbm>>
        %dma_start3A_158 = arith.constant 0 : i32
        %dma_start3A_159 = tpu.memref_slice %arg5[%rem3A_150, %dma_start3A_158] : memref<4x128xi32, #tpu.memory_space<vmem>> -> memref<1x128xi32, #tpu.memory_space<vmem>>
        %dma_start3A_160 = tpu.memref_squeeze %dma_start3A_159 : memref<1x128xi32, #tpu.memory_space<vmem>> -> memref<128xi32, #tpu.memory_space<vmem>>
        %dma_start3A_161 = arith.constant 0 : i32
        %dma_start3A_162 = tpu.memref_slice %arg2[%add3A_151, %dma_start3A_161] : memref<1250x128xi32, #tpu.memory_space<hbm>> -> memref<1x128xi32, #tpu.memory_space<hbm>>
        %dma_start3A_163 = tpu.memref_squeeze %dma_start3A_162 : memref<1x128xi32, #tpu.memory_space<hbm>> -> memref<128xi32, #tpu.memory_space<hbm>>
        tpu.enqueue_dma source(%dma_start3A_163 : memref<128xi32, #tpu.memory_space<hbm>>) target(%dma_start3A_160 : memref<128xi32, #tpu.memory_space<vmem>>) target_semaphore(%arg7 : memref<!tpu.dma_semaphore, #tpu.memory_space<semaphore_mem>>)
        %mul3A_164 = arith.constant 128 : i32
        %mul3A_165 = arith.muli %add3A_151, %mul3A_164 : i32
        %dma_start3A_166 = arith.constant 0 : i32
        %dma_start3A_167 = arith.constant 0 : i32
        %dma_start3A_168 = tpu.memref_slice %arg6[%rem3A_150, %dma_start3A_166, %dma_start3A_167] : memref<4x128x128xf32, #tpu.memory_space<vmem>> -> memref<1x128x128xf32, #tpu.memory_space<vmem>>
        %dma_start3A_169 = tpu.memref_squeeze %dma_start3A_168 : memref<1x128x128xf32, #tpu.memory_space<vmem>> -> memref<128x128xf32, #tpu.memory_space<vmem>>
        %dma_start3A_170 = arith.constant 0 : i32
        %dma_start3A_171 = tpu.memref_slice %arg3[%mul3A_165, %dma_start3A_170] : memref<160000x128xf32, #tpu.memory_space<hbm>> -> memref<128x128xf32, #tpu.memory_space<hbm>>
        %dma_start3A_172 = arith.constant 0 : i32
        %dma_start3A_173 = arith.constant 0 : i32
        %dma_start3A_174 = tpu.memref_slice %arg6[%rem3A_150, %dma_start3A_172, %dma_start3A_173] : memref<4x128x128xf32, #tpu.memory_space<vmem>> -> memref<1x128x128xf32, #tpu.memory_space<vmem>>
        %dma_start3A_175 = tpu.memref_squeeze %dma_start3A_174 : memref<1x128x128xf32, #tpu.memory_space<vmem>> -> memref<128x128xf32, #tpu.memory_space<vmem>>
        %dma_start3A_176 = arith.constant 0 : i32
        %dma_start3A_177 = tpu.memref_slice %arg3[%mul3A_165, %dma_start3A_176] : memref<160000x128xf32, #tpu.memory_space<hbm>> -> memref<128x128xf32, #tpu.memory_space<hbm>>
        tpu.enqueue_dma source(%dma_start3A_177 : memref<128x128xf32, #tpu.memory_space<hbm>>) target(%dma_start3A_175 : memref<128x128xf32, #tpu.memory_space<vmem>>) target_semaphore(%arg7 : memref<!tpu.dma_semaphore, #tpu.memory_space<semaphore_mem>>)
      } else {
      }
      %add3A_108 = arith.addi %mul3A_2, %while3A_98 : i32
      %dma_wait3A_109 = arith.constant 0 : i32
      %dma_wait3A_110 = tpu.memref_slice %arg5[%rem3A_100, %dma_wait3A_109] : memref<4x128xi32, #tpu.memory_space<vmem>> -> memref<1x128xi32, #tpu.memory_space<vmem>>
      %dma_wait3A_111 = tpu.memref_squeeze %dma_wait3A_110 : memref<1x128xi32, #tpu.memory_space<vmem>> -> memref<128xi32, #tpu.memory_space<vmem>>
      %dma_wait3A_112 = arith.constant 0 : i32
      %dma_wait3A_113 = tpu.memref_slice %arg2[%add3A_108, %dma_wait3A_112] : memref<1250x128xi32, #tpu.memory_space<hbm>> -> memref<1x128xi32, #tpu.memory_space<hbm>>
      %dma_wait3A_114 = tpu.memref_squeeze %dma_wait3A_113 : memref<1x128xi32, #tpu.memory_space<hbm>> -> memref<128xi32, #tpu.memory_space<hbm>>
      %dma_wait3A_115 = arith.constant 0 : i32
      %dma_wait3A_116 = tpu.memref_slice %arg5[%rem3A_100, %dma_wait3A_115] : memref<4x128xi32, #tpu.memory_space<vmem>> -> memref<1x128xi32, #tpu.memory_space<vmem>>
      %dma_wait3A_117 = tpu.memref_squeeze %dma_wait3A_116 : memref<1x128xi32, #tpu.memory_space<vmem>> -> memref<128xi32, #tpu.memory_space<vmem>>
      %dma_wait3A_118 = arith.constant 0 : i32
      %dma_wait3A_119 = tpu.memref_slice %arg2[%add3A_108, %dma_wait3A_118] : memref<1250x128xi32, #tpu.memory_space<hbm>> -> memref<1x128xi32, #tpu.memory_space<hbm>>
      %dma_wait3A_120 = tpu.memref_squeeze %dma_wait3A_119 : memref<1x128xi32, #tpu.memory_space<hbm>> -> memref<128xi32, #tpu.memory_space<hbm>>
      tpu.wait_dma2 semaphore(%arg7 : memref<!tpu.dma_semaphore, #tpu.memory_space<semaphore_mem>>) src(%dma_wait3A_120 : memref<128xi32, #tpu.memory_space<hbm>>) dst(%dma_wait3A_117 : memref<128xi32, #tpu.memory_space<vmem>>)
      %mul3A_121 = arith.constant 128 : i32
      %mul3A_122 = arith.muli %add3A_108, %mul3A_121 : i32
      %dma_wait3A_123 = arith.constant 0 : i32
      %dma_wait3A_124 = arith.constant 0 : i32
      %dma_wait3A_125 = tpu.memref_slice %arg6[%rem3A_100, %dma_wait3A_123, %dma_wait3A_124] : memref<4x128x128xf32, #tpu.memory_space<vmem>> -> memref<1x128x128xf32, #tpu.memory_space<vmem>>
      %dma_wait3A_126 = tpu.memref_squeeze %dma_wait3A_125 : memref<1x128x128xf32, #tpu.memory_space<vmem>> -> memref<128x128xf32, #tpu.memory_space<vmem>>
      %dma_wait3A_127 = arith.constant 0 : i32
      %dma_wait3A_128 = tpu.memref_slice %arg3[%mul3A_122, %dma_wait3A_127] : memref<160000x128xf32, #tpu.memory_space<hbm>> -> memref<128x128xf32, #tpu.memory_space<hbm>>
      %dma_wait3A_129 = arith.constant 0 : i32
      %dma_wait3A_130 = arith.constant 0 : i32
      %dma_wait3A_131 = tpu.memref_slice %arg6[%rem3A_100, %dma_wait3A_129, %dma_wait3A_130] : memref<4x128x128xf32, #tpu.memory_space<vmem>> -> memref<1x128x128xf32, #tpu.memory_space<vmem>>
      %dma_wait3A_132 = tpu.memref_squeeze %dma_wait3A_131 : memref<1x128x128xf32, #tpu.memory_space<vmem>> -> memref<128x128xf32, #tpu.memory_space<vmem>>
      %dma_wait3A_133 = arith.constant 0 : i32
      %dma_wait3A_134 = tpu.memref_slice %arg3[%mul3A_122, %dma_wait3A_133] : memref<160000x128xf32, #tpu.memory_space<hbm>> -> memref<128x128xf32, #tpu.memory_space<hbm>>
      tpu.wait_dma2 semaphore(%arg7 : memref<!tpu.dma_semaphore, #tpu.memory_space<semaphore_mem>>) src(%dma_wait3A_134 : memref<128x128xf32, #tpu.memory_space<hbm>>) dst(%dma_wait3A_132 : memref<128x128xf32, #tpu.memory_space<vmem>>)
      %dma_start3A_135 = arith.constant 0 : i32
      %dma_start3A_136 = arith.constant 0 : i32
      %dma_start3A_137 = tpu.memref_slice %arg6[%rem3A_100, %dma_start3A_135, %dma_start3A_136] : memref<4x128x128xf32, #tpu.memory_space<vmem>> -> memref<1x128x128xf32, #tpu.memory_space<vmem>>
      %dma_start3A_138 = tpu.memref_squeeze %dma_start3A_137 : memref<1x128x128xf32, #tpu.memory_space<vmem>> -> memref<128x128xf32, #tpu.memory_space<vmem>>
      %dma_start3A_139 = arith.constant 0 : i32
      %dma_start3A_140 = tpu.memref_slice %arg5[%rem3A_100, %dma_start3A_139] : memref<4x128xi32, #tpu.memory_space<vmem>> -> memref<1x128xi32, #tpu.memory_space<vmem>>
      %dma_start3A_141 = tpu.memref_squeeze %dma_start3A_140 : memref<1x128xi32, #tpu.memory_space<vmem>> -> memref<128xi32, #tpu.memory_space<vmem>>
      %dma_start3A_142 = arith.constant 0 : i32
      %dma_start3A_143 = arith.constant 0 : i32
      %dma_start3A_144 = tpu.memref_slice %arg4[%dma_start3A_142, %dma_start3A_143] : memref<176128x128xf32, #tpu.memory_space<hbm>> -> memref<176128x128xf32, #tpu.memory_space<hbm>>
      tpu.enqueue_indirect_dma source(%dma_start3A_138 : memref<128x128xf32, #tpu.memory_space<vmem>>) target(%dma_start3A_144 : memref<176128x128xf32, #tpu.memory_space<hbm>>) offsets(%dma_start3A_141 : memref<128xi32, #tpu.memory_space<vmem>>) semaphore(%arg8 : memref<!tpu.dma_semaphore, #tpu.memory_space<semaphore_mem>>)
    }
    %sub3A = arith.constant 2 : i32
    %sub3A_73 = arith.subi %select_n3A, %sub3A : i32
    %rem3A = arith.constant 4 : i32
    %rem3A_74 = arith.remsi %sub3A_73, %rem3A : i32
    %dma_wait3A = arith.constant 0 : i32
    %dma_wait3A_75 = arith.constant 0 : i32
    %dma_wait3A_76 = tpu.memref_slice %arg6[%rem3A_74, %dma_wait3A, %dma_wait3A_75] : memref<4x128x128xf32, #tpu.memory_space<vmem>> -> memref<1x128x128xf32, #tpu.memory_space<vmem>>
    %dma_wait3A_77 = tpu.memref_squeeze %dma_wait3A_76 : memref<1x128x128xf32, #tpu.memory_space<vmem>> -> memref<128x128xf32, #tpu.memory_space<vmem>>
    %dma_wait3A_78 = arith.constant 0 : i32
    %dma_wait3A_79 = tpu.memref_slice %arg5[%rem3A_74, %dma_wait3A_78] : memref<4x128xi32, #tpu.memory_space<vmem>> -> memref<1x128xi32, #tpu.memory_space<vmem>>
    %dma_wait3A_80 = tpu.memref_squeeze %dma_wait3A_79 : memref<1x128xi32, #tpu.memory_space<vmem>> -> memref<128xi32, #tpu.memory_space<vmem>>
    %dma_wait3A_81 = arith.constant 0 : i32
    %dma_wait3A_82 = arith.constant 0 : i32
    %dma_wait3A_83 = tpu.memref_slice %arg4[%dma_wait3A_81, %dma_wait3A_82] : memref<176128x128xf32, #tpu.memory_space<hbm>> -> memref<176128x128xf32, #tpu.memory_space<hbm>>
    tpu.wait_indirect_dma semaphore(%arg8 : memref<!tpu.dma_semaphore, #tpu.memory_space<semaphore_mem>>) src(%dma_wait3A_77 : memref<128x128xf32, #tpu.memory_space<vmem>>) dst(%dma_wait3A_83 : memref<176128x128xf32, #tpu.memory_space<hbm>>)
    %sub3A_84 = arith.constant 1 : i32
    %sub3A_85 = arith.subi %select_n3A, %sub3A_84 : i32
    %rem3A_86 = arith.constant 4 : i32
    %rem3A_87 = arith.remsi %sub3A_85, %rem3A_86 : i32
    %dma_wait3A_88 = arith.constant 0 : i32
    %dma_wait3A_89 = arith.constant 0 : i32
    %dma_wait3A_90 = tpu.memref_slice %arg6[%rem3A_87, %dma_wait3A_88, %dma_wait3A_89] : memref<4x128x128xf32, #tpu.memory_space<vmem>> -> memref<1x128x128xf32, #tpu.memory_space<vmem>>
    %dma_wait3A_91 = tpu.memref_squeeze %dma_wait3A_90 : memref<1x128x128xf32, #tpu.memory_space<vmem>> -> memref<128x128xf32, #tpu.memory_space<vmem>>
    %dma_wait3A_92 = arith.constant 0 : i32
    %dma_wait3A_93 = tpu.memref_slice %arg5[%rem3A_87, %dma_wait3A_92] : memref<4x128xi32, #tpu.memory_space<vmem>> -> memref<1x128xi32, #tpu.memory_space<vmem>>
    %dma_wait3A_94 = tpu.memref_squeeze %dma_wait3A_93 : memref<1x128xi32, #tpu.memory_space<vmem>> -> memref<128xi32, #tpu.memory_space<vmem>>
    %dma_wait3A_95 = arith.constant 0 : i32
    %dma_wait3A_96 = arith.constant 0 : i32
    %dma_wait3A_97 = tpu.memref_slice %arg4[%dma_wait3A_95, %dma_wait3A_96] : memref<176128x128xf32, #tpu.memory_space<hbm>> -> memref<176128x128xf32, #tpu.memory_space<hbm>>
    tpu.wait_indirect_dma semaphore(%arg8 : memref<!tpu.dma_semaphore, #tpu.memory_space<semaphore_mem>>) src(%dma_wait3A_91 : memref<128x128xf32, #tpu.memory_space<vmem>>) dst(%dma_wait3A_97 : memref<176128x128xf32, #tpu.memory_space<hbm>>)
    return
  }
}

#map = affine_map<(d0, d1) -> (0, 0)>
module attributes {stable_mosaic.version = 14 : i64} {
  func.func @_gather_body(%arg0: i32, %arg1: i32, %arg2: memref<1250x128xi32, #tpu.memory_space<hbm>>, %arg3: memref<176128x128xf32, #tpu.memory_space<hbm>>, %arg4: memref<160000x128xf32, #tpu.memory_space<hbm>>, %arg5: memref<4x128xi32, #tpu.memory_space<vmem>>, %arg6: memref<4x128x128xf32, #tpu.memory_space<vmem>>, %arg7: memref<!tpu.dma_semaphore, #tpu.memory_space<semaphore_mem>>, %arg8: memref<!tpu.dma_semaphore, #tpu.memory_space<semaphore_mem>>, %arg9: memref<!tpu.dma_semaphore, #tpu.memory_space<semaphore_mem>>) attributes {dimension_semantics = [#tpu.dimension_semantics<core_parallel>, #tpu.dimension_semantics<subcore_parallel>], iteration_bounds = array<i64: 2, 16>, scalar_prefetch = 0 : i64, scratch_operands = 5 : i64, tpu.core_type = #tpu.core_type<sc_vector_subcore>, window_params = [{transform_indices = #map}, {transform_indices = #map}, {transform_indices = #map}]} {
    %mul3A = arith.constant 2 : i32
    %mul3A_0 = arith.muli %arg1, %mul3A : i32
    %add3A = arith.addi %mul3A_0, %arg0 : i32
    %mul3A_1 = arith.constant 39 : i32
    %mul3A_2 = arith.muli %add3A, %mul3A_1 : i32
    %eq3A = arith.constant 31 : i32
    %eq3A_3 = arith.cmpi eq, %add3A, %eq3A : i32
    %jit3A = arith.constant 41 : i32
    %jit3A_4 = arith.constant 39 : i32
    %select_n3A = arith.select %eq3A_3, %jit3A, %jit3A_4 : i32
    %add3A_5 = arith.constant 0 : i32
    %add3A_6 = arith.addi %mul3A_2, %add3A_5 : i32
    %dma_start3A = arith.constant 0 : i32
    %dma_start3A_7 = arith.constant 0 : i32
    %dma_start3A_8 = tpu.memref_slice %arg5[%dma_start3A, %dma_start3A_7] : memref<4x128xi32, #tpu.memory_space<vmem>> -> memref<1x128xi32, #tpu.memory_space<vmem>>
    %dma_start3A_9 = tpu.memref_squeeze %dma_start3A_8 : memref<1x128xi32, #tpu.memory_space<vmem>> -> memref<128xi32, #tpu.memory_space<vmem>>
    %dma_start3A_10 = arith.constant 0 : i32
    %dma_start3A_11 = tpu.memref_slice %arg2[%add3A_6, %dma_start3A_10] : memref<1250x128xi32, #tpu.memory_space<hbm>> -> memref<1x128xi32, #tpu.memory_space<hbm>>
    %dma_start3A_12 = tpu.memref_squeeze %dma_start3A_11 : memref<1x128xi32, #tpu.memory_space<hbm>> -> memref<128xi32, #tpu.memory_space<hbm>>
    %dma_start3A_13 = arith.constant 0 : i32
    %dma_start3A_14 = tpu.memref_slice %arg5[%dma_start3A, %dma_start3A_13] : memref<4x128xi32, #tpu.memory_space<vmem>> -> memref<1x128xi32, #tpu.memory_space<vmem>>
    %dma_start3A_15 = tpu.memref_squeeze %dma_start3A_14 : memref<1x128xi32, #tpu.memory_space<vmem>> -> memref<128xi32, #tpu.memory_space<vmem>>
    %dma_start3A_16 = arith.constant 0 : i32
    %dma_start3A_17 = tpu.memref_slice %arg2[%add3A_6, %dma_start3A_16] : memref<1250x128xi32, #tpu.memory_space<hbm>> -> memref<1x128xi32, #tpu.memory_space<hbm>>
    %dma_start3A_18 = tpu.memref_squeeze %dma_start3A_17 : memref<1x128xi32, #tpu.memory_space<hbm>> -> memref<128xi32, #tpu.memory_space<hbm>>
    tpu.enqueue_dma source(%dma_start3A_18 : memref<128xi32, #tpu.memory_space<hbm>>) target(%dma_start3A_15 : memref<128xi32, #tpu.memory_space<vmem>>) target_semaphore(%arg7 : memref<!tpu.dma_semaphore, #tpu.memory_space<semaphore_mem>>)
    %add3A_19 = arith.constant 1 : i32
    %add3A_20 = arith.addi %mul3A_2, %add3A_19 : i32
    %dma_start3A_21 = arith.constant 1 : i32
    %dma_start3A_22 = arith.constant 0 : i32
    %dma_start3A_23 = tpu.memref_slice %arg5[%dma_start3A_21, %dma_start3A_22] : memref<4x128xi32, #tpu.memory_space<vmem>> -> memref<1x128xi32, #tpu.memory_space<vmem>>
    %dma_start3A_24 = tpu.memref_squeeze %dma_start3A_23 : memref<1x128xi32, #tpu.memory_space<vmem>> -> memref<128xi32, #tpu.memory_space<vmem>>
    %dma_start3A_25 = arith.constant 0 : i32
    %dma_start3A_26 = tpu.memref_slice %arg2[%add3A_20, %dma_start3A_25] : memref<1250x128xi32, #tpu.memory_space<hbm>> -> memref<1x128xi32, #tpu.memory_space<hbm>>
    %dma_start3A_27 = tpu.memref_squeeze %dma_start3A_26 : memref<1x128xi32, #tpu.memory_space<hbm>> -> memref<128xi32, #tpu.memory_space<hbm>>
    %dma_start3A_28 = arith.constant 0 : i32
    %dma_start3A_29 = tpu.memref_slice %arg5[%dma_start3A_21, %dma_start3A_28] : memref<4x128xi32, #tpu.memory_space<vmem>> -> memref<1x128xi32, #tpu.memory_space<vmem>>
    %dma_start3A_30 = tpu.memref_squeeze %dma_start3A_29 : memref<1x128xi32, #tpu.memory_space<vmem>> -> memref<128xi32, #tpu.memory_space<vmem>>
    %dma_start3A_31 = arith.constant 0 : i32
    %dma_start3A_32 = tpu.memref_slice %arg2[%add3A_20, %dma_start3A_31] : memref<1250x128xi32, #tpu.memory_space<hbm>> -> memref<1x128xi32, #tpu.memory_space<hbm>>
    %dma_start3A_33 = tpu.memref_squeeze %dma_start3A_32 : memref<1x128xi32, #tpu.memory_space<hbm>> -> memref<128xi32, #tpu.memory_space<hbm>>
    tpu.enqueue_dma source(%dma_start3A_33 : memref<128xi32, #tpu.memory_space<hbm>>) target(%dma_start3A_30 : memref<128xi32, #tpu.memory_space<vmem>>) target_semaphore(%arg7 : memref<!tpu.dma_semaphore, #tpu.memory_space<semaphore_mem>>)
    %add3A_34 = arith.constant 0 : i32
    %add3A_35 = arith.addi %mul3A_2, %add3A_34 : i32
    %dma_wait3A = arith.constant 0 : i32
    %dma_wait3A_36 = arith.constant 0 : i32
    %dma_wait3A_37 = tpu.memref_slice %arg5[%dma_wait3A, %dma_wait3A_36] : memref<4x128xi32, #tpu.memory_space<vmem>> -> memref<1x128xi32, #tpu.memory_space<vmem>>
    %dma_wait3A_38 = tpu.memref_squeeze %dma_wait3A_37 : memref<1x128xi32, #tpu.memory_space<vmem>> -> memref<128xi32, #tpu.memory_space<vmem>>
    %dma_wait3A_39 = arith.constant 0 : i32
    %dma_wait3A_40 = tpu.memref_slice %arg2[%add3A_35, %dma_wait3A_39] : memref<1250x128xi32, #tpu.memory_space<hbm>> -> memref<1x128xi32, #tpu.memory_space<hbm>>
    %dma_wait3A_41 = tpu.memref_squeeze %dma_wait3A_40 : memref<1x128xi32, #tpu.memory_space<hbm>> -> memref<128xi32, #tpu.memory_space<hbm>>
    %dma_wait3A_42 = arith.constant 0 : i32
    %dma_wait3A_43 = tpu.memref_slice %arg5[%dma_wait3A, %dma_wait3A_42] : memref<4x128xi32, #tpu.memory_space<vmem>> -> memref<1x128xi32, #tpu.memory_space<vmem>>
    %dma_wait3A_44 = tpu.memref_squeeze %dma_wait3A_43 : memref<1x128xi32, #tpu.memory_space<vmem>> -> memref<128xi32, #tpu.memory_space<vmem>>
    %dma_wait3A_45 = arith.constant 0 : i32
    %dma_wait3A_46 = tpu.memref_slice %arg2[%add3A_35, %dma_wait3A_45] : memref<1250x128xi32, #tpu.memory_space<hbm>> -> memref<1x128xi32, #tpu.memory_space<hbm>>
    %dma_wait3A_47 = tpu.memref_squeeze %dma_wait3A_46 : memref<1x128xi32, #tpu.memory_space<hbm>> -> memref<128xi32, #tpu.memory_space<hbm>>
    tpu.wait_dma2 semaphore(%arg7 : memref<!tpu.dma_semaphore, #tpu.memory_space<semaphore_mem>>) src(%dma_wait3A_47 : memref<128xi32, #tpu.memory_space<hbm>>) dst(%dma_wait3A_44 : memref<128xi32, #tpu.memory_space<vmem>>)
    %dma_start3A_48 = arith.constant 0 : i32
    %dma_start3A_49 = arith.constant 0 : i32
    %dma_start3A_50 = arith.constant 0 : i32
    %dma_start3A_51 = arith.constant 0 : i32
    %dma_start3A_52 = tpu.memref_slice %arg6[%dma_start3A_49, %dma_start3A_50, %dma_start3A_51] : memref<4x128x128xf32, #tpu.memory_space<vmem>> -> memref<1x128x128xf32, #tpu.memory_space<vmem>>
    %dma_start3A_53 = tpu.memref_squeeze %dma_start3A_52 : memref<1x128x128xf32, #tpu.memory_space<vmem>> -> memref<128x128xf32, #tpu.memory_space<vmem>>
    %dma_start3A_54 = arith.constant 0 : i32
    %dma_start3A_55 = tpu.memref_slice %arg5[%dma_start3A_48, %dma_start3A_54] : memref<4x128xi32, #tpu.memory_space<vmem>> -> memref<1x128xi32, #tpu.memory_space<vmem>>
    %dma_start3A_56 = tpu.memref_squeeze %dma_start3A_55 : memref<1x128xi32, #tpu.memory_space<vmem>> -> memref<128xi32, #tpu.memory_space<vmem>>
    %dma_start3A_57 = arith.constant 0 : i32
    %dma_start3A_58 = arith.constant 0 : i32
    %dma_start3A_59 = tpu.memref_slice %arg3[%dma_start3A_57, %dma_start3A_58] : memref<176128x128xf32, #tpu.memory_space<hbm>> -> memref<176128x128xf32, #tpu.memory_space<hbm>>
    tpu.enqueue_indirect_dma source(%dma_start3A_59 : memref<176128x128xf32, #tpu.memory_space<hbm>>) target(%dma_start3A_53 : memref<128x128xf32, #tpu.memory_space<vmem>>) offsets(%dma_start3A_56 : memref<128xi32, #tpu.memory_space<vmem>>) semaphore(%arg8 : memref<!tpu.dma_semaphore, #tpu.memory_space<semaphore_mem>>)
    %while3A = arith.constant 0 : i32
    %while3A_60 = arith.constant 0 : i32
    %while3A_61 = arith.subi %select_n3A, %while3A_60 : i32
    %while3A_62 = arith.addi %while3A_60, %while3A_61 : i32
    %while3A_63 = arith.constant 1 : i32
    %while3A_64 = arith.divsi %while3A_61, %while3A_63 : i32
    %while3A_65 = arith.muli %while3A_64, %while3A_63 : i32
    %while3A_66 = arith.addi %while3A_60, %while3A_65 : i32
    %while3A_67 = arith.constant 1 : i32
    scf.for %while3A_109 = %while3A_60 to %while3A_66 step %while3A_67  : i32 {
      %rem3A_110 = arith.constant 4 : i32
      %rem3A_111 = arith.remsi %while3A_109, %rem3A_110 : i32
      %ge3A = arith.constant 2 : i32
      %ge3A_112 = arith.cmpi sge, %while3A_109, %ge3A : i32
      %convert_element_type3A = arith.extui %ge3A_112 : i1 to i32
      %cond3A = arith.constant 0 : i32
      %cond3A_113 = arith.cmpi ne, %convert_element_type3A, %cond3A : i32
      scf.if %cond3A_113 {
        %sub3A_150 = arith.constant 2 : i32
        %sub3A_151 = arith.subi %while3A_109, %sub3A_150 : i32
        %sub3A_152 = arith.constant 2 : i32
        %sub3A_153 = arith.subi %while3A_109, %sub3A_152 : i32
        %rem3A_154 = arith.constant 4 : i32
        %rem3A_155 = arith.remsi %sub3A_153, %rem3A_154 : i32
        %add3A_156 = arith.addi %mul3A_2, %sub3A_151 : i32
        %mul3A_157 = arith.constant 128 : i32
        %mul3A_158 = arith.muli %add3A_156, %mul3A_157 : i32
        %dma_wait3A_159 = arith.constant 0 : i32
        %dma_wait3A_160 = arith.constant 0 : i32
        %dma_wait3A_161 = tpu.memref_slice %arg6[%rem3A_155, %dma_wait3A_159, %dma_wait3A_160] : memref<4x128x128xf32, #tpu.memory_space<vmem>> -> memref<1x128x128xf32, #tpu.memory_space<vmem>>
        %dma_wait3A_162 = tpu.memref_squeeze %dma_wait3A_161 : memref<1x128x128xf32, #tpu.memory_space<vmem>> -> memref<128x128xf32, #tpu.memory_space<vmem>>
        %dma_wait3A_163 = arith.constant 0 : i32
        %dma_wait3A_164 = tpu.memref_slice %arg4[%mul3A_158, %dma_wait3A_163] : memref<160000x128xf32, #tpu.memory_space<hbm>> -> memref<128x128xf32, #tpu.memory_space<hbm>>
        %dma_wait3A_165 = arith.constant 0 : i32
        %dma_wait3A_166 = tpu.memref_slice %arg4[%mul3A_158, %dma_wait3A_165] : memref<160000x128xf32, #tpu.memory_space<hbm>> -> memref<128x128xf32, #tpu.memory_space<hbm>>
        %dma_wait3A_167 = arith.constant 0 : i32
        %dma_wait3A_168 = arith.constant 0 : i32
        %dma_wait3A_169 = tpu.memref_slice %arg6[%rem3A_155, %dma_wait3A_167, %dma_wait3A_168] : memref<4x128x128xf32, #tpu.memory_space<vmem>> -> memref<1x128x128xf32, #tpu.memory_space<vmem>>
        %dma_wait3A_170 = tpu.memref_squeeze %dma_wait3A_169 : memref<1x128x128xf32, #tpu.memory_space<vmem>> -> memref<128x128xf32, #tpu.memory_space<vmem>>
        tpu.wait_dma2 semaphore(%arg9 : memref<!tpu.dma_semaphore, #tpu.memory_space<semaphore_mem>>) src(%dma_wait3A_170 : memref<128x128xf32, #tpu.memory_space<vmem>>) dst(%dma_wait3A_166 : memref<128x128xf32, #tpu.memory_space<hbm>>)
      } else {
      }
      %add3A_114 = arith.constant 2 : i32
      %add3A_115 = arith.addi %while3A_109, %add3A_114 : i32
      %lt3A = arith.cmpi slt, %add3A_115, %select_n3A : i32
      %convert_element_type3A_116 = arith.extui %lt3A : i1 to i32
      %cond3A_117 = arith.constant 0 : i32
      %cond3A_118 = arith.cmpi ne, %convert_element_type3A_116, %cond3A_117 : i32
      scf.if %cond3A_118 {
        %add3A_150 = arith.constant 2 : i32
        %add3A_151 = arith.addi %while3A_109, %add3A_150 : i32
        %add3A_152 = arith.constant 2 : i32
        %add3A_153 = arith.addi %while3A_109, %add3A_152 : i32
        %rem3A_154 = arith.constant 4 : i32
        %rem3A_155 = arith.remsi %add3A_153, %rem3A_154 : i32
        %add3A_156 = arith.addi %mul3A_2, %add3A_151 : i32
        %dma_start3A_157 = arith.constant 0 : i32
        %dma_start3A_158 = tpu.memref_slice %arg5[%rem3A_155, %dma_start3A_157] : memref<4x128xi32, #tpu.memory_space<vmem>> -> memref<1x128xi32, #tpu.memory_space<vmem>>
        %dma_start3A_159 = tpu.memref_squeeze %dma_start3A_158 : memref<1x128xi32, #tpu.memory_space<vmem>> -> memref<128xi32, #tpu.memory_space<vmem>>
        %dma_start3A_160 = arith.constant 0 : i32
        %dma_start3A_161 = tpu.memref_slice %arg2[%add3A_156, %dma_start3A_160] : memref<1250x128xi32, #tpu.memory_space<hbm>> -> memref<1x128xi32, #tpu.memory_space<hbm>>
        %dma_start3A_162 = tpu.memref_squeeze %dma_start3A_161 : memref<1x128xi32, #tpu.memory_space<hbm>> -> memref<128xi32, #tpu.memory_space<hbm>>
        %dma_start3A_163 = arith.constant 0 : i32
        %dma_start3A_164 = tpu.memref_slice %arg5[%rem3A_155, %dma_start3A_163] : memref<4x128xi32, #tpu.memory_space<vmem>> -> memref<1x128xi32, #tpu.memory_space<vmem>>
        %dma_start3A_165 = tpu.memref_squeeze %dma_start3A_164 : memref<1x128xi32, #tpu.memory_space<vmem>> -> memref<128xi32, #tpu.memory_space<vmem>>
        %dma_start3A_166 = arith.constant 0 : i32
        %dma_start3A_167 = tpu.memref_slice %arg2[%add3A_156, %dma_start3A_166] : memref<1250x128xi32, #tpu.memory_space<hbm>> -> memref<1x128xi32, #tpu.memory_space<hbm>>
        %dma_start3A_168 = tpu.memref_squeeze %dma_start3A_167 : memref<1x128xi32, #tpu.memory_space<hbm>> -> memref<128xi32, #tpu.memory_space<hbm>>
        tpu.enqueue_dma source(%dma_start3A_168 : memref<128xi32, #tpu.memory_space<hbm>>) target(%dma_start3A_165 : memref<128xi32, #tpu.memory_space<vmem>>) target_semaphore(%arg7 : memref<!tpu.dma_semaphore, #tpu.memory_space<semaphore_mem>>)
      } else {
      }
      %add3A_119 = arith.constant 1 : i32
      %add3A_120 = arith.addi %while3A_109, %add3A_119 : i32
      %lt3A_121 = arith.cmpi slt, %add3A_120, %select_n3A : i32
      %convert_element_type3A_122 = arith.extui %lt3A_121 : i1 to i32
      %cond3A_123 = arith.constant 0 : i32
      %cond3A_124 = arith.cmpi ne, %convert_element_type3A_122, %cond3A_123 : i32
      scf.if %cond3A_124 {
        %add3A_150 = arith.constant 1 : i32
        %add3A_151 = arith.addi %while3A_109, %add3A_150 : i32
        %rem3A_152 = arith.constant 4 : i32
        %rem3A_153 = arith.remsi %add3A_151, %rem3A_152 : i32
        %add3A_154 = arith.constant 1 : i32
        %add3A_155 = arith.addi %while3A_109, %add3A_154 : i32
        %add3A_156 = arith.addi %mul3A_2, %add3A_155 : i32
        %dma_wait3A_157 = arith.constant 0 : i32
        %dma_wait3A_158 = tpu.memref_slice %arg5[%rem3A_153, %dma_wait3A_157] : memref<4x128xi32, #tpu.memory_space<vmem>> -> memref<1x128xi32, #tpu.memory_space<vmem>>
        %dma_wait3A_159 = tpu.memref_squeeze %dma_wait3A_158 : memref<1x128xi32, #tpu.memory_space<vmem>> -> memref<128xi32, #tpu.memory_space<vmem>>
        %dma_wait3A_160 = arith.constant 0 : i32
        %dma_wait3A_161 = tpu.memref_slice %arg2[%add3A_156, %dma_wait3A_160] : memref<1250x128xi32, #tpu.memory_space<hbm>> -> memref<1x128xi32, #tpu.memory_space<hbm>>
        %dma_wait3A_162 = tpu.memref_squeeze %dma_wait3A_161 : memref<1x128xi32, #tpu.memory_space<hbm>> -> memref<128xi32, #tpu.memory_space<hbm>>
        %dma_wait3A_163 = arith.constant 0 : i32
        %dma_wait3A_164 = tpu.memref_slice %arg5[%rem3A_153, %dma_wait3A_163] : memref<4x128xi32, #tpu.memory_space<vmem>> -> memref<1x128xi32, #tpu.memory_space<vmem>>
        %dma_wait3A_165 = tpu.memref_squeeze %dma_wait3A_164 : memref<1x128xi32, #tpu.memory_space<vmem>> -> memref<128xi32, #tpu.memory_space<vmem>>
        %dma_wait3A_166 = arith.constant 0 : i32
        %dma_wait3A_167 = tpu.memref_slice %arg2[%add3A_156, %dma_wait3A_166] : memref<1250x128xi32, #tpu.memory_space<hbm>> -> memref<1x128xi32, #tpu.memory_space<hbm>>
        %dma_wait3A_168 = tpu.memref_squeeze %dma_wait3A_167 : memref<1x128xi32, #tpu.memory_space<hbm>> -> memref<128xi32, #tpu.memory_space<hbm>>
        tpu.wait_dma2 semaphore(%arg7 : memref<!tpu.dma_semaphore, #tpu.memory_space<semaphore_mem>>) src(%dma_wait3A_168 : memref<128xi32, #tpu.memory_space<hbm>>) dst(%dma_wait3A_165 : memref<128xi32, #tpu.memory_space<vmem>>)
        %dma_start3A_169 = arith.constant 0 : i32
        %dma_start3A_170 = arith.constant 0 : i32
        %dma_start3A_171 = tpu.memref_slice %arg6[%rem3A_153, %dma_start3A_169, %dma_start3A_170] : memref<4x128x128xf32, #tpu.memory_space<vmem>> -> memref<1x128x128xf32, #tpu.memory_space<vmem>>
        %dma_start3A_172 = tpu.memref_squeeze %dma_start3A_171 : memref<1x128x128xf32, #tpu.memory_space<vmem>> -> memref<128x128xf32, #tpu.memory_space<vmem>>
        %dma_start3A_173 = arith.constant 0 : i32
        %dma_start3A_174 = tpu.memref_slice %arg5[%rem3A_153, %dma_start3A_173] : memref<4x128xi32, #tpu.memory_space<vmem>> -> memref<1x128xi32, #tpu.memory_space<vmem>>
        %dma_start3A_175 = tpu.memref_squeeze %dma_start3A_174 : memref<1x128xi32, #tpu.memory_space<vmem>> -> memref<128xi32, #tpu.memory_space<vmem>>
        %dma_start3A_176 = arith.constant 0 : i32
        %dma_start3A_177 = arith.constant 0 : i32
        %dma_start3A_178 = tpu.memref_slice %arg3[%dma_start3A_176, %dma_start3A_177] : memref<176128x128xf32, #tpu.memory_space<hbm>> -> memref<176128x128xf32, #tpu.memory_space<hbm>>
        tpu.enqueue_indirect_dma source(%dma_start3A_178 : memref<176128x128xf32, #tpu.memory_space<hbm>>) target(%dma_start3A_172 : memref<128x128xf32, #tpu.memory_space<vmem>>) offsets(%dma_start3A_175 : memref<128xi32, #tpu.memory_space<vmem>>) semaphore(%arg8 : memref<!tpu.dma_semaphore, #tpu.memory_space<semaphore_mem>>)
      } else {
      }
      %dma_wait3A_125 = arith.constant 0 : i32
      %dma_wait3A_126 = arith.constant 0 : i32
      %dma_wait3A_127 = tpu.memref_slice %arg6[%rem3A_111, %dma_wait3A_125, %dma_wait3A_126] : memref<4x128x128xf32, #tpu.memory_space<vmem>> -> memref<1x128x128xf32, #tpu.memory_space<vmem>>
      %dma_wait3A_128 = tpu.memref_squeeze %dma_wait3A_127 : memref<1x128x128xf32, #tpu.memory_space<vmem>> -> memref<128x128xf32, #tpu.memory_space<vmem>>
      %dma_wait3A_129 = arith.constant 0 : i32
      %dma_wait3A_130 = tpu.memref_slice %arg5[%rem3A_111, %dma_wait3A_129] : memref<4x128xi32, #tpu.memory_space<vmem>> -> memref<1x128xi32, #tpu.memory_space<vmem>>
      %dma_wait3A_131 = tpu.memref_squeeze %dma_wait3A_130 : memref<1x128xi32, #tpu.memory_space<vmem>> -> memref<128xi32, #tpu.memory_space<vmem>>
      %dma_wait3A_132 = arith.constant 0 : i32
      %dma_wait3A_133 = arith.constant 0 : i32
      %dma_wait3A_134 = tpu.memref_slice %arg3[%dma_wait3A_132, %dma_wait3A_133] : memref<176128x128xf32, #tpu.memory_space<hbm>> -> memref<176128x128xf32, #tpu.memory_space<hbm>>
      tpu.wait_indirect_dma semaphore(%arg8 : memref<!tpu.dma_semaphore, #tpu.memory_space<semaphore_mem>>) src(%dma_wait3A_134 : memref<176128x128xf32, #tpu.memory_space<hbm>>) dst(%dma_wait3A_128 : memref<128x128xf32, #tpu.memory_space<vmem>>)
      %add3A_135 = arith.addi %mul3A_2, %while3A_109 : i32
      %mul3A_136 = arith.constant 128 : i32
      %mul3A_137 = arith.muli %add3A_135, %mul3A_136 : i32
      %dma_start3A_138 = arith.constant 0 : i32
      %dma_start3A_139 = arith.constant 0 : i32
      %dma_start3A_140 = tpu.memref_slice %arg6[%rem3A_111, %dma_start3A_138, %dma_start3A_139] : memref<4x128x128xf32, #tpu.memory_space<vmem>> -> memref<1x128x128xf32, #tpu.memory_space<vmem>>
      %dma_start3A_141 = tpu.memref_squeeze %dma_start3A_140 : memref<1x128x128xf32, #tpu.memory_space<vmem>> -> memref<128x128xf32, #tpu.memory_space<vmem>>
      %dma_start3A_142 = arith.constant 0 : i32
      %dma_start3A_143 = tpu.memref_slice %arg4[%mul3A_137, %dma_start3A_142] : memref<160000x128xf32, #tpu.memory_space<hbm>> -> memref<128x128xf32, #tpu.memory_space<hbm>>
      %dma_start3A_144 = arith.constant 0 : i32
      %dma_start3A_145 = tpu.memref_slice %arg4[%mul3A_137, %dma_start3A_144] : memref<160000x128xf32, #tpu.memory_space<hbm>> -> memref<128x128xf32, #tpu.memory_space<hbm>>
      %dma_start3A_146 = arith.constant 0 : i32
      %dma_start3A_147 = arith.constant 0 : i32
      %dma_start3A_148 = tpu.memref_slice %arg6[%rem3A_111, %dma_start3A_146, %dma_start3A_147] : memref<4x128x128xf32, #tpu.memory_space<vmem>> -> memref<1x128x128xf32, #tpu.memory_space<vmem>>
      %dma_start3A_149 = tpu.memref_squeeze %dma_start3A_148 : memref<1x128x128xf32, #tpu.memory_space<vmem>> -> memref<128x128xf32, #tpu.memory_space<vmem>>
      tpu.enqueue_dma source(%dma_start3A_149 : memref<128x128xf32, #tpu.memory_space<vmem>>) target(%dma_start3A_145 : memref<128x128xf32, #tpu.memory_space<hbm>>) target_semaphore(%arg9 : memref<!tpu.dma_semaphore, #tpu.memory_space<semaphore_mem>>)
    }
    %while3A_68 = arith.constant 1 : i32
    scf.for %while3A_109 = %while3A_66 to %while3A_62 step %while3A_68  : i32 {
      %rem3A_110 = arith.constant 4 : i32
      %rem3A_111 = arith.remsi %while3A_109, %rem3A_110 : i32
      %ge3A = arith.constant 2 : i32
      %ge3A_112 = arith.cmpi sge, %while3A_109, %ge3A : i32
      %convert_element_type3A = arith.extui %ge3A_112 : i1 to i32
      %cond3A = arith.constant 0 : i32
      %cond3A_113 = arith.cmpi ne, %convert_element_type3A, %cond3A : i32
      scf.if %cond3A_113 {
        %sub3A_150 = arith.constant 2 : i32
        %sub3A_151 = arith.subi %while3A_109, %sub3A_150 : i32
        %sub3A_152 = arith.constant 2 : i32
        %sub3A_153 = arith.subi %while3A_109, %sub3A_152 : i32
        %rem3A_154 = arith.constant 4 : i32
        %rem3A_155 = arith.remsi %sub3A_153, %rem3A_154 : i32
        %add3A_156 = arith.addi %mul3A_2, %sub3A_151 : i32
        %mul3A_157 = arith.constant 128 : i32
        %mul3A_158 = arith.muli %add3A_156, %mul3A_157 : i32
        %dma_wait3A_159 = arith.constant 0 : i32
        %dma_wait3A_160 = arith.constant 0 : i32
        %dma_wait3A_161 = tpu.memref_slice %arg6[%rem3A_155, %dma_wait3A_159, %dma_wait3A_160] : memref<4x128x128xf32, #tpu.memory_space<vmem>> -> memref<1x128x128xf32, #tpu.memory_space<vmem>>
        %dma_wait3A_162 = tpu.memref_squeeze %dma_wait3A_161 : memref<1x128x128xf32, #tpu.memory_space<vmem>> -> memref<128x128xf32, #tpu.memory_space<vmem>>
        %dma_wait3A_163 = arith.constant 0 : i32
        %dma_wait3A_164 = tpu.memref_slice %arg4[%mul3A_158, %dma_wait3A_163] : memref<160000x128xf32, #tpu.memory_space<hbm>> -> memref<128x128xf32, #tpu.memory_space<hbm>>
        %dma_wait3A_165 = arith.constant 0 : i32
        %dma_wait3A_166 = tpu.memref_slice %arg4[%mul3A_158, %dma_wait3A_165] : memref<160000x128xf32, #tpu.memory_space<hbm>> -> memref<128x128xf32, #tpu.memory_space<hbm>>
        %dma_wait3A_167 = arith.constant 0 : i32
        %dma_wait3A_168 = arith.constant 0 : i32
        %dma_wait3A_169 = tpu.memref_slice %arg6[%rem3A_155, %dma_wait3A_167, %dma_wait3A_168] : memref<4x128x128xf32, #tpu.memory_space<vmem>> -> memref<1x128x128xf32, #tpu.memory_space<vmem>>
        %dma_wait3A_170 = tpu.memref_squeeze %dma_wait3A_169 : memref<1x128x128xf32, #tpu.memory_space<vmem>> -> memref<128x128xf32, #tpu.memory_space<vmem>>
        tpu.wait_dma2 semaphore(%arg9 : memref<!tpu.dma_semaphore, #tpu.memory_space<semaphore_mem>>) src(%dma_wait3A_170 : memref<128x128xf32, #tpu.memory_space<vmem>>) dst(%dma_wait3A_166 : memref<128x128xf32, #tpu.memory_space<hbm>>)
      } else {
      }
      %add3A_114 = arith.constant 2 : i32
      %add3A_115 = arith.addi %while3A_109, %add3A_114 : i32
      %lt3A = arith.cmpi slt, %add3A_115, %select_n3A : i32
      %convert_element_type3A_116 = arith.extui %lt3A : i1 to i32
      %cond3A_117 = arith.constant 0 : i32
      %cond3A_118 = arith.cmpi ne, %convert_element_type3A_116, %cond3A_117 : i32
      scf.if %cond3A_118 {
        %add3A_150 = arith.constant 2 : i32
        %add3A_151 = arith.addi %while3A_109, %add3A_150 : i32
        %add3A_152 = arith.constant 2 : i32
        %add3A_153 = arith.addi %while3A_109, %add3A_152 : i32
        %rem3A_154 = arith.constant 4 : i32
        %rem3A_155 = arith.remsi %add3A_153, %rem3A_154 : i32
        %add3A_156 = arith.addi %mul3A_2, %add3A_151 : i32
        %dma_start3A_157 = arith.constant 0 : i32
        %dma_start3A_158 = tpu.memref_slice %arg5[%rem3A_155, %dma_start3A_157] : memref<4x128xi32, #tpu.memory_space<vmem>> -> memref<1x128xi32, #tpu.memory_space<vmem>>
        %dma_start3A_159 = tpu.memref_squeeze %dma_start3A_158 : memref<1x128xi32, #tpu.memory_space<vmem>> -> memref<128xi32, #tpu.memory_space<vmem>>
        %dma_start3A_160 = arith.constant 0 : i32
        %dma_start3A_161 = tpu.memref_slice %arg2[%add3A_156, %dma_start3A_160] : memref<1250x128xi32, #tpu.memory_space<hbm>> -> memref<1x128xi32, #tpu.memory_space<hbm>>
        %dma_start3A_162 = tpu.memref_squeeze %dma_start3A_161 : memref<1x128xi32, #tpu.memory_space<hbm>> -> memref<128xi32, #tpu.memory_space<hbm>>
        %dma_start3A_163 = arith.constant 0 : i32
        %dma_start3A_164 = tpu.memref_slice %arg5[%rem3A_155, %dma_start3A_163] : memref<4x128xi32, #tpu.memory_space<vmem>> -> memref<1x128xi32, #tpu.memory_space<vmem>>
        %dma_start3A_165 = tpu.memref_squeeze %dma_start3A_164 : memref<1x128xi32, #tpu.memory_space<vmem>> -> memref<128xi32, #tpu.memory_space<vmem>>
        %dma_start3A_166 = arith.constant 0 : i32
        %dma_start3A_167 = tpu.memref_slice %arg2[%add3A_156, %dma_start3A_166] : memref<1250x128xi32, #tpu.memory_space<hbm>> -> memref<1x128xi32, #tpu.memory_space<hbm>>
        %dma_start3A_168 = tpu.memref_squeeze %dma_start3A_167 : memref<1x128xi32, #tpu.memory_space<hbm>> -> memref<128xi32, #tpu.memory_space<hbm>>
        tpu.enqueue_dma source(%dma_start3A_168 : memref<128xi32, #tpu.memory_space<hbm>>) target(%dma_start3A_165 : memref<128xi32, #tpu.memory_space<vmem>>) target_semaphore(%arg7 : memref<!tpu.dma_semaphore, #tpu.memory_space<semaphore_mem>>)
      } else {
      }
      %add3A_119 = arith.constant 1 : i32
      %add3A_120 = arith.addi %while3A_109, %add3A_119 : i32
      %lt3A_121 = arith.cmpi slt, %add3A_120, %select_n3A : i32
      %convert_element_type3A_122 = arith.extui %lt3A_121 : i1 to i32
      %cond3A_123 = arith.constant 0 : i32
      %cond3A_124 = arith.cmpi ne, %convert_element_type3A_122, %cond3A_123 : i32
      scf.if %cond3A_124 {
        %add3A_150 = arith.constant 1 : i32
        %add3A_151 = arith.addi %while3A_109, %add3A_150 : i32
        %rem3A_152 = arith.constant 4 : i32
        %rem3A_153 = arith.remsi %add3A_151, %rem3A_152 : i32
        %add3A_154 = arith.constant 1 : i32
        %add3A_155 = arith.addi %while3A_109, %add3A_154 : i32
        %add3A_156 = arith.addi %mul3A_2, %add3A_155 : i32
        %dma_wait3A_157 = arith.constant 0 : i32
        %dma_wait3A_158 = tpu.memref_slice %arg5[%rem3A_153, %dma_wait3A_157] : memref<4x128xi32, #tpu.memory_space<vmem>> -> memref<1x128xi32, #tpu.memory_space<vmem>>
        %dma_wait3A_159 = tpu.memref_squeeze %dma_wait3A_158 : memref<1x128xi32, #tpu.memory_space<vmem>> -> memref<128xi32, #tpu.memory_space<vmem>>
        %dma_wait3A_160 = arith.constant 0 : i32
        %dma_wait3A_161 = tpu.memref_slice %arg2[%add3A_156, %dma_wait3A_160] : memref<1250x128xi32, #tpu.memory_space<hbm>> -> memref<1x128xi32, #tpu.memory_space<hbm>>
        %dma_wait3A_162 = tpu.memref_squeeze %dma_wait3A_161 : memref<1x128xi32, #tpu.memory_space<hbm>> -> memref<128xi32, #tpu.memory_space<hbm>>
        %dma_wait3A_163 = arith.constant 0 : i32
        %dma_wait3A_164 = tpu.memref_slice %arg5[%rem3A_153, %dma_wait3A_163] : memref<4x128xi32, #tpu.memory_space<vmem>> -> memref<1x128xi32, #tpu.memory_space<vmem>>
        %dma_wait3A_165 = tpu.memref_squeeze %dma_wait3A_164 : memref<1x128xi32, #tpu.memory_space<vmem>> -> memref<128xi32, #tpu.memory_space<vmem>>
        %dma_wait3A_166 = arith.constant 0 : i32
        %dma_wait3A_167 = tpu.memref_slice %arg2[%add3A_156, %dma_wait3A_166] : memref<1250x128xi32, #tpu.memory_space<hbm>> -> memref<1x128xi32, #tpu.memory_space<hbm>>
        %dma_wait3A_168 = tpu.memref_squeeze %dma_wait3A_167 : memref<1x128xi32, #tpu.memory_space<hbm>> -> memref<128xi32, #tpu.memory_space<hbm>>
        tpu.wait_dma2 semaphore(%arg7 : memref<!tpu.dma_semaphore, #tpu.memory_space<semaphore_mem>>) src(%dma_wait3A_168 : memref<128xi32, #tpu.memory_space<hbm>>) dst(%dma_wait3A_165 : memref<128xi32, #tpu.memory_space<vmem>>)
        %dma_start3A_169 = arith.constant 0 : i32
        %dma_start3A_170 = arith.constant 0 : i32
        %dma_start3A_171 = tpu.memref_slice %arg6[%rem3A_153, %dma_start3A_169, %dma_start3A_170] : memref<4x128x128xf32, #tpu.memory_space<vmem>> -> memref<1x128x128xf32, #tpu.memory_space<vmem>>
        %dma_start3A_172 = tpu.memref_squeeze %dma_start3A_171 : memref<1x128x128xf32, #tpu.memory_space<vmem>> -> memref<128x128xf32, #tpu.memory_space<vmem>>
        %dma_start3A_173 = arith.constant 0 : i32
        %dma_start3A_174 = tpu.memref_slice %arg5[%rem3A_153, %dma_start3A_173] : memref<4x128xi32, #tpu.memory_space<vmem>> -> memref<1x128xi32, #tpu.memory_space<vmem>>
        %dma_start3A_175 = tpu.memref_squeeze %dma_start3A_174 : memref<1x128xi32, #tpu.memory_space<vmem>> -> memref<128xi32, #tpu.memory_space<vmem>>
        %dma_start3A_176 = arith.constant 0 : i32
        %dma_start3A_177 = arith.constant 0 : i32
        %dma_start3A_178 = tpu.memref_slice %arg3[%dma_start3A_176, %dma_start3A_177] : memref<176128x128xf32, #tpu.memory_space<hbm>> -> memref<176128x128xf32, #tpu.memory_space<hbm>>
        tpu.enqueue_indirect_dma source(%dma_start3A_178 : memref<176128x128xf32, #tpu.memory_space<hbm>>) target(%dma_start3A_172 : memref<128x128xf32, #tpu.memory_space<vmem>>) offsets(%dma_start3A_175 : memref<128xi32, #tpu.memory_space<vmem>>) semaphore(%arg8 : memref<!tpu.dma_semaphore, #tpu.memory_space<semaphore_mem>>)
      } else {
      }
      %dma_wait3A_125 = arith.constant 0 : i32
      %dma_wait3A_126 = arith.constant 0 : i32
      %dma_wait3A_127 = tpu.memref_slice %arg6[%rem3A_111, %dma_wait3A_125, %dma_wait3A_126] : memref<4x128x128xf32, #tpu.memory_space<vmem>> -> memref<1x128x128xf32, #tpu.memory_space<vmem>>
      %dma_wait3A_128 = tpu.memref_squeeze %dma_wait3A_127 : memref<1x128x128xf32, #tpu.memory_space<vmem>> -> memref<128x128xf32, #tpu.memory_space<vmem>>
      %dma_wait3A_129 = arith.constant 0 : i32
      %dma_wait3A_130 = tpu.memref_slice %arg5[%rem3A_111, %dma_wait3A_129] : memref<4x128xi32, #tpu.memory_space<vmem>> -> memref<1x128xi32, #tpu.memory_space<vmem>>
      %dma_wait3A_131 = tpu.memref_squeeze %dma_wait3A_130 : memref<1x128xi32, #tpu.memory_space<vmem>> -> memref<128xi32, #tpu.memory_space<vmem>>
      %dma_wait3A_132 = arith.constant 0 : i32
      %dma_wait3A_133 = arith.constant 0 : i32
      %dma_wait3A_134 = tpu.memref_slice %arg3[%dma_wait3A_132, %dma_wait3A_133] : memref<176128x128xf32, #tpu.memory_space<hbm>> -> memref<176128x128xf32, #tpu.memory_space<hbm>>
      tpu.wait_indirect_dma semaphore(%arg8 : memref<!tpu.dma_semaphore, #tpu.memory_space<semaphore_mem>>) src(%dma_wait3A_134 : memref<176128x128xf32, #tpu.memory_space<hbm>>) dst(%dma_wait3A_128 : memref<128x128xf32, #tpu.memory_space<vmem>>)
      %add3A_135 = arith.addi %mul3A_2, %while3A_109 : i32
      %mul3A_136 = arith.constant 128 : i32
      %mul3A_137 = arith.muli %add3A_135, %mul3A_136 : i32
      %dma_start3A_138 = arith.constant 0 : i32
      %dma_start3A_139 = arith.constant 0 : i32
      %dma_start3A_140 = tpu.memref_slice %arg6[%rem3A_111, %dma_start3A_138, %dma_start3A_139] : memref<4x128x128xf32, #tpu.memory_space<vmem>> -> memref<1x128x128xf32, #tpu.memory_space<vmem>>
      %dma_start3A_141 = tpu.memref_squeeze %dma_start3A_140 : memref<1x128x128xf32, #tpu.memory_space<vmem>> -> memref<128x128xf32, #tpu.memory_space<vmem>>
      %dma_start3A_142 = arith.constant 0 : i32
      %dma_start3A_143 = tpu.memref_slice %arg4[%mul3A_137, %dma_start3A_142] : memref<160000x128xf32, #tpu.memory_space<hbm>> -> memref<128x128xf32, #tpu.memory_space<hbm>>
      %dma_start3A_144 = arith.constant 0 : i32
      %dma_start3A_145 = tpu.memref_slice %arg4[%mul3A_137, %dma_start3A_144] : memref<160000x128xf32, #tpu.memory_space<hbm>> -> memref<128x128xf32, #tpu.memory_space<hbm>>
      %dma_start3A_146 = arith.constant 0 : i32
      %dma_start3A_147 = arith.constant 0 : i32
      %dma_start3A_148 = tpu.memref_slice %arg6[%rem3A_111, %dma_start3A_146, %dma_start3A_147] : memref<4x128x128xf32, #tpu.memory_space<vmem>> -> memref<1x128x128xf32, #tpu.memory_space<vmem>>
      %dma_start3A_149 = tpu.memref_squeeze %dma_start3A_148 : memref<1x128x128xf32, #tpu.memory_space<vmem>> -> memref<128x128xf32, #tpu.memory_space<vmem>>
      tpu.enqueue_dma source(%dma_start3A_149 : memref<128x128xf32, #tpu.memory_space<vmem>>) target(%dma_start3A_145 : memref<128x128xf32, #tpu.memory_space<hbm>>) target_semaphore(%arg9 : memref<!tpu.dma_semaphore, #tpu.memory_space<semaphore_mem>>)
    }
    %sub3A = arith.constant 2 : i32
    %sub3A_69 = arith.subi %select_n3A, %sub3A : i32
    %sub3A_70 = arith.constant 2 : i32
    %sub3A_71 = arith.subi %select_n3A, %sub3A_70 : i32
    %rem3A = arith.constant 4 : i32
    %rem3A_72 = arith.remsi %sub3A_71, %rem3A : i32
    %add3A_73 = arith.addi %mul3A_2, %sub3A_69 : i32
    %mul3A_74 = arith.constant 128 : i32
    %mul3A_75 = arith.muli %add3A_73, %mul3A_74 : i32
    %dma_wait3A_76 = arith.constant 0 : i32
    %dma_wait3A_77 = arith.constant 0 : i32
    %dma_wait3A_78 = tpu.memref_slice %arg6[%rem3A_72, %dma_wait3A_76, %dma_wait3A_77] : memref<4x128x128xf32, #tpu.memory_space<vmem>> -> memref<1x128x128xf32, #tpu.memory_space<vmem>>
    %dma_wait3A_79 = tpu.memref_squeeze %dma_wait3A_78 : memref<1x128x128xf32, #tpu.memory_space<vmem>> -> memref<128x128xf32, #tpu.memory_space<vmem>>
    %dma_wait3A_80 = arith.constant 0 : i32
    %dma_wait3A_81 = tpu.memref_slice %arg4[%mul3A_75, %dma_wait3A_80] : memref<160000x128xf32, #tpu.memory_space<hbm>> -> memref<128x128xf32, #tpu.memory_space<hbm>>
    %dma_wait3A_82 = arith.constant 0 : i32
    %dma_wait3A_83 = tpu.memref_slice %arg4[%mul3A_75, %dma_wait3A_82] : memref<160000x128xf32, #tpu.memory_space<hbm>> -> memref<128x128xf32, #tpu.memory_space<hbm>>
    %dma_wait3A_84 = arith.constant 0 : i32
    %dma_wait3A_85 = arith.constant 0 : i32
    %dma_wait3A_86 = tpu.memref_slice %arg6[%rem3A_72, %dma_wait3A_84, %dma_wait3A_85] : memref<4x128x128xf32, #tpu.memory_space<vmem>> -> memref<1x128x128xf32, #tpu.memory_space<vmem>>
    %dma_wait3A_87 = tpu.memref_squeeze %dma_wait3A_86 : memref<1x128x128xf32, #tpu.memory_space<vmem>> -> memref<128x128xf32, #tpu.memory_space<vmem>>
    tpu.wait_dma2 semaphore(%arg9 : memref<!tpu.dma_semaphore, #tpu.memory_space<semaphore_mem>>) src(%dma_wait3A_87 : memref<128x128xf32, #tpu.memory_space<vmem>>) dst(%dma_wait3A_83 : memref<128x128xf32, #tpu.memory_space<hbm>>)
    %sub3A_88 = arith.constant 1 : i32
    %sub3A_89 = arith.subi %select_n3A, %sub3A_88 : i32
    %sub3A_90 = arith.constant 1 : i32
    %sub3A_91 = arith.subi %select_n3A, %sub3A_90 : i32
    %rem3A_92 = arith.constant 4 : i32
    %rem3A_93 = arith.remsi %sub3A_91, %rem3A_92 : i32
    %add3A_94 = arith.addi %mul3A_2, %sub3A_89 : i32
    %mul3A_95 = arith.constant 128 : i32
    %mul3A_96 = arith.muli %add3A_94, %mul3A_95 : i32
    %dma_wait3A_97 = arith.constant 0 : i32
    %dma_wait3A_98 = arith.constant 0 : i32
    %dma_wait3A_99 = tpu.memref_slice %arg6[%rem3A_93, %dma_wait3A_97, %dma_wait3A_98] : memref<4x128x128xf32, #tpu.memory_space<vmem>> -> memref<1x128x128xf32, #tpu.memory_space<vmem>>
    %dma_wait3A_100 = tpu.memref_squeeze %dma_wait3A_99 : memref<1x128x128xf32, #tpu.memory_space<vmem>> -> memref<128x128xf32, #tpu.memory_space<vmem>>
    %dma_wait3A_101 = arith.constant 0 : i32
    %dma_wait3A_102 = tpu.memref_slice %arg4[%mul3A_96, %dma_wait3A_101] : memref<160000x128xf32, #tpu.memory_space<hbm>> -> memref<128x128xf32, #tpu.memory_space<hbm>>
    %dma_wait3A_103 = arith.constant 0 : i32
    %dma_wait3A_104 = tpu.memref_slice %arg4[%mul3A_96, %dma_wait3A_103] : memref<160000x128xf32, #tpu.memory_space<hbm>> -> memref<128x128xf32, #tpu.memory_space<hbm>>
    %dma_wait3A_105 = arith.constant 0 : i32
    %dma_wait3A_106 = arith.constant 0 : i32
    %dma_wait3A_107 = tpu.memref_slice %arg6[%rem3A_93, %dma_wait3A_105, %dma_wait3A_106] : memref<4x128x128xf32, #tpu.memory_space<vmem>> -> memref<1x128x128xf32, #tpu.memory_space<vmem>>
    %dma_wait3A_108 = tpu.memref_squeeze %dma_wait3A_107 : memref<1x128x128xf32, #tpu.memory_space<vmem>> -> memref<128x128xf32, #tpu.memory_space<vmem>>
    tpu.wait_dma2 semaphore(%arg9 : memref<!tpu.dma_semaphore, #tpu.memory_space<semaphore_mem>>) src(%dma_wait3A_108 : memref<128x128xf32, #tpu.memory_space<vmem>>) dst(%dma_wait3A_104 : memref<128x128xf32, #tpu.memory_space<hbm>>)
    return
  }
}

module attributes {stable_mosaic.version = 14 : i64} {
  func.func @_route_kernel(%arg0: memref<1250x128xi32, #tpu.memory_space<vmem>>, %arg1: memref<1250x128xi32, #tpu.memory_space<vmem>>, %arg2: memref<8x128xi32, #tpu.memory_space<vmem>>) attributes {dimension_semantics = [], scalar_prefetch = 0 : i64, scratch_operands = 0 : i64, tpu.core_type = #tpu.core_type<tc>} {
    %get3A = arith.constant 0 : index
    %get3A_0 = arith.constant 0 : index
    %get3A_1 = vector.load %arg0[%get3A, %get3A_0] : memref<1250x128xi32, #tpu.memory_space<vmem>>, vector<1250x128xi32>
    %eq3A = arith.constant 0 : i32
    %eq3A_2 = vector.broadcast %eq3A : i32 to vector<1250x128xi32>
    %eq3A_3 = arith.cmpi eq, %get3A_1, %eq3A_2 : vector<1250x128xi32>
    %convert_element_type3A = arith.extui %eq3A_3 : vector<1250x128xi1> to vector<1250x128xi32>
    %reduce_sum3A = vector.shape_cast %convert_element_type3A : vector<1250x128xi32> to vector<1x1250x128xi32>
    %reduce_sum3A_4 = arith.constant dense<0> : vector<1xi32>
    %reduce_sum3A_5 = vector.multi_reduction <add>, %reduce_sum3A, %reduce_sum3A_4 [1, 2] : vector<1x1250x128xi32> to vector<1xi32>
    %reduce_sum3A_6 = vector.shape_cast %reduce_sum3A_5 : vector<1xi32> to vector<1x1x1xi32>
    %reduce_sum3A_7 = vector.extract %reduce_sum3A_6[0, 0, 0] : i32 from vector<1x1x1xi32>
    %eq3A_8 = arith.constant 1 : i32
    %eq3A_9 = vector.broadcast %eq3A_8 : i32 to vector<1250x128xi32>
    %eq3A_10 = arith.cmpi eq, %get3A_1, %eq3A_9 : vector<1250x128xi32>
    %convert_element_type3A_11 = arith.extui %eq3A_10 : vector<1250x128xi1> to vector<1250x128xi32>
    %reduce_sum3A_12 = vector.shape_cast %convert_element_type3A_11 : vector<1250x128xi32> to vector<1x1250x128xi32>
    %reduce_sum3A_13 = arith.constant dense<0> : vector<1xi32>
    %reduce_sum3A_14 = vector.multi_reduction <add>, %reduce_sum3A_12, %reduce_sum3A_13 [1, 2] : vector<1x1250x128xi32> to vector<1xi32>
    %reduce_sum3A_15 = vector.shape_cast %reduce_sum3A_14 : vector<1xi32> to vector<1x1x1xi32>
    %reduce_sum3A_16 = vector.extract %reduce_sum3A_15[0, 0, 0] : i32 from vector<1x1x1xi32>
    %eq3A_17 = arith.constant 2 : i32
    %eq3A_18 = vector.broadcast %eq3A_17 : i32 to vector<1250x128xi32>
    %eq3A_19 = arith.cmpi eq, %get3A_1, %eq3A_18 : vector<1250x128xi32>
    %convert_element_type3A_20 = arith.extui %eq3A_19 : vector<1250x128xi1> to vector<1250x128xi32>
    %reduce_sum3A_21 = vector.shape_cast %convert_element_type3A_20 : vector<1250x128xi32> to vector<1x1250x128xi32>
    %reduce_sum3A_22 = arith.constant dense<0> : vector<1xi32>
    %reduce_sum3A_23 = vector.multi_reduction <add>, %reduce_sum3A_21, %reduce_sum3A_22 [1, 2] : vector<1x1250x128xi32> to vector<1xi32>
    %reduce_sum3A_24 = vector.shape_cast %reduce_sum3A_23 : vector<1xi32> to vector<1x1x1xi32>
    %reduce_sum3A_25 = vector.extract %reduce_sum3A_24[0, 0, 0] : i32 from vector<1x1x1xi32>
    %eq3A_26 = arith.constant 3 : i32
    %eq3A_27 = vector.broadcast %eq3A_26 : i32 to vector<1250x128xi32>
    %eq3A_28 = arith.cmpi eq, %get3A_1, %eq3A_27 : vector<1250x128xi32>
    %convert_element_type3A_29 = arith.extui %eq3A_28 : vector<1250x128xi1> to vector<1250x128xi32>
    %reduce_sum3A_30 = vector.shape_cast %convert_element_type3A_29 : vector<1250x128xi32> to vector<1x1250x128xi32>
    %reduce_sum3A_31 = arith.constant dense<0> : vector<1xi32>
    %reduce_sum3A_32 = vector.multi_reduction <add>, %reduce_sum3A_30, %reduce_sum3A_31 [1, 2] : vector<1x1250x128xi32> to vector<1xi32>
    %reduce_sum3A_33 = vector.shape_cast %reduce_sum3A_32 : vector<1xi32> to vector<1x1x1xi32>
    %reduce_sum3A_34 = vector.extract %reduce_sum3A_33[0, 0, 0] : i32 from vector<1x1x1xi32>
    %eq3A_35 = arith.constant 4 : i32
    %eq3A_36 = vector.broadcast %eq3A_35 : i32 to vector<1250x128xi32>
    %eq3A_37 = arith.cmpi eq, %get3A_1, %eq3A_36 : vector<1250x128xi32>
    %convert_element_type3A_38 = arith.extui %eq3A_37 : vector<1250x128xi1> to vector<1250x128xi32>
    %reduce_sum3A_39 = vector.shape_cast %convert_element_type3A_38 : vector<1250x128xi32> to vector<1x1250x128xi32>
    %reduce_sum3A_40 = arith.constant dense<0> : vector<1xi32>
    %reduce_sum3A_41 = vector.multi_reduction <add>, %reduce_sum3A_39, %reduce_sum3A_40 [1, 2] : vector<1x1250x128xi32> to vector<1xi32>
    %reduce_sum3A_42 = vector.shape_cast %reduce_sum3A_41 : vector<1xi32> to vector<1x1x1xi32>
    %reduce_sum3A_43 = vector.extract %reduce_sum3A_42[0, 0, 0] : i32 from vector<1x1x1xi32>
    %eq3A_44 = arith.constant 5 : i32
    %eq3A_45 = vector.broadcast %eq3A_44 : i32 to vector<1250x128xi32>
    %eq3A_46 = arith.cmpi eq, %get3A_1, %eq3A_45 : vector<1250x128xi32>
    %convert_element_type3A_47 = arith.extui %eq3A_46 : vector<1250x128xi1> to vector<1250x128xi32>
    %reduce_sum3A_48 = vector.shape_cast %convert_element_type3A_47 : vector<1250x128xi32> to vector<1x1250x128xi32>
    %reduce_sum3A_49 = arith.constant dense<0> : vector<1xi32>
    %reduce_sum3A_50 = vector.multi_reduction <add>, %reduce_sum3A_48, %reduce_sum3A_49 [1, 2] : vector<1x1250x128xi32> to vector<1xi32>
    %reduce_sum3A_51 = vector.shape_cast %reduce_sum3A_50 : vector<1xi32> to vector<1x1x1xi32>
    %reduce_sum3A_52 = vector.extract %reduce_sum3A_51[0, 0, 0] : i32 from vector<1x1x1xi32>
    %eq3A_53 = arith.constant 6 : i32
    %eq3A_54 = vector.broadcast %eq3A_53 : i32 to vector<1250x128xi32>
    %eq3A_55 = arith.cmpi eq, %get3A_1, %eq3A_54 : vector<1250x128xi32>
    %convert_element_type3A_56 = arith.extui %eq3A_55 : vector<1250x128xi1> to vector<1250x128xi32>
    %reduce_sum3A_57 = vector.shape_cast %convert_element_type3A_56 : vector<1250x128xi32> to vector<1x1250x128xi32>
    %reduce_sum3A_58 = arith.constant dense<0> : vector<1xi32>
    %reduce_sum3A_59 = vector.multi_reduction <add>, %reduce_sum3A_57, %reduce_sum3A_58 [1, 2] : vector<1x1250x128xi32> to vector<1xi32>
    %reduce_sum3A_60 = vector.shape_cast %reduce_sum3A_59 : vector<1xi32> to vector<1x1x1xi32>
    %reduce_sum3A_61 = vector.extract %reduce_sum3A_60[0, 0, 0] : i32 from vector<1x1x1xi32>
    %eq3A_62 = arith.constant 7 : i32
    %eq3A_63 = vector.broadcast %eq3A_62 : i32 to vector<1250x128xi32>
    %eq3A_64 = arith.cmpi eq, %get3A_1, %eq3A_63 : vector<1250x128xi32>
    %convert_element_type3A_65 = arith.extui %eq3A_64 : vector<1250x128xi1> to vector<1250x128xi32>
    %reduce_sum3A_66 = vector.shape_cast %convert_element_type3A_65 : vector<1250x128xi32> to vector<1x1250x128xi32>
    %reduce_sum3A_67 = arith.constant dense<0> : vector<1xi32>
    %reduce_sum3A_68 = vector.multi_reduction <add>, %reduce_sum3A_66, %reduce_sum3A_67 [1, 2] : vector<1x1250x128xi32> to vector<1xi32>
    %reduce_sum3A_69 = vector.shape_cast %reduce_sum3A_68 : vector<1xi32> to vector<1x1x1xi32>
    %reduce_sum3A_70 = vector.extract %reduce_sum3A_69[0, 0, 0] : i32 from vector<1x1x1xi32>
    %add3A = arith.constant 2048 : i32
    %add3A_71 = arith.addi %reduce_sum3A_7, %add3A : i32
    %sub3A = arith.constant 1 : i32
    %sub3A_72 = arith.subi %add3A_71, %sub3A : i32
    %jit3A = arith.constant 2048 : i32
    %div3A = arith.divsi %sub3A_72, %jit3A : i32
    %sign3A = arith.constant 0 : i32
    %sign3A_73 = arith.cmpi sgt, %sub3A_72, %sign3A : i32
    %sign3A_74 = arith.extui %sign3A_73 : i1 to i32
    %sign3A_75 = arith.constant 0 : i32
    %sign3A_76 = arith.cmpi slt, %sub3A_72, %sign3A_75 : i32
    %sign3A_77 = arith.extui %sign3A_76 : i1 to i32
    %sign3A_78 = arith.subi %sign3A_74, %sign3A_77 : i32
    %sign3A_79 = arith.constant 0 : i32
    %sign3A_80 = arith.cmpi sgt, %jit3A, %sign3A_79 : i32
    %sign3A_81 = arith.extui %sign3A_80 : i1 to i32
    %sign3A_82 = arith.constant 0 : i32
    %sign3A_83 = arith.cmpi slt, %jit3A, %sign3A_82 : i32
    %sign3A_84 = arith.extui %sign3A_83 : i1 to i32
    %sign3A_85 = arith.subi %sign3A_81, %sign3A_84 : i32
    %ne3A = arith.cmpi ne, %sign3A_78, %sign3A_85 : i32
    %rem3A = arith.remsi %sub3A_72, %jit3A : i32
    %ne3A_86 = arith.constant 0 : i32
    %ne3A_87 = arith.cmpi ne, %rem3A, %ne3A_86 : i32
    %and3A = arith.andi %ne3A, %ne3A_87 : i1
    %sub3A_88 = arith.constant 1 : i32
    %sub3A_89 = arith.subi %div3A, %sub3A_88 : i32
    %select_n3A = arith.select %and3A, %sub3A_89, %div3A : i32
    %mul3A = arith.constant 2048 : i32
    %mul3A_90 = arith.muli %select_n3A, %mul3A : i32
    %add3A_91 = arith.constant 0 : i32
    %add3A_92 = arith.addi %add3A_91, %mul3A_90 : i32
    %jit3A_93 = arith.constant 2048 : i32
    %div3A_94 = arith.divsi %add3A_92, %jit3A_93 : i32
    %sign3A_95 = arith.constant 0 : i32
    %sign3A_96 = arith.cmpi sgt, %add3A_92, %sign3A_95 : i32
    %sign3A_97 = arith.extui %sign3A_96 : i1 to i32
    %sign3A_98 = arith.constant 0 : i32
    %sign3A_99 = arith.cmpi slt, %add3A_92, %sign3A_98 : i32
    %sign3A_100 = arith.extui %sign3A_99 : i1 to i32
    %sign3A_101 = arith.subi %sign3A_97, %sign3A_100 : i32
    %sign3A_102 = arith.constant 0 : i32
    %sign3A_103 = arith.cmpi sgt, %jit3A_93, %sign3A_102 : i32
    %sign3A_104 = arith.extui %sign3A_103 : i1 to i32
    %sign3A_105 = arith.constant 0 : i32
    %sign3A_106 = arith.cmpi slt, %jit3A_93, %sign3A_105 : i32
    %sign3A_107 = arith.extui %sign3A_106 : i1 to i32
    %sign3A_108 = arith.subi %sign3A_104, %sign3A_107 : i32
    %ne3A_109 = arith.cmpi ne, %sign3A_101, %sign3A_108 : i32
    %rem3A_110 = arith.remsi %add3A_92, %jit3A_93 : i32
    %ne3A_111 = arith.constant 0 : i32
    %ne3A_112 = arith.cmpi ne, %rem3A_110, %ne3A_111 : i32
    %and3A_113 = arith.andi %ne3A_109, %ne3A_112 : i1
    %sub3A_114 = arith.constant 1 : i32
    %sub3A_115 = arith.subi %div3A_94, %sub3A_114 : i32
    %select_n3A_116 = arith.select %and3A_113, %sub3A_115, %div3A_94 : i32
    %add3A_117 = arith.constant 2048 : i32
    %add3A_118 = arith.addi %reduce_sum3A_16, %add3A_117 : i32
    %sub3A_119 = arith.constant 1 : i32
    %sub3A_120 = arith.subi %add3A_118, %sub3A_119 : i32
    %jit3A_121 = arith.constant 2048 : i32
    %div3A_122 = arith.divsi %sub3A_120, %jit3A_121 : i32
    %sign3A_123 = arith.constant 0 : i32
    %sign3A_124 = arith.cmpi sgt, %sub3A_120, %sign3A_123 : i32
    %sign3A_125 = arith.extui %sign3A_124 : i1 to i32
    %sign3A_126 = arith.constant 0 : i32
    %sign3A_127 = arith.cmpi slt, %sub3A_120, %sign3A_126 : i32
    %sign3A_128 = arith.extui %sign3A_127 : i1 to i32
    %sign3A_129 = arith.subi %sign3A_125, %sign3A_128 : i32
    %sign3A_130 = arith.constant 0 : i32
    %sign3A_131 = arith.cmpi sgt, %jit3A_121, %sign3A_130 : i32
    %sign3A_132 = arith.extui %sign3A_131 : i1 to i32
    %sign3A_133 = arith.constant 0 : i32
    %sign3A_134 = arith.cmpi slt, %jit3A_121, %sign3A_133 : i32
    %sign3A_135 = arith.extui %sign3A_134 : i1 to i32
    %sign3A_136 = arith.subi %sign3A_132, %sign3A_135 : i32
    %ne3A_137 = arith.cmpi ne, %sign3A_129, %sign3A_136 : i32
    %rem3A_138 = arith.remsi %sub3A_120, %jit3A_121 : i32
    %ne3A_139 = arith.constant 0 : i32
    %ne3A_140 = arith.cmpi ne, %rem3A_138, %ne3A_139 : i32
    %and3A_141 = arith.andi %ne3A_137, %ne3A_140 : i1
    %sub3A_142 = arith.constant 1 : i32
    %sub3A_143 = arith.subi %div3A_122, %sub3A_142 : i32
    %select_n3A_144 = arith.select %and3A_141, %sub3A_143, %div3A_122 : i32
    %mul3A_145 = arith.constant 2048 : i32
    %mul3A_146 = arith.muli %select_n3A_144, %mul3A_145 : i32
    %add3A_147 = arith.addi %add3A_92, %mul3A_146 : i32
    %jit3A_148 = arith.constant 2048 : i32
    %div3A_149 = arith.divsi %add3A_147, %jit3A_148 : i32
    %sign3A_150 = arith.constant 0 : i32
    %sign3A_151 = arith.cmpi sgt, %add3A_147, %sign3A_150 : i32
    %sign3A_152 = arith.extui %sign3A_151 : i1 to i32
    %sign3A_153 = arith.constant 0 : i32
    %sign3A_154 = arith.cmpi slt, %add3A_147, %sign3A_153 : i32
    %sign3A_155 = arith.extui %sign3A_154 : i1 to i32
    %sign3A_156 = arith.subi %sign3A_152, %sign3A_155 : i32
    %sign3A_157 = arith.constant 0 : i32
    %sign3A_158 = arith.cmpi sgt, %jit3A_148, %sign3A_157 : i32
    %sign3A_159 = arith.extui %sign3A_158 : i1 to i32
    %sign3A_160 = arith.constant 0 : i32
    %sign3A_161 = arith.cmpi slt, %jit3A_148, %sign3A_160 : i32
    %sign3A_162 = arith.extui %sign3A_161 : i1 to i32
    %sign3A_163 = arith.subi %sign3A_159, %sign3A_162 : i32
    %ne3A_164 = arith.cmpi ne, %sign3A_156, %sign3A_163 : i32
    %rem3A_165 = arith.remsi %add3A_147, %jit3A_148 : i32
    %ne3A_166 = arith.constant 0 : i32
    %ne3A_167 = arith.cmpi ne, %rem3A_165, %ne3A_166 : i32
    %and3A_168 = arith.andi %ne3A_164, %ne3A_167 : i1
    %sub3A_169 = arith.constant 1 : i32
    %sub3A_170 = arith.subi %div3A_149, %sub3A_169 : i32
    %select_n3A_171 = arith.select %and3A_168, %sub3A_170, %div3A_149 : i32
    %add3A_172 = arith.constant 2048 : i32
    %add3A_173 = arith.addi %reduce_sum3A_25, %add3A_172 : i32
    %sub3A_174 = arith.constant 1 : i32
    %sub3A_175 = arith.subi %add3A_173, %sub3A_174 : i32
    %jit3A_176 = arith.constant 2048 : i32
    %div3A_177 = arith.divsi %sub3A_175, %jit3A_176 : i32
    %sign3A_178 = arith.constant 0 : i32
    %sign3A_179 = arith.cmpi sgt, %sub3A_175, %sign3A_178 : i32
    %sign3A_180 = arith.extui %sign3A_179 : i1 to i32
    %sign3A_181 = arith.constant 0 : i32
    %sign3A_182 = arith.cmpi slt, %sub3A_175, %sign3A_181 : i32
    %sign3A_183 = arith.extui %sign3A_182 : i1 to i32
    %sign3A_184 = arith.subi %sign3A_180, %sign3A_183 : i32
    %sign3A_185 = arith.constant 0 : i32
    %sign3A_186 = arith.cmpi sgt, %jit3A_176, %sign3A_185 : i32
    %sign3A_187 = arith.extui %sign3A_186 : i1 to i32
    %sign3A_188 = arith.constant 0 : i32
    %sign3A_189 = arith.cmpi slt, %jit3A_176, %sign3A_188 : i32
    %sign3A_190 = arith.extui %sign3A_189 : i1 to i32
    %sign3A_191 = arith.subi %sign3A_187, %sign3A_190 : i32
    %ne3A_192 = arith.cmpi ne, %sign3A_184, %sign3A_191 : i32
    %rem3A_193 = arith.remsi %sub3A_175, %jit3A_176 : i32
    %ne3A_194 = arith.constant 0 : i32
    %ne3A_195 = arith.cmpi ne, %rem3A_193, %ne3A_194 : i32
    %and3A_196 = arith.andi %ne3A_192, %ne3A_195 : i1
    %sub3A_197 = arith.constant 1 : i32
    %sub3A_198 = arith.subi %div3A_177, %sub3A_197 : i32
    %select_n3A_199 = arith.select %and3A_196, %sub3A_198, %div3A_177 : i32
    %mul3A_200 = arith.constant 2048 : i32
    %mul3A_201 = arith.muli %select_n3A_199, %mul3A_200 : i32
    %add3A_202 = arith.addi %add3A_147, %mul3A_201 : i32
    %jit3A_203 = arith.constant 2048 : i32
    %div3A_204 = arith.divsi %add3A_202, %jit3A_203 : i32
    %sign3A_205 = arith.constant 0 : i32
    %sign3A_206 = arith.cmpi sgt, %add3A_202, %sign3A_205 : i32
    %sign3A_207 = arith.extui %sign3A_206 : i1 to i32
    %sign3A_208 = arith.constant 0 : i32
    %sign3A_209 = arith.cmpi slt, %add3A_202, %sign3A_208 : i32
    %sign3A_210 = arith.extui %sign3A_209 : i1 to i32
    %sign3A_211 = arith.subi %sign3A_207, %sign3A_210 : i32
    %sign3A_212 = arith.constant 0 : i32
    %sign3A_213 = arith.cmpi sgt, %jit3A_203, %sign3A_212 : i32
    %sign3A_214 = arith.extui %sign3A_213 : i1 to i32
    %sign3A_215 = arith.constant 0 : i32
    %sign3A_216 = arith.cmpi slt, %jit3A_203, %sign3A_215 : i32
    %sign3A_217 = arith.extui %sign3A_216 : i1 to i32
    %sign3A_218 = arith.subi %sign3A_214, %sign3A_217 : i32
    %ne3A_219 = arith.cmpi ne, %sign3A_211, %sign3A_218 : i32
    %rem3A_220 = arith.remsi %add3A_202, %jit3A_203 : i32
    %ne3A_221 = arith.constant 0 : i32
    %ne3A_222 = arith.cmpi ne, %rem3A_220, %ne3A_221 : i32
    %and3A_223 = arith.andi %ne3A_219, %ne3A_222 : i1
    %sub3A_224 = arith.constant 1 : i32
    %sub3A_225 = arith.subi %div3A_204, %sub3A_224 : i32
    %select_n3A_226 = arith.select %and3A_223, %sub3A_225, %div3A_204 : i32
    %add3A_227 = arith.constant 2048 : i32
    %add3A_228 = arith.addi %reduce_sum3A_34, %add3A_227 : i32
    %sub3A_229 = arith.constant 1 : i32
    %sub3A_230 = arith.subi %add3A_228, %sub3A_229 : i32
    %jit3A_231 = arith.constant 2048 : i32
    %div3A_232 = arith.divsi %sub3A_230, %jit3A_231 : i32
    %sign3A_233 = arith.constant 0 : i32
    %sign3A_234 = arith.cmpi sgt, %sub3A_230, %sign3A_233 : i32
    %sign3A_235 = arith.extui %sign3A_234 : i1 to i32
    %sign3A_236 = arith.constant 0 : i32
    %sign3A_237 = arith.cmpi slt, %sub3A_230, %sign3A_236 : i32
    %sign3A_238 = arith.extui %sign3A_237 : i1 to i32
    %sign3A_239 = arith.subi %sign3A_235, %sign3A_238 : i32
    %sign3A_240 = arith.constant 0 : i32
    %sign3A_241 = arith.cmpi sgt, %jit3A_231, %sign3A_240 : i32
    %sign3A_242 = arith.extui %sign3A_241 : i1 to i32
    %sign3A_243 = arith.constant 0 : i32
    %sign3A_244 = arith.cmpi slt, %jit3A_231, %sign3A_243 : i32
    %sign3A_245 = arith.extui %sign3A_244 : i1 to i32
    %sign3A_246 = arith.subi %sign3A_242, %sign3A_245 : i32
    %ne3A_247 = arith.cmpi ne, %sign3A_239, %sign3A_246 : i32
    %rem3A_248 = arith.remsi %sub3A_230, %jit3A_231 : i32
    %ne3A_249 = arith.constant 0 : i32
    %ne3A_250 = arith.cmpi ne, %rem3A_248, %ne3A_249 : i32
    %and3A_251 = arith.andi %ne3A_247, %ne3A_250 : i1
    %sub3A_252 = arith.constant 1 : i32
    %sub3A_253 = arith.subi %div3A_232, %sub3A_252 : i32
    %select_n3A_254 = arith.select %and3A_251, %sub3A_253, %div3A_232 : i32
    %mul3A_255 = arith.constant 2048 : i32
    %mul3A_256 = arith.muli %select_n3A_254, %mul3A_255 : i32
    %add3A_257 = arith.addi %add3A_202, %mul3A_256 : i32
    %jit3A_258 = arith.constant 2048 : i32
    %div3A_259 = arith.divsi %add3A_257, %jit3A_258 : i32
    %sign3A_260 = arith.constant 0 : i32
    %sign3A_261 = arith.cmpi sgt, %add3A_257, %sign3A_260 : i32
    %sign3A_262 = arith.extui %sign3A_261 : i1 to i32
    %sign3A_263 = arith.constant 0 : i32
    %sign3A_264 = arith.cmpi slt, %add3A_257, %sign3A_263 : i32
    %sign3A_265 = arith.extui %sign3A_264 : i1 to i32
    %sign3A_266 = arith.subi %sign3A_262, %sign3A_265 : i32
    %sign3A_267 = arith.constant 0 : i32
    %sign3A_268 = arith.cmpi sgt, %jit3A_258, %sign3A_267 : i32
    %sign3A_269 = arith.extui %sign3A_268 : i1 to i32
    %sign3A_270 = arith.constant 0 : i32
    %sign3A_271 = arith.cmpi slt, %jit3A_258, %sign3A_270 : i32
    %sign3A_272 = arith.extui %sign3A_271 : i1 to i32
    %sign3A_273 = arith.subi %sign3A_269, %sign3A_272 : i32
    %ne3A_274 = arith.cmpi ne, %sign3A_266, %sign3A_273 : i32
    %rem3A_275 = arith.remsi %add3A_257, %jit3A_258 : i32
    %ne3A_276 = arith.constant 0 : i32
    %ne3A_277 = arith.cmpi ne, %rem3A_275, %ne3A_276 : i32
    %and3A_278 = arith.andi %ne3A_274, %ne3A_277 : i1
    %sub3A_279 = arith.constant 1 : i32
    %sub3A_280 = arith.subi %div3A_259, %sub3A_279 : i32
    %select_n3A_281 = arith.select %and3A_278, %sub3A_280, %div3A_259 : i32
    %add3A_282 = arith.constant 2048 : i32
    %add3A_283 = arith.addi %reduce_sum3A_43, %add3A_282 : i32
    %sub3A_284 = arith.constant 1 : i32
    %sub3A_285 = arith.subi %add3A_283, %sub3A_284 : i32
    %jit3A_286 = arith.constant 2048 : i32
    %div3A_287 = arith.divsi %sub3A_285, %jit3A_286 : i32
    %sign3A_288 = arith.constant 0 : i32
    %sign3A_289 = arith.cmpi sgt, %sub3A_285, %sign3A_288 : i32
    %sign3A_290 = arith.extui %sign3A_289 : i1 to i32
    %sign3A_291 = arith.constant 0 : i32
    %sign3A_292 = arith.cmpi slt, %sub3A_285, %sign3A_291 : i32
    %sign3A_293 = arith.extui %sign3A_292 : i1 to i32
    %sign3A_294 = arith.subi %sign3A_290, %sign3A_293 : i32
    %sign3A_295 = arith.constant 0 : i32
    %sign3A_296 = arith.cmpi sgt, %jit3A_286, %sign3A_295 : i32
    %sign3A_297 = arith.extui %sign3A_296 : i1 to i32
    %sign3A_298 = arith.constant 0 : i32
    %sign3A_299 = arith.cmpi slt, %jit3A_286, %sign3A_298 : i32
    %sign3A_300 = arith.extui %sign3A_299 : i1 to i32
    %sign3A_301 = arith.subi %sign3A_297, %sign3A_300 : i32
    %ne3A_302 = arith.cmpi ne, %sign3A_294, %sign3A_301 : i32
    %rem3A_303 = arith.remsi %sub3A_285, %jit3A_286 : i32
    %ne3A_304 = arith.constant 0 : i32
    %ne3A_305 = arith.cmpi ne, %rem3A_303, %ne3A_304 : i32
    %and3A_306 = arith.andi %ne3A_302, %ne3A_305 : i1
    %sub3A_307 = arith.constant 1 : i32
    %sub3A_308 = arith.subi %div3A_287, %sub3A_307 : i32
    %select_n3A_309 = arith.select %and3A_306, %sub3A_308, %div3A_287 : i32
    %mul3A_310 = arith.constant 2048 : i32
    %mul3A_311 = arith.muli %select_n3A_309, %mul3A_310 : i32
    %add3A_312 = arith.addi %add3A_257, %mul3A_311 : i32
    %jit3A_313 = arith.constant 2048 : i32
    %div3A_314 = arith.divsi %add3A_312, %jit3A_313 : i32
    %sign3A_315 = arith.constant 0 : i32
    %sign3A_316 = arith.cmpi sgt, %add3A_312, %sign3A_315 : i32
    %sign3A_317 = arith.extui %sign3A_316 : i1 to i32
    %sign3A_318 = arith.constant 0 : i32
    %sign3A_319 = arith.cmpi slt, %add3A_312, %sign3A_318 : i32
    %sign3A_320 = arith.extui %sign3A_319 : i1 to i32
    %sign3A_321 = arith.subi %sign3A_317, %sign3A_320 : i32
    %sign3A_322 = arith.constant 0 : i32
    %sign3A_323 = arith.cmpi sgt, %jit3A_313, %sign3A_322 : i32
    %sign3A_324 = arith.extui %sign3A_323 : i1 to i32
    %sign3A_325 = arith.constant 0 : i32
    %sign3A_326 = arith.cmpi slt, %jit3A_313, %sign3A_325 : i32
    %sign3A_327 = arith.extui %sign3A_326 : i1 to i32
    %sign3A_328 = arith.subi %sign3A_324, %sign3A_327 : i32
    %ne3A_329 = arith.cmpi ne, %sign3A_321, %sign3A_328 : i32
    %rem3A_330 = arith.remsi %add3A_312, %jit3A_313 : i32
    %ne3A_331 = arith.constant 0 : i32
    %ne3A_332 = arith.cmpi ne, %rem3A_330, %ne3A_331 : i32
    %and3A_333 = arith.andi %ne3A_329, %ne3A_332 : i1
    %sub3A_334 = arith.constant 1 : i32
    %sub3A_335 = arith.subi %div3A_314, %sub3A_334 : i32
    %select_n3A_336 = arith.select %and3A_333, %sub3A_335, %div3A_314 : i32
    %add3A_337 = arith.constant 2048 : i32
    %add3A_338 = arith.addi %reduce_sum3A_52, %add3A_337 : i32
    %sub3A_339 = arith.constant 1 : i32
    %sub3A_340 = arith.subi %add3A_338, %sub3A_339 : i32
    %jit3A_341 = arith.constant 2048 : i32
    %div3A_342 = arith.divsi %sub3A_340, %jit3A_341 : i32
    %sign3A_343 = arith.constant 0 : i32
    %sign3A_344 = arith.cmpi sgt, %sub3A_340, %sign3A_343 : i32
    %sign3A_345 = arith.extui %sign3A_344 : i1 to i32
    %sign3A_346 = arith.constant 0 : i32
    %sign3A_347 = arith.cmpi slt, %sub3A_340, %sign3A_346 : i32
    %sign3A_348 = arith.extui %sign3A_347 : i1 to i32
    %sign3A_349 = arith.subi %sign3A_345, %sign3A_348 : i32
    %sign3A_350 = arith.constant 0 : i32
    %sign3A_351 = arith.cmpi sgt, %jit3A_341, %sign3A_350 : i32
    %sign3A_352 = arith.extui %sign3A_351 : i1 to i32
    %sign3A_353 = arith.constant 0 : i32
    %sign3A_354 = arith.cmpi slt, %jit3A_341, %sign3A_353 : i32
    %sign3A_355 = arith.extui %sign3A_354 : i1 to i32
    %sign3A_356 = arith.subi %sign3A_352, %sign3A_355 : i32
    %ne3A_357 = arith.cmpi ne, %sign3A_349, %sign3A_356 : i32
    %rem3A_358 = arith.remsi %sub3A_340, %jit3A_341 : i32
    %ne3A_359 = arith.constant 0 : i32
    %ne3A_360 = arith.cmpi ne, %rem3A_358, %ne3A_359 : i32
    %and3A_361 = arith.andi %ne3A_357, %ne3A_360 : i1
    %sub3A_362 = arith.constant 1 : i32
    %sub3A_363 = arith.subi %div3A_342, %sub3A_362 : i32
    %select_n3A_364 = arith.select %and3A_361, %sub3A_363, %div3A_342 : i32
    %mul3A_365 = arith.constant 2048 : i32
    %mul3A_366 = arith.muli %select_n3A_364, %mul3A_365 : i32
    %add3A_367 = arith.addi %add3A_312, %mul3A_366 : i32
    %jit3A_368 = arith.constant 2048 : i32
    %div3A_369 = arith.divsi %add3A_367, %jit3A_368 : i32
    %sign3A_370 = arith.constant 0 : i32
    %sign3A_371 = arith.cmpi sgt, %add3A_367, %sign3A_370 : i32
    %sign3A_372 = arith.extui %sign3A_371 : i1 to i32
    %sign3A_373 = arith.constant 0 : i32
    %sign3A_374 = arith.cmpi slt, %add3A_367, %sign3A_373 : i32
    %sign3A_375 = arith.extui %sign3A_374 : i1 to i32
    %sign3A_376 = arith.subi %sign3A_372, %sign3A_375 : i32
    %sign3A_377 = arith.constant 0 : i32
    %sign3A_378 = arith.cmpi sgt, %jit3A_368, %sign3A_377 : i32
    %sign3A_379 = arith.extui %sign3A_378 : i1 to i32
    %sign3A_380 = arith.constant 0 : i32
    %sign3A_381 = arith.cmpi slt, %jit3A_368, %sign3A_380 : i32
    %sign3A_382 = arith.extui %sign3A_381 : i1 to i32
    %sign3A_383 = arith.subi %sign3A_379, %sign3A_382 : i32
    %ne3A_384 = arith.cmpi ne, %sign3A_376, %sign3A_383 : i32
    %rem3A_385 = arith.remsi %add3A_367, %jit3A_368 : i32
    %ne3A_386 = arith.constant 0 : i32
    %ne3A_387 = arith.cmpi ne, %rem3A_385, %ne3A_386 : i32
    %and3A_388 = arith.andi %ne3A_384, %ne3A_387 : i1
    %sub3A_389 = arith.constant 1 : i32
    %sub3A_390 = arith.subi %div3A_369, %sub3A_389 : i32
    %select_n3A_391 = arith.select %and3A_388, %sub3A_390, %div3A_369 : i32
    %add3A_392 = arith.constant 2048 : i32
    %add3A_393 = arith.addi %reduce_sum3A_61, %add3A_392 : i32
    %sub3A_394 = arith.constant 1 : i32
    %sub3A_395 = arith.subi %add3A_393, %sub3A_394 : i32
    %jit3A_396 = arith.constant 2048 : i32
    %div3A_397 = arith.divsi %sub3A_395, %jit3A_396 : i32
    %sign3A_398 = arith.constant 0 : i32
    %sign3A_399 = arith.cmpi sgt, %sub3A_395, %sign3A_398 : i32
    %sign3A_400 = arith.extui %sign3A_399 : i1 to i32
    %sign3A_401 = arith.constant 0 : i32
    %sign3A_402 = arith.cmpi slt, %sub3A_395, %sign3A_401 : i32
    %sign3A_403 = arith.extui %sign3A_402 : i1 to i32
    %sign3A_404 = arith.subi %sign3A_400, %sign3A_403 : i32
    %sign3A_405 = arith.constant 0 : i32
    %sign3A_406 = arith.cmpi sgt, %jit3A_396, %sign3A_405 : i32
    %sign3A_407 = arith.extui %sign3A_406 : i1 to i32
    %sign3A_408 = arith.constant 0 : i32
    %sign3A_409 = arith.cmpi slt, %jit3A_396, %sign3A_408 : i32
    %sign3A_410 = arith.extui %sign3A_409 : i1 to i32
    %sign3A_411 = arith.subi %sign3A_407, %sign3A_410 : i32
    %ne3A_412 = arith.cmpi ne, %sign3A_404, %sign3A_411 : i32
    %rem3A_413 = arith.remsi %sub3A_395, %jit3A_396 : i32
    %ne3A_414 = arith.constant 0 : i32
    %ne3A_415 = arith.cmpi ne, %rem3A_413, %ne3A_414 : i32
    %and3A_416 = arith.andi %ne3A_412, %ne3A_415 : i1
    %sub3A_417 = arith.constant 1 : i32
    %sub3A_418 = arith.subi %div3A_397, %sub3A_417 : i32
    %select_n3A_419 = arith.select %and3A_416, %sub3A_418, %div3A_397 : i32
    %mul3A_420 = arith.constant 2048 : i32
    %mul3A_421 = arith.muli %select_n3A_419, %mul3A_420 : i32
    %add3A_422 = arith.addi %add3A_367, %mul3A_421 : i32
    %jit3A_423 = arith.constant 2048 : i32
    %div3A_424 = arith.divsi %add3A_422, %jit3A_423 : i32
    %sign3A_425 = arith.constant 0 : i32
    %sign3A_426 = arith.cmpi sgt, %add3A_422, %sign3A_425 : i32
    %sign3A_427 = arith.extui %sign3A_426 : i1 to i32
    %sign3A_428 = arith.constant 0 : i32
    %sign3A_429 = arith.cmpi slt, %add3A_422, %sign3A_428 : i32
    %sign3A_430 = arith.extui %sign3A_429 : i1 to i32
    %sign3A_431 = arith.subi %sign3A_427, %sign3A_430 : i32
    %sign3A_432 = arith.constant 0 : i32
    %sign3A_433 = arith.cmpi sgt, %jit3A_423, %sign3A_432 : i32
    %sign3A_434 = arith.extui %sign3A_433 : i1 to i32
    %sign3A_435 = arith.constant 0 : i32
    %sign3A_436 = arith.cmpi slt, %jit3A_423, %sign3A_435 : i32
    %sign3A_437 = arith.extui %sign3A_436 : i1 to i32
    %sign3A_438 = arith.subi %sign3A_434, %sign3A_437 : i32
    %ne3A_439 = arith.cmpi ne, %sign3A_431, %sign3A_438 : i32
    %rem3A_440 = arith.remsi %add3A_422, %jit3A_423 : i32
    %ne3A_441 = arith.constant 0 : i32
    %ne3A_442 = arith.cmpi ne, %rem3A_440, %ne3A_441 : i32
    %and3A_443 = arith.andi %ne3A_439, %ne3A_442 : i1
    %sub3A_444 = arith.constant 1 : i32
    %sub3A_445 = arith.subi %div3A_424, %sub3A_444 : i32
    %select_n3A_446 = arith.select %and3A_443, %sub3A_445, %div3A_424 : i32
    %add3A_447 = arith.constant 2048 : i32
    %add3A_448 = arith.addi %reduce_sum3A_70, %add3A_447 : i32
    %sub3A_449 = arith.constant 1 : i32
    %sub3A_450 = arith.subi %add3A_448, %sub3A_449 : i32
    %jit3A_451 = arith.constant 2048 : i32
    %div3A_452 = arith.divsi %sub3A_450, %jit3A_451 : i32
    %sign3A_453 = arith.constant 0 : i32
    %sign3A_454 = arith.cmpi sgt, %sub3A_450, %sign3A_453 : i32
    %sign3A_455 = arith.extui %sign3A_454 : i1 to i32
    %sign3A_456 = arith.constant 0 : i32
    %sign3A_457 = arith.cmpi slt, %sub3A_450, %sign3A_456 : i32
    %sign3A_458 = arith.extui %sign3A_457 : i1 to i32
    %sign3A_459 = arith.subi %sign3A_455, %sign3A_458 : i32
    %sign3A_460 = arith.constant 0 : i32
    %sign3A_461 = arith.cmpi sgt, %jit3A_451, %sign3A_460 : i32
    %sign3A_462 = arith.extui %sign3A_461 : i1 to i32
    %sign3A_463 = arith.constant 0 : i32
    %sign3A_464 = arith.cmpi slt, %jit3A_451, %sign3A_463 : i32
    %sign3A_465 = arith.extui %sign3A_464 : i1 to i32
    %sign3A_466 = arith.subi %sign3A_462, %sign3A_465 : i32
    %ne3A_467 = arith.cmpi ne, %sign3A_459, %sign3A_466 : i32
    %rem3A_468 = arith.remsi %sub3A_450, %jit3A_451 : i32
    %ne3A_469 = arith.constant 0 : i32
    %ne3A_470 = arith.cmpi ne, %rem3A_468, %ne3A_469 : i32
    %and3A_471 = arith.andi %ne3A_467, %ne3A_470 : i1
    %sub3A_472 = arith.constant 1 : i32
    %sub3A_473 = arith.subi %div3A_452, %sub3A_472 : i32
    %select_n3A_474 = arith.select %and3A_471, %sub3A_473, %div3A_452 : i32
    %mul3A_475 = arith.constant 2048 : i32
    %mul3A_476 = arith.muli %select_n3A_474, %mul3A_475 : i32
    %add3A_477 = arith.addi %add3A_422, %mul3A_476 : i32
    %jit3A_478 = arith.constant 2048 : i32
    %div3A_479 = arith.divsi %add3A_477, %jit3A_478 : i32
    %sign3A_480 = arith.constant 0 : i32
    %sign3A_481 = arith.cmpi sgt, %add3A_477, %sign3A_480 : i32
    %sign3A_482 = arith.extui %sign3A_481 : i1 to i32
    %sign3A_483 = arith.constant 0 : i32
    %sign3A_484 = arith.cmpi slt, %add3A_477, %sign3A_483 : i32
    %sign3A_485 = arith.extui %sign3A_484 : i1 to i32
    %sign3A_486 = arith.subi %sign3A_482, %sign3A_485 : i32
    %sign3A_487 = arith.constant 0 : i32
    %sign3A_488 = arith.cmpi sgt, %jit3A_478, %sign3A_487 : i32
    %sign3A_489 = arith.extui %sign3A_488 : i1 to i32
    %sign3A_490 = arith.constant 0 : i32
    %sign3A_491 = arith.cmpi slt, %jit3A_478, %sign3A_490 : i32
    %sign3A_492 = arith.extui %sign3A_491 : i1 to i32
    %sign3A_493 = arith.subi %sign3A_489, %sign3A_492 : i32
    %ne3A_494 = arith.cmpi ne, %sign3A_486, %sign3A_493 : i32
    %rem3A_495 = arith.remsi %add3A_477, %jit3A_478 : i32
    %ne3A_496 = arith.constant 0 : i32
    %ne3A_497 = arith.cmpi ne, %rem3A_495, %ne3A_496 : i32
    %and3A_498 = arith.andi %ne3A_494, %ne3A_497 : i1
    %sub3A_499 = arith.constant 1 : i32
    %sub3A_500 = arith.subi %div3A_479, %sub3A_499 : i32
    %select_n3A_501 = arith.select %and3A_498, %sub3A_500, %div3A_479 : i32
    %broadcast_in_dim3A = arith.constant 0 : i32
    %broadcast_in_dim3A_502 = vector.broadcast %broadcast_in_dim3A : i32 to vector<1250x128xi32>
    %eq3A_503 = arith.constant 0 : i32
    %eq3A_504 = vector.broadcast %eq3A_503 : i32 to vector<1250x128xi32>
    %eq3A_505 = arith.cmpi eq, %get3A_1, %eq3A_504 : vector<1250x128xi32>
    %convert_element_type3A_506 = arith.extui %eq3A_505 : vector<1250x128xi1> to vector<1250x128xi32>
    %reduce_sum3A_507 = arith.constant dense<0> : vector<128xi32>
    %reduce_sum3A_508 = vector.multi_reduction <add>, %convert_element_type3A_506, %reduce_sum3A_507 [0] : vector<1250x128xi32> to vector<128xi32>
    %broadcast_in_dim3A_509 = vector.shape_cast %reduce_sum3A_508 : vector<128xi32> to vector<1x128xi32>
    %broadcast_in_dim3A_510 = arith.constant 0 : i32
    %broadcast_in_dim3A_511 = vector.broadcast %broadcast_in_dim3A_510 : i32 to vector<1x1xi32>
    %slice3A = vector.extract_strided_slice %broadcast_in_dim3A_509 {offsets = [0, 0], sizes = [1, 127], strides = [1, 1]} : vector<1x128xi32> to vector<1x127xi32>
    %concatenate3A = tpu.concatenate %broadcast_in_dim3A_511, %slice3A in 1 : vector<1x1xi32>, vector<1x127xi32> -> vector<1x128xi32>
    %add3A_512 = arith.addi %broadcast_in_dim3A_509, %concatenate3A : vector<1x128xi32>
    %broadcast_in_dim3A_513 = arith.constant 0 : i32
    %broadcast_in_dim3A_514 = vector.broadcast %broadcast_in_dim3A_513 : i32 to vector<1x2xi32>
    %slice3A_515 = vector.extract_strided_slice %add3A_512 {offsets = [0, 0], sizes = [1, 126], strides = [1, 1]} : vector<1x128xi32> to vector<1x126xi32>
    %concatenate3A_516 = tpu.concatenate %broadcast_in_dim3A_514, %slice3A_515 in 1 : vector<1x2xi32>, vector<1x126xi32> -> vector<1x128xi32>
    %add3A_517 = arith.addi %add3A_512, %concatenate3A_516 : vector<1x128xi32>
    %broadcast_in_dim3A_518 = arith.constant 0 : i32
    %broadcast_in_dim3A_519 = vector.broadcast %broadcast_in_dim3A_518 : i32 to vector<1x4xi32>
    %slice3A_520 = vector.extract_strided_slice %add3A_517 {offsets = [0, 0], sizes = [1, 124], strides = [1, 1]} : vector<1x128xi32> to vector<1x124xi32>
    %concatenate3A_521 = tpu.concatenate %broadcast_in_dim3A_519, %slice3A_520 in 1 : vector<1x4xi32>, vector<1x124xi32> -> vector<1x128xi32>
    %add3A_522 = arith.addi %add3A_517, %concatenate3A_521 : vector<1x128xi32>
    %broadcast_in_dim3A_523 = arith.constant 0 : i32
    %broadcast_in_dim3A_524 = vector.broadcast %broadcast_in_dim3A_523 : i32 to vector<1x8xi32>
    %slice3A_525 = vector.extract_strided_slice %add3A_522 {offsets = [0, 0], sizes = [1, 120], strides = [1, 1]} : vector<1x128xi32> to vector<1x120xi32>
    %concatenate3A_526 = tpu.concatenate %broadcast_in_dim3A_524, %slice3A_525 in 1 : vector<1x8xi32>, vector<1x120xi32> -> vector<1x128xi32>
    %add3A_527 = arith.addi %add3A_522, %concatenate3A_526 : vector<1x128xi32>
    %broadcast_in_dim3A_528 = arith.constant 0 : i32
    %broadcast_in_dim3A_529 = vector.broadcast %broadcast_in_dim3A_528 : i32 to vector<1x16xi32>
    %slice3A_530 = vector.extract_strided_slice %add3A_527 {offsets = [0, 0], sizes = [1, 112], strides = [1, 1]} : vector<1x128xi32> to vector<1x112xi32>
    %concatenate3A_531 = tpu.concatenate %broadcast_in_dim3A_529, %slice3A_530 in 1 : vector<1x16xi32>, vector<1x112xi32> -> vector<1x128xi32>
    %add3A_532 = arith.addi %add3A_527, %concatenate3A_531 : vector<1x128xi32>
    %broadcast_in_dim3A_533 = arith.constant 0 : i32
    %broadcast_in_dim3A_534 = vector.broadcast %broadcast_in_dim3A_533 : i32 to vector<1x32xi32>
    %slice3A_535 = vector.extract_strided_slice %add3A_532 {offsets = [0, 0], sizes = [1, 96], strides = [1, 1]} : vector<1x128xi32> to vector<1x96xi32>
    %concatenate3A_536 = tpu.concatenate %broadcast_in_dim3A_534, %slice3A_535 in 1 : vector<1x32xi32>, vector<1x96xi32> -> vector<1x128xi32>
    %add3A_537 = arith.addi %add3A_532, %concatenate3A_536 : vector<1x128xi32>
    %broadcast_in_dim3A_538 = arith.constant 0 : i32
    %broadcast_in_dim3A_539 = vector.broadcast %broadcast_in_dim3A_538 : i32 to vector<1x64xi32>
    %slice3A_540 = vector.extract_strided_slice %add3A_537 {offsets = [0, 0], sizes = [1, 64], strides = [1, 1]} : vector<1x128xi32> to vector<1x64xi32>
    %concatenate3A_541 = tpu.concatenate %broadcast_in_dim3A_539, %slice3A_540 in 1 : vector<1x64xi32>, vector<1x64xi32> -> vector<1x128xi32>
    %add3A_542 = arith.addi %add3A_537, %concatenate3A_541 : vector<1x128xi32>
    %sub3A_543 = arith.subi %add3A_542, %broadcast_in_dim3A_509 : vector<1x128xi32>
    %broadcast_in_dim3A_544 = arith.constant 0 : i32
    %broadcast_in_dim3A_545 = vector.broadcast %broadcast_in_dim3A_544 : i32 to vector<1x128xi32>
    %slice3A_546 = vector.extract_strided_slice %convert_element_type3A_506 {offsets = [0, 0], sizes = [1249, 128], strides = [1, 1]} : vector<1250x128xi32> to vector<1249x128xi32>
    %concatenate3A_547 = tpu.concatenate %broadcast_in_dim3A_545, %slice3A_546 in 0 : vector<1x128xi32>, vector<1249x128xi32> -> vector<1250x128xi32>
    %add3A_548 = arith.addi %convert_element_type3A_506, %concatenate3A_547 : vector<1250x128xi32>
    %broadcast_in_dim3A_549 = arith.constant 0 : i32
    %broadcast_in_dim3A_550 = vector.broadcast %broadcast_in_dim3A_549 : i32 to vector<2x128xi32>
    %slice3A_551 = vector.extract_strided_slice %add3A_548 {offsets = [0, 0], sizes = [1248, 128], strides = [1, 1]} : vector<1250x128xi32> to vector<1248x128xi32>
    %concatenate3A_552 = tpu.concatenate %broadcast_in_dim3A_550, %slice3A_551 in 0 : vector<2x128xi32>, vector<1248x128xi32> -> vector<1250x128xi32>
    %add3A_553 = arith.addi %add3A_548, %concatenate3A_552 : vector<1250x128xi32>
    %broadcast_in_dim3A_554 = arith.constant 0 : i32
    %broadcast_in_dim3A_555 = vector.broadcast %broadcast_in_dim3A_554 : i32 to vector<4x128xi32>
    %slice3A_556 = vector.extract_strided_slice %add3A_553 {offsets = [0, 0], sizes = [1246, 128], strides = [1, 1]} : vector<1250x128xi32> to vector<1246x128xi32>
    %concatenate3A_557 = tpu.concatenate %broadcast_in_dim3A_555, %slice3A_556 in 0 : vector<4x128xi32>, vector<1246x128xi32> -> vector<1250x128xi32>
    %add3A_558 = arith.addi %add3A_553, %concatenate3A_557 : vector<1250x128xi32>
    %broadcast_in_dim3A_559 = arith.constant 0 : i32
    %broadcast_in_dim3A_560 = vector.broadcast %broadcast_in_dim3A_559 : i32 to vector<8x128xi32>
    %slice3A_561 = vector.extract_strided_slice %add3A_558 {offsets = [0, 0], sizes = [1242, 128], strides = [1, 1]} : vector<1250x128xi32> to vector<1242x128xi32>
    %concatenate3A_562 = tpu.concatenate %broadcast_in_dim3A_560, %slice3A_561 in 0 : vector<8x128xi32>, vector<1242x128xi32> -> vector<1250x128xi32>
    %add3A_563 = arith.addi %add3A_558, %concatenate3A_562 : vector<1250x128xi32>
    %broadcast_in_dim3A_564 = arith.constant 0 : i32
    %broadcast_in_dim3A_565 = vector.broadcast %broadcast_in_dim3A_564 : i32 to vector<16x128xi32>
    %slice3A_566 = vector.extract_strided_slice %add3A_563 {offsets = [0, 0], sizes = [1234, 128], strides = [1, 1]} : vector<1250x128xi32> to vector<1234x128xi32>
    %concatenate3A_567 = tpu.concatenate %broadcast_in_dim3A_565, %slice3A_566 in 0 : vector<16x128xi32>, vector<1234x128xi32> -> vector<1250x128xi32>
    %add3A_568 = arith.addi %add3A_563, %concatenate3A_567 : vector<1250x128xi32>
    %broadcast_in_dim3A_569 = arith.constant 0 : i32
    %broadcast_in_dim3A_570 = vector.broadcast %broadcast_in_dim3A_569 : i32 to vector<32x128xi32>
    %slice3A_571 = vector.extract_strided_slice %add3A_568 {offsets = [0, 0], sizes = [1218, 128], strides = [1, 1]} : vector<1250x128xi32> to vector<1218x128xi32>
    %concatenate3A_572 = tpu.concatenate %broadcast_in_dim3A_570, %slice3A_571 in 0 : vector<32x128xi32>, vector<1218x128xi32> -> vector<1250x128xi32>
    %add3A_573 = arith.addi %add3A_568, %concatenate3A_572 : vector<1250x128xi32>
    %broadcast_in_dim3A_574 = arith.constant 0 : i32
    %broadcast_in_dim3A_575 = vector.broadcast %broadcast_in_dim3A_574 : i32 to vector<64x128xi32>
    %slice3A_576 = vector.extract_strided_slice %add3A_573 {offsets = [0, 0], sizes = [1186, 128], strides = [1, 1]} : vector<1250x128xi32> to vector<1186x128xi32>
    %concatenate3A_577 = tpu.concatenate %broadcast_in_dim3A_575, %slice3A_576 in 0 : vector<64x128xi32>, vector<1186x128xi32> -> vector<1250x128xi32>
    %add3A_578 = arith.addi %add3A_573, %concatenate3A_577 : vector<1250x128xi32>
    %broadcast_in_dim3A_579 = arith.constant 0 : i32
    %broadcast_in_dim3A_580 = vector.broadcast %broadcast_in_dim3A_579 : i32 to vector<128x128xi32>
    %slice3A_581 = vector.extract_strided_slice %add3A_578 {offsets = [0, 0], sizes = [1122, 128], strides = [1, 1]} : vector<1250x128xi32> to vector<1122x128xi32>
    %concatenate3A_582 = tpu.concatenate %broadcast_in_dim3A_580, %slice3A_581 in 0 : vector<128x128xi32>, vector<1122x128xi32> -> vector<1250x128xi32>
    %add3A_583 = arith.addi %add3A_578, %concatenate3A_582 : vector<1250x128xi32>
    %broadcast_in_dim3A_584 = arith.constant 0 : i32
    %broadcast_in_dim3A_585 = vector.broadcast %broadcast_in_dim3A_584 : i32 to vector<256x128xi32>
    %slice3A_586 = vector.extract_strided_slice %add3A_583 {offsets = [0, 0], sizes = [994, 128], strides = [1, 1]} : vector<1250x128xi32> to vector<994x128xi32>
    %concatenate3A_587 = tpu.concatenate %broadcast_in_dim3A_585, %slice3A_586 in 0 : vector<256x128xi32>, vector<994x128xi32> -> vector<1250x128xi32>
    %add3A_588 = arith.addi %add3A_583, %concatenate3A_587 : vector<1250x128xi32>
    %broadcast_in_dim3A_589 = arith.constant 0 : i32
    %broadcast_in_dim3A_590 = vector.broadcast %broadcast_in_dim3A_589 : i32 to vector<512x128xi32>
    %slice3A_591 = vector.extract_strided_slice %add3A_588 {offsets = [0, 0], sizes = [738, 128], strides = [1, 1]} : vector<1250x128xi32> to vector<738x128xi32>
    %concatenate3A_592 = tpu.concatenate %broadcast_in_dim3A_590, %slice3A_591 in 0 : vector<512x128xi32>, vector<738x128xi32> -> vector<1250x128xi32>
    %add3A_593 = arith.addi %add3A_588, %concatenate3A_592 : vector<1250x128xi32>
    %broadcast_in_dim3A_594 = arith.constant 0 : i32
    %broadcast_in_dim3A_595 = vector.broadcast %broadcast_in_dim3A_594 : i32 to vector<1024x128xi32>
    %slice3A_596 = vector.extract_strided_slice %add3A_593 {offsets = [0, 0], sizes = [226, 128], strides = [1, 1]} : vector<1250x128xi32> to vector<226x128xi32>
    %concatenate3A_597 = tpu.concatenate %broadcast_in_dim3A_595, %slice3A_596 in 0 : vector<1024x128xi32>, vector<226x128xi32> -> vector<1250x128xi32>
    %add3A_598 = arith.addi %add3A_593, %concatenate3A_597 : vector<1250x128xi32>
    %add3A_599 = arith.constant 0 : i32
    %add3A_600 = vector.broadcast %add3A_599 : i32 to vector<1x128xi32>
    %add3A_601 = arith.addi %add3A_600, %sub3A_543 : vector<1x128xi32>
    %add3A_602 = vector.broadcast %add3A_601 : vector<1x128xi32> to vector<1250x128xi32>
    %add3A_603 = arith.addi %add3A_602, %add3A_598 : vector<1250x128xi32>
    %sub3A_604 = arith.constant 1 : i32
    %sub3A_605 = vector.broadcast %sub3A_604 : i32 to vector<1250x128xi32>
    %sub3A_606 = arith.subi %add3A_603, %sub3A_605 : vector<1250x128xi32>
    %eq3A_607 = arith.constant 0 : i32
    %eq3A_608 = vector.broadcast %eq3A_607 : i32 to vector<1250x128xi32>
    %eq3A_609 = arith.cmpi eq, %get3A_1, %eq3A_608 : vector<1250x128xi32>
    %select_n3A_610 = arith.select %eq3A_609, %sub3A_606, %broadcast_in_dim3A_502 : vector<1250x128xi1>, vector<1250x128xi32>
    %eq3A_611 = arith.constant 1 : i32
    %eq3A_612 = vector.broadcast %eq3A_611 : i32 to vector<1250x128xi32>
    %eq3A_613 = arith.cmpi eq, %get3A_1, %eq3A_612 : vector<1250x128xi32>
    %convert_element_type3A_614 = arith.extui %eq3A_613 : vector<1250x128xi1> to vector<1250x128xi32>
    %reduce_sum3A_615 = arith.constant dense<0> : vector<128xi32>
    %reduce_sum3A_616 = vector.multi_reduction <add>, %convert_element_type3A_614, %reduce_sum3A_615 [0] : vector<1250x128xi32> to vector<128xi32>
    %broadcast_in_dim3A_617 = vector.shape_cast %reduce_sum3A_616 : vector<128xi32> to vector<1x128xi32>
    %broadcast_in_dim3A_618 = arith.constant 0 : i32
    %broadcast_in_dim3A_619 = vector.broadcast %broadcast_in_dim3A_618 : i32 to vector<1x1xi32>
    %slice3A_620 = vector.extract_strided_slice %broadcast_in_dim3A_617 {offsets = [0, 0], sizes = [1, 127], strides = [1, 1]} : vector<1x128xi32> to vector<1x127xi32>
    %concatenate3A_621 = tpu.concatenate %broadcast_in_dim3A_619, %slice3A_620 in 1 : vector<1x1xi32>, vector<1x127xi32> -> vector<1x128xi32>
    %add3A_622 = arith.addi %broadcast_in_dim3A_617, %concatenate3A_621 : vector<1x128xi32>
    %broadcast_in_dim3A_623 = arith.constant 0 : i32
    %broadcast_in_dim3A_624 = vector.broadcast %broadcast_in_dim3A_623 : i32 to vector<1x2xi32>
    %slice3A_625 = vector.extract_strided_slice %add3A_622 {offsets = [0, 0], sizes = [1, 126], strides = [1, 1]} : vector<1x128xi32> to vector<1x126xi32>
    %concatenate3A_626 = tpu.concatenate %broadcast_in_dim3A_624, %slice3A_625 in 1 : vector<1x2xi32>, vector<1x126xi32> -> vector<1x128xi32>
    %add3A_627 = arith.addi %add3A_622, %concatenate3A_626 : vector<1x128xi32>
    %broadcast_in_dim3A_628 = arith.constant 0 : i32
    %broadcast_in_dim3A_629 = vector.broadcast %broadcast_in_dim3A_628 : i32 to vector<1x4xi32>
    %slice3A_630 = vector.extract_strided_slice %add3A_627 {offsets = [0, 0], sizes = [1, 124], strides = [1, 1]} : vector<1x128xi32> to vector<1x124xi32>
    %concatenate3A_631 = tpu.concatenate %broadcast_in_dim3A_629, %slice3A_630 in 1 : vector<1x4xi32>, vector<1x124xi32> -> vector<1x128xi32>
    %add3A_632 = arith.addi %add3A_627, %concatenate3A_631 : vector<1x128xi32>
    %broadcast_in_dim3A_633 = arith.constant 0 : i32
    %broadcast_in_dim3A_634 = vector.broadcast %broadcast_in_dim3A_633 : i32 to vector<1x8xi32>
    %slice3A_635 = vector.extract_strided_slice %add3A_632 {offsets = [0, 0], sizes = [1, 120], strides = [1, 1]} : vector<1x128xi32> to vector<1x120xi32>
    %concatenate3A_636 = tpu.concatenate %broadcast_in_dim3A_634, %slice3A_635 in 1 : vector<1x8xi32>, vector<1x120xi32> -> vector<1x128xi32>
    %add3A_637 = arith.addi %add3A_632, %concatenate3A_636 : vector<1x128xi32>
    %broadcast_in_dim3A_638 = arith.constant 0 : i32
    %broadcast_in_dim3A_639 = vector.broadcast %broadcast_in_dim3A_638 : i32 to vector<1x16xi32>
    %slice3A_640 = vector.extract_strided_slice %add3A_637 {offsets = [0, 0], sizes = [1, 112], strides = [1, 1]} : vector<1x128xi32> to vector<1x112xi32>
    %concatenate3A_641 = tpu.concatenate %broadcast_in_dim3A_639, %slice3A_640 in 1 : vector<1x16xi32>, vector<1x112xi32> -> vector<1x128xi32>
    %add3A_642 = arith.addi %add3A_637, %concatenate3A_641 : vector<1x128xi32>
    %broadcast_in_dim3A_643 = arith.constant 0 : i32
    %broadcast_in_dim3A_644 = vector.broadcast %broadcast_in_dim3A_643 : i32 to vector<1x32xi32>
    %slice3A_645 = vector.extract_strided_slice %add3A_642 {offsets = [0, 0], sizes = [1, 96], strides = [1, 1]} : vector<1x128xi32> to vector<1x96xi32>
    %concatenate3A_646 = tpu.concatenate %broadcast_in_dim3A_644, %slice3A_645 in 1 : vector<1x32xi32>, vector<1x96xi32> -> vector<1x128xi32>
    %add3A_647 = arith.addi %add3A_642, %concatenate3A_646 : vector<1x128xi32>
    %broadcast_in_dim3A_648 = arith.constant 0 : i32
    %broadcast_in_dim3A_649 = vector.broadcast %broadcast_in_dim3A_648 : i32 to vector<1x64xi32>
    %slice3A_650 = vector.extract_strided_slice %add3A_647 {offsets = [0, 0], sizes = [1, 64], strides = [1, 1]} : vector<1x128xi32> to vector<1x64xi32>
    %concatenate3A_651 = tpu.concatenate %broadcast_in_dim3A_649, %slice3A_650 in 1 : vector<1x64xi32>, vector<1x64xi32> -> vector<1x128xi32>
    %add3A_652 = arith.addi %add3A_647, %concatenate3A_651 : vector<1x128xi32>
    %sub3A_653 = arith.subi %add3A_652, %broadcast_in_dim3A_617 : vector<1x128xi32>
    %broadcast_in_dim3A_654 = arith.constant 0 : i32
    %broadcast_in_dim3A_655 = vector.broadcast %broadcast_in_dim3A_654 : i32 to vector<1x128xi32>
    %slice3A_656 = vector.extract_strided_slice %convert_element_type3A_614 {offsets = [0, 0], sizes = [1249, 128], strides = [1, 1]} : vector<1250x128xi32> to vector<1249x128xi32>
    %concatenate3A_657 = tpu.concatenate %broadcast_in_dim3A_655, %slice3A_656 in 0 : vector<1x128xi32>, vector<1249x128xi32> -> vector<1250x128xi32>
    %add3A_658 = arith.addi %convert_element_type3A_614, %concatenate3A_657 : vector<1250x128xi32>
    %broadcast_in_dim3A_659 = arith.constant 0 : i32
    %broadcast_in_dim3A_660 = vector.broadcast %broadcast_in_dim3A_659 : i32 to vector<2x128xi32>
    %slice3A_661 = vector.extract_strided_slice %add3A_658 {offsets = [0, 0], sizes = [1248, 128], strides = [1, 1]} : vector<1250x128xi32> to vector<1248x128xi32>
    %concatenate3A_662 = tpu.concatenate %broadcast_in_dim3A_660, %slice3A_661 in 0 : vector<2x128xi32>, vector<1248x128xi32> -> vector<1250x128xi32>
    %add3A_663 = arith.addi %add3A_658, %concatenate3A_662 : vector<1250x128xi32>
    %broadcast_in_dim3A_664 = arith.constant 0 : i32
    %broadcast_in_dim3A_665 = vector.broadcast %broadcast_in_dim3A_664 : i32 to vector<4x128xi32>
    %slice3A_666 = vector.extract_strided_slice %add3A_663 {offsets = [0, 0], sizes = [1246, 128], strides = [1, 1]} : vector<1250x128xi32> to vector<1246x128xi32>
    %concatenate3A_667 = tpu.concatenate %broadcast_in_dim3A_665, %slice3A_666 in 0 : vector<4x128xi32>, vector<1246x128xi32> -> vector<1250x128xi32>
    %add3A_668 = arith.addi %add3A_663, %concatenate3A_667 : vector<1250x128xi32>
    %broadcast_in_dim3A_669 = arith.constant 0 : i32
    %broadcast_in_dim3A_670 = vector.broadcast %broadcast_in_dim3A_669 : i32 to vector<8x128xi32>
    %slice3A_671 = vector.extract_strided_slice %add3A_668 {offsets = [0, 0], sizes = [1242, 128], strides = [1, 1]} : vector<1250x128xi32> to vector<1242x128xi32>
    %concatenate3A_672 = tpu.concatenate %broadcast_in_dim3A_670, %slice3A_671 in 0 : vector<8x128xi32>, vector<1242x128xi32> -> vector<1250x128xi32>
    %add3A_673 = arith.addi %add3A_668, %concatenate3A_672 : vector<1250x128xi32>
    %broadcast_in_dim3A_674 = arith.constant 0 : i32
    %broadcast_in_dim3A_675 = vector.broadcast %broadcast_in_dim3A_674 : i32 to vector<16x128xi32>
    %slice3A_676 = vector.extract_strided_slice %add3A_673 {offsets = [0, 0], sizes = [1234, 128], strides = [1, 1]} : vector<1250x128xi32> to vector<1234x128xi32>
    %concatenate3A_677 = tpu.concatenate %broadcast_in_dim3A_675, %slice3A_676 in 0 : vector<16x128xi32>, vector<1234x128xi32> -> vector<1250x128xi32>
    %add3A_678 = arith.addi %add3A_673, %concatenate3A_677 : vector<1250x128xi32>
    %broadcast_in_dim3A_679 = arith.constant 0 : i32
    %broadcast_in_dim3A_680 = vector.broadcast %broadcast_in_dim3A_679 : i32 to vector<32x128xi32>
    %slice3A_681 = vector.extract_strided_slice %add3A_678 {offsets = [0, 0], sizes = [1218, 128], strides = [1, 1]} : vector<1250x128xi32> to vector<1218x128xi32>
    %concatenate3A_682 = tpu.concatenate %broadcast_in_dim3A_680, %slice3A_681 in 0 : vector<32x128xi32>, vector<1218x128xi32> -> vector<1250x128xi32>
    %add3A_683 = arith.addi %add3A_678, %concatenate3A_682 : vector<1250x128xi32>
    %broadcast_in_dim3A_684 = arith.constant 0 : i32
    %broadcast_in_dim3A_685 = vector.broadcast %broadcast_in_dim3A_684 : i32 to vector<64x128xi32>
    %slice3A_686 = vector.extract_strided_slice %add3A_683 {offsets = [0, 0], sizes = [1186, 128], strides = [1, 1]} : vector<1250x128xi32> to vector<1186x128xi32>
    %concatenate3A_687 = tpu.concatenate %broadcast_in_dim3A_685, %slice3A_686 in 0 : vector<64x128xi32>, vector<1186x128xi32> -> vector<1250x128xi32>
    %add3A_688 = arith.addi %add3A_683, %concatenate3A_687 : vector<1250x128xi32>
    %broadcast_in_dim3A_689 = arith.constant 0 : i32
    %broadcast_in_dim3A_690 = vector.broadcast %broadcast_in_dim3A_689 : i32 to vector<128x128xi32>
    %slice3A_691 = vector.extract_strided_slice %add3A_688 {offsets = [0, 0], sizes = [1122, 128], strides = [1, 1]} : vector<1250x128xi32> to vector<1122x128xi32>
    %concatenate3A_692 = tpu.concatenate %broadcast_in_dim3A_690, %slice3A_691 in 0 : vector<128x128xi32>, vector<1122x128xi32> -> vector<1250x128xi32>
    %add3A_693 = arith.addi %add3A_688, %concatenate3A_692 : vector<1250x128xi32>
    %broadcast_in_dim3A_694 = arith.constant 0 : i32
    %broadcast_in_dim3A_695 = vector.broadcast %broadcast_in_dim3A_694 : i32 to vector<256x128xi32>
    %slice3A_696 = vector.extract_strided_slice %add3A_693 {offsets = [0, 0], sizes = [994, 128], strides = [1, 1]} : vector<1250x128xi32> to vector<994x128xi32>
    %concatenate3A_697 = tpu.concatenate %broadcast_in_dim3A_695, %slice3A_696 in 0 : vector<256x128xi32>, vector<994x128xi32> -> vector<1250x128xi32>
    %add3A_698 = arith.addi %add3A_693, %concatenate3A_697 : vector<1250x128xi32>
    %broadcast_in_dim3A_699 = arith.constant 0 : i32
    %broadcast_in_dim3A_700 = vector.broadcast %broadcast_in_dim3A_699 : i32 to vector<512x128xi32>
    %slice3A_701 = vector.extract_strided_slice %add3A_698 {offsets = [0, 0], sizes = [738, 128], strides = [1, 1]} : vector<1250x128xi32> to vector<738x128xi32>
    %concatenate3A_702 = tpu.concatenate %broadcast_in_dim3A_700, %slice3A_701 in 0 : vector<512x128xi32>, vector<738x128xi32> -> vector<1250x128xi32>
    %add3A_703 = arith.addi %add3A_698, %concatenate3A_702 : vector<1250x128xi32>
    %broadcast_in_dim3A_704 = arith.constant 0 : i32
    %broadcast_in_dim3A_705 = vector.broadcast %broadcast_in_dim3A_704 : i32 to vector<1024x128xi32>
    %slice3A_706 = vector.extract_strided_slice %add3A_703 {offsets = [0, 0], sizes = [226, 128], strides = [1, 1]} : vector<1250x128xi32> to vector<226x128xi32>
    %concatenate3A_707 = tpu.concatenate %broadcast_in_dim3A_705, %slice3A_706 in 0 : vector<1024x128xi32>, vector<226x128xi32> -> vector<1250x128xi32>
    %add3A_708 = arith.addi %add3A_703, %concatenate3A_707 : vector<1250x128xi32>
    %add3A_709 = vector.broadcast %add3A_92 : i32 to vector<1x128xi32>
    %add3A_710 = arith.addi %add3A_709, %sub3A_653 : vector<1x128xi32>
    %add3A_711 = vector.broadcast %add3A_710 : vector<1x128xi32> to vector<1250x128xi32>
    %add3A_712 = arith.addi %add3A_711, %add3A_708 : vector<1250x128xi32>
    %sub3A_713 = arith.constant 1 : i32
    %sub3A_714 = vector.broadcast %sub3A_713 : i32 to vector<1250x128xi32>
    %sub3A_715 = arith.subi %add3A_712, %sub3A_714 : vector<1250x128xi32>
    %eq3A_716 = arith.constant 1 : i32
    %eq3A_717 = vector.broadcast %eq3A_716 : i32 to vector<1250x128xi32>
    %eq3A_718 = arith.cmpi eq, %get3A_1, %eq3A_717 : vector<1250x128xi32>
    %select_n3A_719 = arith.select %eq3A_718, %sub3A_715, %select_n3A_610 : vector<1250x128xi1>, vector<1250x128xi32>
    %eq3A_720 = arith.constant 2 : i32
    %eq3A_721 = vector.broadcast %eq3A_720 : i32 to vector<1250x128xi32>
    %eq3A_722 = arith.cmpi eq, %get3A_1, %eq3A_721 : vector<1250x128xi32>
    %convert_element_type3A_723 = arith.extui %eq3A_722 : vector<1250x128xi1> to vector<1250x128xi32>
    %reduce_sum3A_724 = arith.constant dense<0> : vector<128xi32>
    %reduce_sum3A_725 = vector.multi_reduction <add>, %convert_element_type3A_723, %reduce_sum3A_724 [0] : vector<1250x128xi32> to vector<128xi32>
    %broadcast_in_dim3A_726 = vector.shape_cast %reduce_sum3A_725 : vector<128xi32> to vector<1x128xi32>
    %broadcast_in_dim3A_727 = arith.constant 0 : i32
    %broadcast_in_dim3A_728 = vector.broadcast %broadcast_in_dim3A_727 : i32 to vector<1x1xi32>
    %slice3A_729 = vector.extract_strided_slice %broadcast_in_dim3A_726 {offsets = [0, 0], sizes = [1, 127], strides = [1, 1]} : vector<1x128xi32> to vector<1x127xi32>
    %concatenate3A_730 = tpu.concatenate %broadcast_in_dim3A_728, %slice3A_729 in 1 : vector<1x1xi32>, vector<1x127xi32> -> vector<1x128xi32>
    %add3A_731 = arith.addi %broadcast_in_dim3A_726, %concatenate3A_730 : vector<1x128xi32>
    %broadcast_in_dim3A_732 = arith.constant 0 : i32
    %broadcast_in_dim3A_733 = vector.broadcast %broadcast_in_dim3A_732 : i32 to vector<1x2xi32>
    %slice3A_734 = vector.extract_strided_slice %add3A_731 {offsets = [0, 0], sizes = [1, 126], strides = [1, 1]} : vector<1x128xi32> to vector<1x126xi32>
    %concatenate3A_735 = tpu.concatenate %broadcast_in_dim3A_733, %slice3A_734 in 1 : vector<1x2xi32>, vector<1x126xi32> -> vector<1x128xi32>
    %add3A_736 = arith.addi %add3A_731, %concatenate3A_735 : vector<1x128xi32>
    %broadcast_in_dim3A_737 = arith.constant 0 : i32
    %broadcast_in_dim3A_738 = vector.broadcast %broadcast_in_dim3A_737 : i32 to vector<1x4xi32>
    %slice3A_739 = vector.extract_strided_slice %add3A_736 {offsets = [0, 0], sizes = [1, 124], strides = [1, 1]} : vector<1x128xi32> to vector<1x124xi32>
    %concatenate3A_740 = tpu.concatenate %broadcast_in_dim3A_738, %slice3A_739 in 1 : vector<1x4xi32>, vector<1x124xi32> -> vector<1x128xi32>
    %add3A_741 = arith.addi %add3A_736, %concatenate3A_740 : vector<1x128xi32>
    %broadcast_in_dim3A_742 = arith.constant 0 : i32
    %broadcast_in_dim3A_743 = vector.broadcast %broadcast_in_dim3A_742 : i32 to vector<1x8xi32>
    %slice3A_744 = vector.extract_strided_slice %add3A_741 {offsets = [0, 0], sizes = [1, 120], strides = [1, 1]} : vector<1x128xi32> to vector<1x120xi32>
    %concatenate3A_745 = tpu.concatenate %broadcast_in_dim3A_743, %slice3A_744 in 1 : vector<1x8xi32>, vector<1x120xi32> -> vector<1x128xi32>
    %add3A_746 = arith.addi %add3A_741, %concatenate3A_745 : vector<1x128xi32>
    %broadcast_in_dim3A_747 = arith.constant 0 : i32
    %broadcast_in_dim3A_748 = vector.broadcast %broadcast_in_dim3A_747 : i32 to vector<1x16xi32>
    %slice3A_749 = vector.extract_strided_slice %add3A_746 {offsets = [0, 0], sizes = [1, 112], strides = [1, 1]} : vector<1x128xi32> to vector<1x112xi32>
    %concatenate3A_750 = tpu.concatenate %broadcast_in_dim3A_748, %slice3A_749 in 1 : vector<1x16xi32>, vector<1x112xi32> -> vector<1x128xi32>
    %add3A_751 = arith.addi %add3A_746, %concatenate3A_750 : vector<1x128xi32>
    %broadcast_in_dim3A_752 = arith.constant 0 : i32
    %broadcast_in_dim3A_753 = vector.broadcast %broadcast_in_dim3A_752 : i32 to vector<1x32xi32>
    %slice3A_754 = vector.extract_strided_slice %add3A_751 {offsets = [0, 0], sizes = [1, 96], strides = [1, 1]} : vector<1x128xi32> to vector<1x96xi32>
    %concatenate3A_755 = tpu.concatenate %broadcast_in_dim3A_753, %slice3A_754 in 1 : vector<1x32xi32>, vector<1x96xi32> -> vector<1x128xi32>
    %add3A_756 = arith.addi %add3A_751, %concatenate3A_755 : vector<1x128xi32>
    %broadcast_in_dim3A_757 = arith.constant 0 : i32
    %broadcast_in_dim3A_758 = vector.broadcast %broadcast_in_dim3A_757 : i32 to vector<1x64xi32>
    %slice3A_759 = vector.extract_strided_slice %add3A_756 {offsets = [0, 0], sizes = [1, 64], strides = [1, 1]} : vector<1x128xi32> to vector<1x64xi32>
    %concatenate3A_760 = tpu.concatenate %broadcast_in_dim3A_758, %slice3A_759 in 1 : vector<1x64xi32>, vector<1x64xi32> -> vector<1x128xi32>
    %add3A_761 = arith.addi %add3A_756, %concatenate3A_760 : vector<1x128xi32>
    %sub3A_762 = arith.subi %add3A_761, %broadcast_in_dim3A_726 : vector<1x128xi32>
    %broadcast_in_dim3A_763 = arith.constant 0 : i32
    %broadcast_in_dim3A_764 = vector.broadcast %broadcast_in_dim3A_763 : i32 to vector<1x128xi32>
    %slice3A_765 = vector.extract_strided_slice %convert_element_type3A_723 {offsets = [0, 0], sizes = [1249, 128], strides = [1, 1]} : vector<1250x128xi32> to vector<1249x128xi32>
    %concatenate3A_766 = tpu.concatenate %broadcast_in_dim3A_764, %slice3A_765 in 0 : vector<1x128xi32>, vector<1249x128xi32> -> vector<1250x128xi32>
    %add3A_767 = arith.addi %convert_element_type3A_723, %concatenate3A_766 : vector<1250x128xi32>
    %broadcast_in_dim3A_768 = arith.constant 0 : i32
    %broadcast_in_dim3A_769 = vector.broadcast %broadcast_in_dim3A_768 : i32 to vector<2x128xi32>
    %slice3A_770 = vector.extract_strided_slice %add3A_767 {offsets = [0, 0], sizes = [1248, 128], strides = [1, 1]} : vector<1250x128xi32> to vector<1248x128xi32>
    %concatenate3A_771 = tpu.concatenate %broadcast_in_dim3A_769, %slice3A_770 in 0 : vector<2x128xi32>, vector<1248x128xi32> -> vector<1250x128xi32>
    %add3A_772 = arith.addi %add3A_767, %concatenate3A_771 : vector<1250x128xi32>
    %broadcast_in_dim3A_773 = arith.constant 0 : i32
    %broadcast_in_dim3A_774 = vector.broadcast %broadcast_in_dim3A_773 : i32 to vector<4x128xi32>
    %slice3A_775 = vector.extract_strided_slice %add3A_772 {offsets = [0, 0], sizes = [1246, 128], strides = [1, 1]} : vector<1250x128xi32> to vector<1246x128xi32>
    %concatenate3A_776 = tpu.concatenate %broadcast_in_dim3A_774, %slice3A_775 in 0 : vector<4x128xi32>, vector<1246x128xi32> -> vector<1250x128xi32>
    %add3A_777 = arith.addi %add3A_772, %concatenate3A_776 : vector<1250x128xi32>
    %broadcast_in_dim3A_778 = arith.constant 0 : i32
    %broadcast_in_dim3A_779 = vector.broadcast %broadcast_in_dim3A_778 : i32 to vector<8x128xi32>
    %slice3A_780 = vector.extract_strided_slice %add3A_777 {offsets = [0, 0], sizes = [1242, 128], strides = [1, 1]} : vector<1250x128xi32> to vector<1242x128xi32>
    %concatenate3A_781 = tpu.concatenate %broadcast_in_dim3A_779, %slice3A_780 in 0 : vector<8x128xi32>, vector<1242x128xi32> -> vector<1250x128xi32>
    %add3A_782 = arith.addi %add3A_777, %concatenate3A_781 : vector<1250x128xi32>
    %broadcast_in_dim3A_783 = arith.constant 0 : i32
    %broadcast_in_dim3A_784 = vector.broadcast %broadcast_in_dim3A_783 : i32 to vector<16x128xi32>
    %slice3A_785 = vector.extract_strided_slice %add3A_782 {offsets = [0, 0], sizes = [1234, 128], strides = [1, 1]} : vector<1250x128xi32> to vector<1234x128xi32>
    %concatenate3A_786 = tpu.concatenate %broadcast_in_dim3A_784, %slice3A_785 in 0 : vector<16x128xi32>, vector<1234x128xi32> -> vector<1250x128xi32>
    %add3A_787 = arith.addi %add3A_782, %concatenate3A_786 : vector<1250x128xi32>
    %broadcast_in_dim3A_788 = arith.constant 0 : i32
    %broadcast_in_dim3A_789 = vector.broadcast %broadcast_in_dim3A_788 : i32 to vector<32x128xi32>
    %slice3A_790 = vector.extract_strided_slice %add3A_787 {offsets = [0, 0], sizes = [1218, 128], strides = [1, 1]} : vector<1250x128xi32> to vector<1218x128xi32>
    %concatenate3A_791 = tpu.concatenate %broadcast_in_dim3A_789, %slice3A_790 in 0 : vector<32x128xi32>, vector<1218x128xi32> -> vector<1250x128xi32>
    %add3A_792 = arith.addi %add3A_787, %concatenate3A_791 : vector<1250x128xi32>
    %broadcast_in_dim3A_793 = arith.constant 0 : i32
    %broadcast_in_dim3A_794 = vector.broadcast %broadcast_in_dim3A_793 : i32 to vector<64x128xi32>
    %slice3A_795 = vector.extract_strided_slice %add3A_792 {offsets = [0, 0], sizes = [1186, 128], strides = [1, 1]} : vector<1250x128xi32> to vector<1186x128xi32>
    %concatenate3A_796 = tpu.concatenate %broadcast_in_dim3A_794, %slice3A_795 in 0 : vector<64x128xi32>, vector<1186x128xi32> -> vector<1250x128xi32>
    %add3A_797 = arith.addi %add3A_792, %concatenate3A_796 : vector<1250x128xi32>
    %broadcast_in_dim3A_798 = arith.constant 0 : i32
    %broadcast_in_dim3A_799 = vector.broadcast %broadcast_in_dim3A_798 : i32 to vector<128x128xi32>
    %slice3A_800 = vector.extract_strided_slice %add3A_797 {offsets = [0, 0], sizes = [1122, 128], strides = [1, 1]} : vector<1250x128xi32> to vector<1122x128xi32>
    %concatenate3A_801 = tpu.concatenate %broadcast_in_dim3A_799, %slice3A_800 in 0 : vector<128x128xi32>, vector<1122x128xi32> -> vector<1250x128xi32>
    %add3A_802 = arith.addi %add3A_797, %concatenate3A_801 : vector<1250x128xi32>
    %broadcast_in_dim3A_803 = arith.constant 0 : i32
    %broadcast_in_dim3A_804 = vector.broadcast %broadcast_in_dim3A_803 : i32 to vector<256x128xi32>
    %slice3A_805 = vector.extract_strided_slice %add3A_802 {offsets = [0, 0], sizes = [994, 128], strides = [1, 1]} : vector<1250x128xi32> to vector<994x128xi32>
    %concatenate3A_806 = tpu.concatenate %broadcast_in_dim3A_804, %slice3A_805 in 0 : vector<256x128xi32>, vector<994x128xi32> -> vector<1250x128xi32>
    %add3A_807 = arith.addi %add3A_802, %concatenate3A_806 : vector<1250x128xi32>
    %broadcast_in_dim3A_808 = arith.constant 0 : i32
    %broadcast_in_dim3A_809 = vector.broadcast %broadcast_in_dim3A_808 : i32 to vector<512x128xi32>
    %slice3A_810 = vector.extract_strided_slice %add3A_807 {offsets = [0, 0], sizes = [738, 128], strides = [1, 1]} : vector<1250x128xi32> to vector<738x128xi32>
    %concatenate3A_811 = tpu.concatenate %broadcast_in_dim3A_809, %slice3A_810 in 0 : vector<512x128xi32>, vector<738x128xi32> -> vector<1250x128xi32>
    %add3A_812 = arith.addi %add3A_807, %concatenate3A_811 : vector<1250x128xi32>
    %broadcast_in_dim3A_813 = arith.constant 0 : i32
    %broadcast_in_dim3A_814 = vector.broadcast %broadcast_in_dim3A_813 : i32 to vector<1024x128xi32>
    %slice3A_815 = vector.extract_strided_slice %add3A_812 {offsets = [0, 0], sizes = [226, 128], strides = [1, 1]} : vector<1250x128xi32> to vector<226x128xi32>
    %concatenate3A_816 = tpu.concatenate %broadcast_in_dim3A_814, %slice3A_815 in 0 : vector<1024x128xi32>, vector<226x128xi32> -> vector<1250x128xi32>
    %add3A_817 = arith.addi %add3A_812, %concatenate3A_816 : vector<1250x128xi32>
    %add3A_818 = vector.broadcast %add3A_147 : i32 to vector<1x128xi32>
    %add3A_819 = arith.addi %add3A_818, %sub3A_762 : vector<1x128xi32>
    %add3A_820 = vector.broadcast %add3A_819 : vector<1x128xi32> to vector<1250x128xi32>
    %add3A_821 = arith.addi %add3A_820, %add3A_817 : vector<1250x128xi32>
    %sub3A_822 = arith.constant 1 : i32
    %sub3A_823 = vector.broadcast %sub3A_822 : i32 to vector<1250x128xi32>
    %sub3A_824 = arith.subi %add3A_821, %sub3A_823 : vector<1250x128xi32>
    %eq3A_825 = arith.constant 2 : i32
    %eq3A_826 = vector.broadcast %eq3A_825 : i32 to vector<1250x128xi32>
    %eq3A_827 = arith.cmpi eq, %get3A_1, %eq3A_826 : vector<1250x128xi32>
    %select_n3A_828 = arith.select %eq3A_827, %sub3A_824, %select_n3A_719 : vector<1250x128xi1>, vector<1250x128xi32>
    %eq3A_829 = arith.constant 3 : i32
    %eq3A_830 = vector.broadcast %eq3A_829 : i32 to vector<1250x128xi32>
    %eq3A_831 = arith.cmpi eq, %get3A_1, %eq3A_830 : vector<1250x128xi32>
    %convert_element_type3A_832 = arith.extui %eq3A_831 : vector<1250x128xi1> to vector<1250x128xi32>
    %reduce_sum3A_833 = arith.constant dense<0> : vector<128xi32>
    %reduce_sum3A_834 = vector.multi_reduction <add>, %convert_element_type3A_832, %reduce_sum3A_833 [0] : vector<1250x128xi32> to vector<128xi32>
    %broadcast_in_dim3A_835 = vector.shape_cast %reduce_sum3A_834 : vector<128xi32> to vector<1x128xi32>
    %broadcast_in_dim3A_836 = arith.constant 0 : i32
    %broadcast_in_dim3A_837 = vector.broadcast %broadcast_in_dim3A_836 : i32 to vector<1x1xi32>
    %slice3A_838 = vector.extract_strided_slice %broadcast_in_dim3A_835 {offsets = [0, 0], sizes = [1, 127], strides = [1, 1]} : vector<1x128xi32> to vector<1x127xi32>
    %concatenate3A_839 = tpu.concatenate %broadcast_in_dim3A_837, %slice3A_838 in 1 : vector<1x1xi32>, vector<1x127xi32> -> vector<1x128xi32>
    %add3A_840 = arith.addi %broadcast_in_dim3A_835, %concatenate3A_839 : vector<1x128xi32>
    %broadcast_in_dim3A_841 = arith.constant 0 : i32
    %broadcast_in_dim3A_842 = vector.broadcast %broadcast_in_dim3A_841 : i32 to vector<1x2xi32>
    %slice3A_843 = vector.extract_strided_slice %add3A_840 {offsets = [0, 0], sizes = [1, 126], strides = [1, 1]} : vector<1x128xi32> to vector<1x126xi32>
    %concatenate3A_844 = tpu.concatenate %broadcast_in_dim3A_842, %slice3A_843 in 1 : vector<1x2xi32>, vector<1x126xi32> -> vector<1x128xi32>
    %add3A_845 = arith.addi %add3A_840, %concatenate3A_844 : vector<1x128xi32>
    %broadcast_in_dim3A_846 = arith.constant 0 : i32
    %broadcast_in_dim3A_847 = vector.broadcast %broadcast_in_dim3A_846 : i32 to vector<1x4xi32>
    %slice3A_848 = vector.extract_strided_slice %add3A_845 {offsets = [0, 0], sizes = [1, 124], strides = [1, 1]} : vector<1x128xi32> to vector<1x124xi32>
    %concatenate3A_849 = tpu.concatenate %broadcast_in_dim3A_847, %slice3A_848 in 1 : vector<1x4xi32>, vector<1x124xi32> -> vector<1x128xi32>
    %add3A_850 = arith.addi %add3A_845, %concatenate3A_849 : vector<1x128xi32>
    %broadcast_in_dim3A_851 = arith.constant 0 : i32
    %broadcast_in_dim3A_852 = vector.broadcast %broadcast_in_dim3A_851 : i32 to vector<1x8xi32>
    %slice3A_853 = vector.extract_strided_slice %add3A_850 {offsets = [0, 0], sizes = [1, 120], strides = [1, 1]} : vector<1x128xi32> to vector<1x120xi32>
    %concatenate3A_854 = tpu.concatenate %broadcast_in_dim3A_852, %slice3A_853 in 1 : vector<1x8xi32>, vector<1x120xi32> -> vector<1x128xi32>
    %add3A_855 = arith.addi %add3A_850, %concatenate3A_854 : vector<1x128xi32>
    %broadcast_in_dim3A_856 = arith.constant 0 : i32
    %broadcast_in_dim3A_857 = vector.broadcast %broadcast_in_dim3A_856 : i32 to vector<1x16xi32>
    %slice3A_858 = vector.extract_strided_slice %add3A_855 {offsets = [0, 0], sizes = [1, 112], strides = [1, 1]} : vector<1x128xi32> to vector<1x112xi32>
    %concatenate3A_859 = tpu.concatenate %broadcast_in_dim3A_857, %slice3A_858 in 1 : vector<1x16xi32>, vector<1x112xi32> -> vector<1x128xi32>
    %add3A_860 = arith.addi %add3A_855, %concatenate3A_859 : vector<1x128xi32>
    %broadcast_in_dim3A_861 = arith.constant 0 : i32
    %broadcast_in_dim3A_862 = vector.broadcast %broadcast_in_dim3A_861 : i32 to vector<1x32xi32>
    %slice3A_863 = vector.extract_strided_slice %add3A_860 {offsets = [0, 0], sizes = [1, 96], strides = [1, 1]} : vector<1x128xi32> to vector<1x96xi32>
    %concatenate3A_864 = tpu.concatenate %broadcast_in_dim3A_862, %slice3A_863 in 1 : vector<1x32xi32>, vector<1x96xi32> -> vector<1x128xi32>
    %add3A_865 = arith.addi %add3A_860, %concatenate3A_864 : vector<1x128xi32>
    %broadcast_in_dim3A_866 = arith.constant 0 : i32
    %broadcast_in_dim3A_867 = vector.broadcast %broadcast_in_dim3A_866 : i32 to vector<1x64xi32>
    %slice3A_868 = vector.extract_strided_slice %add3A_865 {offsets = [0, 0], sizes = [1, 64], strides = [1, 1]} : vector<1x128xi32> to vector<1x64xi32>
    %concatenate3A_869 = tpu.concatenate %broadcast_in_dim3A_867, %slice3A_868 in 1 : vector<1x64xi32>, vector<1x64xi32> -> vector<1x128xi32>
    %add3A_870 = arith.addi %add3A_865, %concatenate3A_869 : vector<1x128xi32>
    %sub3A_871 = arith.subi %add3A_870, %broadcast_in_dim3A_835 : vector<1x128xi32>
    %broadcast_in_dim3A_872 = arith.constant 0 : i32
    %broadcast_in_dim3A_873 = vector.broadcast %broadcast_in_dim3A_872 : i32 to vector<1x128xi32>
    %slice3A_874 = vector.extract_strided_slice %convert_element_type3A_832 {offsets = [0, 0], sizes = [1249, 128], strides = [1, 1]} : vector<1250x128xi32> to vector<1249x128xi32>
    %concatenate3A_875 = tpu.concatenate %broadcast_in_dim3A_873, %slice3A_874 in 0 : vector<1x128xi32>, vector<1249x128xi32> -> vector<1250x128xi32>
    %add3A_876 = arith.addi %convert_element_type3A_832, %concatenate3A_875 : vector<1250x128xi32>
    %broadcast_in_dim3A_877 = arith.constant 0 : i32
    %broadcast_in_dim3A_878 = vector.broadcast %broadcast_in_dim3A_877 : i32 to vector<2x128xi32>
    %slice3A_879 = vector.extract_strided_slice %add3A_876 {offsets = [0, 0], sizes = [1248, 128], strides = [1, 1]} : vector<1250x128xi32> to vector<1248x128xi32>
    %concatenate3A_880 = tpu.concatenate %broadcast_in_dim3A_878, %slice3A_879 in 0 : vector<2x128xi32>, vector<1248x128xi32> -> vector<1250x128xi32>
    %add3A_881 = arith.addi %add3A_876, %concatenate3A_880 : vector<1250x128xi32>
    %broadcast_in_dim3A_882 = arith.constant 0 : i32
    %broadcast_in_dim3A_883 = vector.broadcast %broadcast_in_dim3A_882 : i32 to vector<4x128xi32>
    %slice3A_884 = vector.extract_strided_slice %add3A_881 {offsets = [0, 0], sizes = [1246, 128], strides = [1, 1]} : vector<1250x128xi32> to vector<1246x128xi32>
    %concatenate3A_885 = tpu.concatenate %broadcast_in_dim3A_883, %slice3A_884 in 0 : vector<4x128xi32>, vector<1246x128xi32> -> vector<1250x128xi32>
    %add3A_886 = arith.addi %add3A_881, %concatenate3A_885 : vector<1250x128xi32>
    %broadcast_in_dim3A_887 = arith.constant 0 : i32
    %broadcast_in_dim3A_888 = vector.broadcast %broadcast_in_dim3A_887 : i32 to vector<8x128xi32>
    %slice3A_889 = vector.extract_strided_slice %add3A_886 {offsets = [0, 0], sizes = [1242, 128], strides = [1, 1]} : vector<1250x128xi32> to vector<1242x128xi32>
    %concatenate3A_890 = tpu.concatenate %broadcast_in_dim3A_888, %slice3A_889 in 0 : vector<8x128xi32>, vector<1242x128xi32> -> vector<1250x128xi32>
    %add3A_891 = arith.addi %add3A_886, %concatenate3A_890 : vector<1250x128xi32>
    %broadcast_in_dim3A_892 = arith.constant 0 : i32
    %broadcast_in_dim3A_893 = vector.broadcast %broadcast_in_dim3A_892 : i32 to vector<16x128xi32>
    %slice3A_894 = vector.extract_strided_slice %add3A_891 {offsets = [0, 0], sizes = [1234, 128], strides = [1, 1]} : vector<1250x128xi32> to vector<1234x128xi32>
    %concatenate3A_895 = tpu.concatenate %broadcast_in_dim3A_893, %slice3A_894 in 0 : vector<16x128xi32>, vector<1234x128xi32> -> vector<1250x128xi32>
    %add3A_896 = arith.addi %add3A_891, %concatenate3A_895 : vector<1250x128xi32>
    %broadcast_in_dim3A_897 = arith.constant 0 : i32
    %broadcast_in_dim3A_898 = vector.broadcast %broadcast_in_dim3A_897 : i32 to vector<32x128xi32>
    %slice3A_899 = vector.extract_strided_slice %add3A_896 {offsets = [0, 0], sizes = [1218, 128], strides = [1, 1]} : vector<1250x128xi32> to vector<1218x128xi32>
    %concatenate3A_900 = tpu.concatenate %broadcast_in_dim3A_898, %slice3A_899 in 0 : vector<32x128xi32>, vector<1218x128xi32> -> vector<1250x128xi32>
    %add3A_901 = arith.addi %add3A_896, %concatenate3A_900 : vector<1250x128xi32>
    %broadcast_in_dim3A_902 = arith.constant 0 : i32
    %broadcast_in_dim3A_903 = vector.broadcast %broadcast_in_dim3A_902 : i32 to vector<64x128xi32>
    %slice3A_904 = vector.extract_strided_slice %add3A_901 {offsets = [0, 0], sizes = [1186, 128], strides = [1, 1]} : vector<1250x128xi32> to vector<1186x128xi32>
    %concatenate3A_905 = tpu.concatenate %broadcast_in_dim3A_903, %slice3A_904 in 0 : vector<64x128xi32>, vector<1186x128xi32> -> vector<1250x128xi32>
    %add3A_906 = arith.addi %add3A_901, %concatenate3A_905 : vector<1250x128xi32>
    %broadcast_in_dim3A_907 = arith.constant 0 : i32
    %broadcast_in_dim3A_908 = vector.broadcast %broadcast_in_dim3A_907 : i32 to vector<128x128xi32>
    %slice3A_909 = vector.extract_strided_slice %add3A_906 {offsets = [0, 0], sizes = [1122, 128], strides = [1, 1]} : vector<1250x128xi32> to vector<1122x128xi32>
    %concatenate3A_910 = tpu.concatenate %broadcast_in_dim3A_908, %slice3A_909 in 0 : vector<128x128xi32>, vector<1122x128xi32> -> vector<1250x128xi32>
    %add3A_911 = arith.addi %add3A_906, %concatenate3A_910 : vector<1250x128xi32>
    %broadcast_in_dim3A_912 = arith.constant 0 : i32
    %broadcast_in_dim3A_913 = vector.broadcast %broadcast_in_dim3A_912 : i32 to vector<256x128xi32>
    %slice3A_914 = vector.extract_strided_slice %add3A_911 {offsets = [0, 0], sizes = [994, 128], strides = [1, 1]} : vector<1250x128xi32> to vector<994x128xi32>
    %concatenate3A_915 = tpu.concatenate %broadcast_in_dim3A_913, %slice3A_914 in 0 : vector<256x128xi32>, vector<994x128xi32> -> vector<1250x128xi32>
    %add3A_916 = arith.addi %add3A_911, %concatenate3A_915 : vector<1250x128xi32>
    %broadcast_in_dim3A_917 = arith.constant 0 : i32
    %broadcast_in_dim3A_918 = vector.broadcast %broadcast_in_dim3A_917 : i32 to vector<512x128xi32>
    %slice3A_919 = vector.extract_strided_slice %add3A_916 {offsets = [0, 0], sizes = [738, 128], strides = [1, 1]} : vector<1250x128xi32> to vector<738x128xi32>
    %concatenate3A_920 = tpu.concatenate %broadcast_in_dim3A_918, %slice3A_919 in 0 : vector<512x128xi32>, vector<738x128xi32> -> vector<1250x128xi32>
    %add3A_921 = arith.addi %add3A_916, %concatenate3A_920 : vector<1250x128xi32>
    %broadcast_in_dim3A_922 = arith.constant 0 : i32
    %broadcast_in_dim3A_923 = vector.broadcast %broadcast_in_dim3A_922 : i32 to vector<1024x128xi32>
    %slice3A_924 = vector.extract_strided_slice %add3A_921 {offsets = [0, 0], sizes = [226, 128], strides = [1, 1]} : vector<1250x128xi32> to vector<226x128xi32>
    %concatenate3A_925 = tpu.concatenate %broadcast_in_dim3A_923, %slice3A_924 in 0 : vector<1024x128xi32>, vector<226x128xi32> -> vector<1250x128xi32>
    %add3A_926 = arith.addi %add3A_921, %concatenate3A_925 : vector<1250x128xi32>
    %add3A_927 = vector.broadcast %add3A_202 : i32 to vector<1x128xi32>
    %add3A_928 = arith.addi %add3A_927, %sub3A_871 : vector<1x128xi32>
    %add3A_929 = vector.broadcast %add3A_928 : vector<1x128xi32> to vector<1250x128xi32>
    %add3A_930 = arith.addi %add3A_929, %add3A_926 : vector<1250x128xi32>
    %sub3A_931 = arith.constant 1 : i32
    %sub3A_932 = vector.broadcast %sub3A_931 : i32 to vector<1250x128xi32>
    %sub3A_933 = arith.subi %add3A_930, %sub3A_932 : vector<1250x128xi32>
    %eq3A_934 = arith.constant 3 : i32
    %eq3A_935 = vector.broadcast %eq3A_934 : i32 to vector<1250x128xi32>
    %eq3A_936 = arith.cmpi eq, %get3A_1, %eq3A_935 : vector<1250x128xi32>
    %select_n3A_937 = arith.select %eq3A_936, %sub3A_933, %select_n3A_828 : vector<1250x128xi1>, vector<1250x128xi32>
    %eq3A_938 = arith.constant 4 : i32
    %eq3A_939 = vector.broadcast %eq3A_938 : i32 to vector<1250x128xi32>
    %eq3A_940 = arith.cmpi eq, %get3A_1, %eq3A_939 : vector<1250x128xi32>
    %convert_element_type3A_941 = arith.extui %eq3A_940 : vector<1250x128xi1> to vector<1250x128xi32>
    %reduce_sum3A_942 = arith.constant dense<0> : vector<128xi32>
    %reduce_sum3A_943 = vector.multi_reduction <add>, %convert_element_type3A_941, %reduce_sum3A_942 [0] : vector<1250x128xi32> to vector<128xi32>
    %broadcast_in_dim3A_944 = vector.shape_cast %reduce_sum3A_943 : vector<128xi32> to vector<1x128xi32>
    %broadcast_in_dim3A_945 = arith.constant 0 : i32
    %broadcast_in_dim3A_946 = vector.broadcast %broadcast_in_dim3A_945 : i32 to vector<1x1xi32>
    %slice3A_947 = vector.extract_strided_slice %broadcast_in_dim3A_944 {offsets = [0, 0], sizes = [1, 127], strides = [1, 1]} : vector<1x128xi32> to vector<1x127xi32>
    %concatenate3A_948 = tpu.concatenate %broadcast_in_dim3A_946, %slice3A_947 in 1 : vector<1x1xi32>, vector<1x127xi32> -> vector<1x128xi32>
    %add3A_949 = arith.addi %broadcast_in_dim3A_944, %concatenate3A_948 : vector<1x128xi32>
    %broadcast_in_dim3A_950 = arith.constant 0 : i32
    %broadcast_in_dim3A_951 = vector.broadcast %broadcast_in_dim3A_950 : i32 to vector<1x2xi32>
    %slice3A_952 = vector.extract_strided_slice %add3A_949 {offsets = [0, 0], sizes = [1, 126], strides = [1, 1]} : vector<1x128xi32> to vector<1x126xi32>
    %concatenate3A_953 = tpu.concatenate %broadcast_in_dim3A_951, %slice3A_952 in 1 : vector<1x2xi32>, vector<1x126xi32> -> vector<1x128xi32>
    %add3A_954 = arith.addi %add3A_949, %concatenate3A_953 : vector<1x128xi32>
    %broadcast_in_dim3A_955 = arith.constant 0 : i32
    %broadcast_in_dim3A_956 = vector.broadcast %broadcast_in_dim3A_955 : i32 to vector<1x4xi32>
    %slice3A_957 = vector.extract_strided_slice %add3A_954 {offsets = [0, 0], sizes = [1, 124], strides = [1, 1]} : vector<1x128xi32> to vector<1x124xi32>
    %concatenate3A_958 = tpu.concatenate %broadcast_in_dim3A_956, %slice3A_957 in 1 : vector<1x4xi32>, vector<1x124xi32> -> vector<1x128xi32>
    %add3A_959 = arith.addi %add3A_954, %concatenate3A_958 : vector<1x128xi32>
    %broadcast_in_dim3A_960 = arith.constant 0 : i32
    %broadcast_in_dim3A_961 = vector.broadcast %broadcast_in_dim3A_960 : i32 to vector<1x8xi32>
    %slice3A_962 = vector.extract_strided_slice %add3A_959 {offsets = [0, 0], sizes = [1, 120], strides = [1, 1]} : vector<1x128xi32> to vector<1x120xi32>
    %concatenate3A_963 = tpu.concatenate %broadcast_in_dim3A_961, %slice3A_962 in 1 : vector<1x8xi32>, vector<1x120xi32> -> vector<1x128xi32>
    %add3A_964 = arith.addi %add3A_959, %concatenate3A_963 : vector<1x128xi32>
    %broadcast_in_dim3A_965 = arith.constant 0 : i32
    %broadcast_in_dim3A_966 = vector.broadcast %broadcast_in_dim3A_965 : i32 to vector<1x16xi32>
    %slice3A_967 = vector.extract_strided_slice %add3A_964 {offsets = [0, 0], sizes = [1, 112], strides = [1, 1]} : vector<1x128xi32> to vector<1x112xi32>
    %concatenate3A_968 = tpu.concatenate %broadcast_in_dim3A_966, %slice3A_967 in 1 : vector<1x16xi32>, vector<1x112xi32> -> vector<1x128xi32>
    %add3A_969 = arith.addi %add3A_964, %concatenate3A_968 : vector<1x128xi32>
    %broadcast_in_dim3A_970 = arith.constant 0 : i32
    %broadcast_in_dim3A_971 = vector.broadcast %broadcast_in_dim3A_970 : i32 to vector<1x32xi32>
    %slice3A_972 = vector.extract_strided_slice %add3A_969 {offsets = [0, 0], sizes = [1, 96], strides = [1, 1]} : vector<1x128xi32> to vector<1x96xi32>
    %concatenate3A_973 = tpu.concatenate %broadcast_in_dim3A_971, %slice3A_972 in 1 : vector<1x32xi32>, vector<1x96xi32> -> vector<1x128xi32>
    %add3A_974 = arith.addi %add3A_969, %concatenate3A_973 : vector<1x128xi32>
    %broadcast_in_dim3A_975 = arith.constant 0 : i32
    %broadcast_in_dim3A_976 = vector.broadcast %broadcast_in_dim3A_975 : i32 to vector<1x64xi32>
    %slice3A_977 = vector.extract_strided_slice %add3A_974 {offsets = [0, 0], sizes = [1, 64], strides = [1, 1]} : vector<1x128xi32> to vector<1x64xi32>
    %concatenate3A_978 = tpu.concatenate %broadcast_in_dim3A_976, %slice3A_977 in 1 : vector<1x64xi32>, vector<1x64xi32> -> vector<1x128xi32>
    %add3A_979 = arith.addi %add3A_974, %concatenate3A_978 : vector<1x128xi32>
    %sub3A_980 = arith.subi %add3A_979, %broadcast_in_dim3A_944 : vector<1x128xi32>
    %broadcast_in_dim3A_981 = arith.constant 0 : i32
    %broadcast_in_dim3A_982 = vector.broadcast %broadcast_in_dim3A_981 : i32 to vector<1x128xi32>
    %slice3A_983 = vector.extract_strided_slice %convert_element_type3A_941 {offsets = [0, 0], sizes = [1249, 128], strides = [1, 1]} : vector<1250x128xi32> to vector<1249x128xi32>
    %concatenate3A_984 = tpu.concatenate %broadcast_in_dim3A_982, %slice3A_983 in 0 : vector<1x128xi32>, vector<1249x128xi32> -> vector<1250x128xi32>
    %add3A_985 = arith.addi %convert_element_type3A_941, %concatenate3A_984 : vector<1250x128xi32>
    %broadcast_in_dim3A_986 = arith.constant 0 : i32
    %broadcast_in_dim3A_987 = vector.broadcast %broadcast_in_dim3A_986 : i32 to vector<2x128xi32>
    %slice3A_988 = vector.extract_strided_slice %add3A_985 {offsets = [0, 0], sizes = [1248, 128], strides = [1, 1]} : vector<1250x128xi32> to vector<1248x128xi32>
    %concatenate3A_989 = tpu.concatenate %broadcast_in_dim3A_987, %slice3A_988 in 0 : vector<2x128xi32>, vector<1248x128xi32> -> vector<1250x128xi32>
    %add3A_990 = arith.addi %add3A_985, %concatenate3A_989 : vector<1250x128xi32>
    %broadcast_in_dim3A_991 = arith.constant 0 : i32
    %broadcast_in_dim3A_992 = vector.broadcast %broadcast_in_dim3A_991 : i32 to vector<4x128xi32>
    %slice3A_993 = vector.extract_strided_slice %add3A_990 {offsets = [0, 0], sizes = [1246, 128], strides = [1, 1]} : vector<1250x128xi32> to vector<1246x128xi32>
    %concatenate3A_994 = tpu.concatenate %broadcast_in_dim3A_992, %slice3A_993 in 0 : vector<4x128xi32>, vector<1246x128xi32> -> vector<1250x128xi32>
    %add3A_995 = arith.addi %add3A_990, %concatenate3A_994 : vector<1250x128xi32>
    %broadcast_in_dim3A_996 = arith.constant 0 : i32
    %broadcast_in_dim3A_997 = vector.broadcast %broadcast_in_dim3A_996 : i32 to vector<8x128xi32>
    %slice3A_998 = vector.extract_strided_slice %add3A_995 {offsets = [0, 0], sizes = [1242, 128], strides = [1, 1]} : vector<1250x128xi32> to vector<1242x128xi32>
    %concatenate3A_999 = tpu.concatenate %broadcast_in_dim3A_997, %slice3A_998 in 0 : vector<8x128xi32>, vector<1242x128xi32> -> vector<1250x128xi32>
    %add3A_1000 = arith.addi %add3A_995, %concatenate3A_999 : vector<1250x128xi32>
    %broadcast_in_dim3A_1001 = arith.constant 0 : i32
    %broadcast_in_dim3A_1002 = vector.broadcast %broadcast_in_dim3A_1001 : i32 to vector<16x128xi32>
    %slice3A_1003 = vector.extract_strided_slice %add3A_1000 {offsets = [0, 0], sizes = [1234, 128], strides = [1, 1]} : vector<1250x128xi32> to vector<1234x128xi32>
    %concatenate3A_1004 = tpu.concatenate %broadcast_in_dim3A_1002, %slice3A_1003 in 0 : vector<16x128xi32>, vector<1234x128xi32> -> vector<1250x128xi32>
    %add3A_1005 = arith.addi %add3A_1000, %concatenate3A_1004 : vector<1250x128xi32>
    %broadcast_in_dim3A_1006 = arith.constant 0 : i32
    %broadcast_in_dim3A_1007 = vector.broadcast %broadcast_in_dim3A_1006 : i32 to vector<32x128xi32>
    %slice3A_1008 = vector.extract_strided_slice %add3A_1005 {offsets = [0, 0], sizes = [1218, 128], strides = [1, 1]} : vector<1250x128xi32> to vector<1218x128xi32>
    %concatenate3A_1009 = tpu.concatenate %broadcast_in_dim3A_1007, %slice3A_1008 in 0 : vector<32x128xi32>, vector<1218x128xi32> -> vector<1250x128xi32>
    %add3A_1010 = arith.addi %add3A_1005, %concatenate3A_1009 : vector<1250x128xi32>
    %broadcast_in_dim3A_1011 = arith.constant 0 : i32
    %broadcast_in_dim3A_1012 = vector.broadcast %broadcast_in_dim3A_1011 : i32 to vector<64x128xi32>
    %slice3A_1013 = vector.extract_strided_slice %add3A_1010 {offsets = [0, 0], sizes = [1186, 128], strides = [1, 1]} : vector<1250x128xi32> to vector<1186x128xi32>
    %concatenate3A_1014 = tpu.concatenate %broadcast_in_dim3A_1012, %slice3A_1013 in 0 : vector<64x128xi32>, vector<1186x128xi32> -> vector<1250x128xi32>
    %add3A_1015 = arith.addi %add3A_1010, %concatenate3A_1014 : vector<1250x128xi32>
    %broadcast_in_dim3A_1016 = arith.constant 0 : i32
    %broadcast_in_dim3A_1017 = vector.broadcast %broadcast_in_dim3A_1016 : i32 to vector<128x128xi32>
    %slice3A_1018 = vector.extract_strided_slice %add3A_1015 {offsets = [0, 0], sizes = [1122, 128], strides = [1, 1]} : vector<1250x128xi32> to vector<1122x128xi32>
    %concatenate3A_1019 = tpu.concatenate %broadcast_in_dim3A_1017, %slice3A_1018 in 0 : vector<128x128xi32>, vector<1122x128xi32> -> vector<1250x128xi32>
    %add3A_1020 = arith.addi %add3A_1015, %concatenate3A_1019 : vector<1250x128xi32>
    %broadcast_in_dim3A_1021 = arith.constant 0 : i32
    %broadcast_in_dim3A_1022 = vector.broadcast %broadcast_in_dim3A_1021 : i32 to vector<256x128xi32>
    %slice3A_1023 = vector.extract_strided_slice %add3A_1020 {offsets = [0, 0], sizes = [994, 128], strides = [1, 1]} : vector<1250x128xi32> to vector<994x128xi32>
    %concatenate3A_1024 = tpu.concatenate %broadcast_in_dim3A_1022, %slice3A_1023 in 0 : vector<256x128xi32>, vector<994x128xi32> -> vector<1250x128xi32>
    %add3A_1025 = arith.addi %add3A_1020, %concatenate3A_1024 : vector<1250x128xi32>
    %broadcast_in_dim3A_1026 = arith.constant 0 : i32
    %broadcast_in_dim3A_1027 = vector.broadcast %broadcast_in_dim3A_1026 : i32 to vector<512x128xi32>
    %slice3A_1028 = vector.extract_strided_slice %add3A_1025 {offsets = [0, 0], sizes = [738, 128], strides = [1, 1]} : vector<1250x128xi32> to vector<738x128xi32>
    %concatenate3A_1029 = tpu.concatenate %broadcast_in_dim3A_1027, %slice3A_1028 in 0 : vector<512x128xi32>, vector<738x128xi32> -> vector<1250x128xi32>
    %add3A_1030 = arith.addi %add3A_1025, %concatenate3A_1029 : vector<1250x128xi32>
    %broadcast_in_dim3A_1031 = arith.constant 0 : i32
    %broadcast_in_dim3A_1032 = vector.broadcast %broadcast_in_dim3A_1031 : i32 to vector<1024x128xi32>
    %slice3A_1033 = vector.extract_strided_slice %add3A_1030 {offsets = [0, 0], sizes = [226, 128], strides = [1, 1]} : vector<1250x128xi32> to vector<226x128xi32>
    %concatenate3A_1034 = tpu.concatenate %broadcast_in_dim3A_1032, %slice3A_1033 in 0 : vector<1024x128xi32>, vector<226x128xi32> -> vector<1250x128xi32>
    %add3A_1035 = arith.addi %add3A_1030, %concatenate3A_1034 : vector<1250x128xi32>
    %add3A_1036 = vector.broadcast %add3A_257 : i32 to vector<1x128xi32>
    %add3A_1037 = arith.addi %add3A_1036, %sub3A_980 : vector<1x128xi32>
    %add3A_1038 = vector.broadcast %add3A_1037 : vector<1x128xi32> to vector<1250x128xi32>
    %add3A_1039 = arith.addi %add3A_1038, %add3A_1035 : vector<1250x128xi32>
    %sub3A_1040 = arith.constant 1 : i32
    %sub3A_1041 = vector.broadcast %sub3A_1040 : i32 to vector<1250x128xi32>
    %sub3A_1042 = arith.subi %add3A_1039, %sub3A_1041 : vector<1250x128xi32>
    %eq3A_1043 = arith.constant 4 : i32
    %eq3A_1044 = vector.broadcast %eq3A_1043 : i32 to vector<1250x128xi32>
    %eq3A_1045 = arith.cmpi eq, %get3A_1, %eq3A_1044 : vector<1250x128xi32>
    %select_n3A_1046 = arith.select %eq3A_1045, %sub3A_1042, %select_n3A_937 : vector<1250x128xi1>, vector<1250x128xi32>
    %eq3A_1047 = arith.constant 5 : i32
    %eq3A_1048 = vector.broadcast %eq3A_1047 : i32 to vector<1250x128xi32>
    %eq3A_1049 = arith.cmpi eq, %get3A_1, %eq3A_1048 : vector<1250x128xi32>
    %convert_element_type3A_1050 = arith.extui %eq3A_1049 : vector<1250x128xi1> to vector<1250x128xi32>
    %reduce_sum3A_1051 = arith.constant dense<0> : vector<128xi32>
    %reduce_sum3A_1052 = vector.multi_reduction <add>, %convert_element_type3A_1050, %reduce_sum3A_1051 [0] : vector<1250x128xi32> to vector<128xi32>
    %broadcast_in_dim3A_1053 = vector.shape_cast %reduce_sum3A_1052 : vector<128xi32> to vector<1x128xi32>
    %broadcast_in_dim3A_1054 = arith.constant 0 : i32
    %broadcast_in_dim3A_1055 = vector.broadcast %broadcast_in_dim3A_1054 : i32 to vector<1x1xi32>
    %slice3A_1056 = vector.extract_strided_slice %broadcast_in_dim3A_1053 {offsets = [0, 0], sizes = [1, 127], strides = [1, 1]} : vector<1x128xi32> to vector<1x127xi32>
    %concatenate3A_1057 = tpu.concatenate %broadcast_in_dim3A_1055, %slice3A_1056 in 1 : vector<1x1xi32>, vector<1x127xi32> -> vector<1x128xi32>
    %add3A_1058 = arith.addi %broadcast_in_dim3A_1053, %concatenate3A_1057 : vector<1x128xi32>
    %broadcast_in_dim3A_1059 = arith.constant 0 : i32
    %broadcast_in_dim3A_1060 = vector.broadcast %broadcast_in_dim3A_1059 : i32 to vector<1x2xi32>
    %slice3A_1061 = vector.extract_strided_slice %add3A_1058 {offsets = [0, 0], sizes = [1, 126], strides = [1, 1]} : vector<1x128xi32> to vector<1x126xi32>
    %concatenate3A_1062 = tpu.concatenate %broadcast_in_dim3A_1060, %slice3A_1061 in 1 : vector<1x2xi32>, vector<1x126xi32> -> vector<1x128xi32>
    %add3A_1063 = arith.addi %add3A_1058, %concatenate3A_1062 : vector<1x128xi32>
    %broadcast_in_dim3A_1064 = arith.constant 0 : i32
    %broadcast_in_dim3A_1065 = vector.broadcast %broadcast_in_dim3A_1064 : i32 to vector<1x4xi32>
    %slice3A_1066 = vector.extract_strided_slice %add3A_1063 {offsets = [0, 0], sizes = [1, 124], strides = [1, 1]} : vector<1x128xi32> to vector<1x124xi32>
    %concatenate3A_1067 = tpu.concatenate %broadcast_in_dim3A_1065, %slice3A_1066 in 1 : vector<1x4xi32>, vector<1x124xi32> -> vector<1x128xi32>
    %add3A_1068 = arith.addi %add3A_1063, %concatenate3A_1067 : vector<1x128xi32>
    %broadcast_in_dim3A_1069 = arith.constant 0 : i32
    %broadcast_in_dim3A_1070 = vector.broadcast %broadcast_in_dim3A_1069 : i32 to vector<1x8xi32>
    %slice3A_1071 = vector.extract_strided_slice %add3A_1068 {offsets = [0, 0], sizes = [1, 120], strides = [1, 1]} : vector<1x128xi32> to vector<1x120xi32>
    %concatenate3A_1072 = tpu.concatenate %broadcast_in_dim3A_1070, %slice3A_1071 in 1 : vector<1x8xi32>, vector<1x120xi32> -> vector<1x128xi32>
    %add3A_1073 = arith.addi %add3A_1068, %concatenate3A_1072 : vector<1x128xi32>
    %broadcast_in_dim3A_1074 = arith.constant 0 : i32
    %broadcast_in_dim3A_1075 = vector.broadcast %broadcast_in_dim3A_1074 : i32 to vector<1x16xi32>
    %slice3A_1076 = vector.extract_strided_slice %add3A_1073 {offsets = [0, 0], sizes = [1, 112], strides = [1, 1]} : vector<1x128xi32> to vector<1x112xi32>
    %concatenate3A_1077 = tpu.concatenate %broadcast_in_dim3A_1075, %slice3A_1076 in 1 : vector<1x16xi32>, vector<1x112xi32> -> vector<1x128xi32>
    %add3A_1078 = arith.addi %add3A_1073, %concatenate3A_1077 : vector<1x128xi32>
    %broadcast_in_dim3A_1079 = arith.constant 0 : i32
    %broadcast_in_dim3A_1080 = vector.broadcast %broadcast_in_dim3A_1079 : i32 to vector<1x32xi32>
    %slice3A_1081 = vector.extract_strided_slice %add3A_1078 {offsets = [0, 0], sizes = [1, 96], strides = [1, 1]} : vector<1x128xi32> to vector<1x96xi32>
    %concatenate3A_1082 = tpu.concatenate %broadcast_in_dim3A_1080, %slice3A_1081 in 1 : vector<1x32xi32>, vector<1x96xi32> -> vector<1x128xi32>
    %add3A_1083 = arith.addi %add3A_1078, %concatenate3A_1082 : vector<1x128xi32>
    %broadcast_in_dim3A_1084 = arith.constant 0 : i32
    %broadcast_in_dim3A_1085 = vector.broadcast %broadcast_in_dim3A_1084 : i32 to vector<1x64xi32>
    %slice3A_1086 = vector.extract_strided_slice %add3A_1083 {offsets = [0, 0], sizes = [1, 64], strides = [1, 1]} : vector<1x128xi32> to vector<1x64xi32>
    %concatenate3A_1087 = tpu.concatenate %broadcast_in_dim3A_1085, %slice3A_1086 in 1 : vector<1x64xi32>, vector<1x64xi32> -> vector<1x128xi32>
    %add3A_1088 = arith.addi %add3A_1083, %concatenate3A_1087 : vector<1x128xi32>
    %sub3A_1089 = arith.subi %add3A_1088, %broadcast_in_dim3A_1053 : vector<1x128xi32>
    %broadcast_in_dim3A_1090 = arith.constant 0 : i32
    %broadcast_in_dim3A_1091 = vector.broadcast %broadcast_in_dim3A_1090 : i32 to vector<1x128xi32>
    %slice3A_1092 = vector.extract_strided_slice %convert_element_type3A_1050 {offsets = [0, 0], sizes = [1249, 128], strides = [1, 1]} : vector<1250x128xi32> to vector<1249x128xi32>
    %concatenate3A_1093 = tpu.concatenate %broadcast_in_dim3A_1091, %slice3A_1092 in 0 : vector<1x128xi32>, vector<1249x128xi32> -> vector<1250x128xi32>
    %add3A_1094 = arith.addi %convert_element_type3A_1050, %concatenate3A_1093 : vector<1250x128xi32>
    %broadcast_in_dim3A_1095 = arith.constant 0 : i32
    %broadcast_in_dim3A_1096 = vector.broadcast %broadcast_in_dim3A_1095 : i32 to vector<2x128xi32>
    %slice3A_1097 = vector.extract_strided_slice %add3A_1094 {offsets = [0, 0], sizes = [1248, 128], strides = [1, 1]} : vector<1250x128xi32> to vector<1248x128xi32>
    %concatenate3A_1098 = tpu.concatenate %broadcast_in_dim3A_1096, %slice3A_1097 in 0 : vector<2x128xi32>, vector<1248x128xi32> -> vector<1250x128xi32>
    %add3A_1099 = arith.addi %add3A_1094, %concatenate3A_1098 : vector<1250x128xi32>
    %broadcast_in_dim3A_1100 = arith.constant 0 : i32
    %broadcast_in_dim3A_1101 = vector.broadcast %broadcast_in_dim3A_1100 : i32 to vector<4x128xi32>
    %slice3A_1102 = vector.extract_strided_slice %add3A_1099 {offsets = [0, 0], sizes = [1246, 128], strides = [1, 1]} : vector<1250x128xi32> to vector<1246x128xi32>
    %concatenate3A_1103 = tpu.concatenate %broadcast_in_dim3A_1101, %slice3A_1102 in 0 : vector<4x128xi32>, vector<1246x128xi32> -> vector<1250x128xi32>
    %add3A_1104 = arith.addi %add3A_1099, %concatenate3A_1103 : vector<1250x128xi32>
    %broadcast_in_dim3A_1105 = arith.constant 0 : i32
    %broadcast_in_dim3A_1106 = vector.broadcast %broadcast_in_dim3A_1105 : i32 to vector<8x128xi32>
    %slice3A_1107 = vector.extract_strided_slice %add3A_1104 {offsets = [0, 0], sizes = [1242, 128], strides = [1, 1]} : vector<1250x128xi32> to vector<1242x128xi32>
    %concatenate3A_1108 = tpu.concatenate %broadcast_in_dim3A_1106, %slice3A_1107 in 0 : vector<8x128xi32>, vector<1242x128xi32> -> vector<1250x128xi32>
    %add3A_1109 = arith.addi %add3A_1104, %concatenate3A_1108 : vector<1250x128xi32>
    %broadcast_in_dim3A_1110 = arith.constant 0 : i32
    %broadcast_in_dim3A_1111 = vector.broadcast %broadcast_in_dim3A_1110 : i32 to vector<16x128xi32>
    %slice3A_1112 = vector.extract_strided_slice %add3A_1109 {offsets = [0, 0], sizes = [1234, 128], strides = [1, 1]} : vector<1250x128xi32> to vector<1234x128xi32>
    %concatenate3A_1113 = tpu.concatenate %broadcast_in_dim3A_1111, %slice3A_1112 in 0 : vector<16x128xi32>, vector<1234x128xi32> -> vector<1250x128xi32>
    %add3A_1114 = arith.addi %add3A_1109, %concatenate3A_1113 : vector<1250x128xi32>
    %broadcast_in_dim3A_1115 = arith.constant 0 : i32
    %broadcast_in_dim3A_1116 = vector.broadcast %broadcast_in_dim3A_1115 : i32 to vector<32x128xi32>
    %slice3A_1117 = vector.extract_strided_slice %add3A_1114 {offsets = [0, 0], sizes = [1218, 128], strides = [1, 1]} : vector<1250x128xi32> to vector<1218x128xi32>
    %concatenate3A_1118 = tpu.concatenate %broadcast_in_dim3A_1116, %slice3A_1117 in 0 : vector<32x128xi32>, vector<1218x128xi32> -> vector<1250x128xi32>
    %add3A_1119 = arith.addi %add3A_1114, %concatenate3A_1118 : vector<1250x128xi32>
    %broadcast_in_dim3A_1120 = arith.constant 0 : i32
    %broadcast_in_dim3A_1121 = vector.broadcast %broadcast_in_dim3A_1120 : i32 to vector<64x128xi32>
    %slice3A_1122 = vector.extract_strided_slice %add3A_1119 {offsets = [0, 0], sizes = [1186, 128], strides = [1, 1]} : vector<1250x128xi32> to vector<1186x128xi32>
    %concatenate3A_1123 = tpu.concatenate %broadcast_in_dim3A_1121, %slice3A_1122 in 0 : vector<64x128xi32>, vector<1186x128xi32> -> vector<1250x128xi32>
    %add3A_1124 = arith.addi %add3A_1119, %concatenate3A_1123 : vector<1250x128xi32>
    %broadcast_in_dim3A_1125 = arith.constant 0 : i32
    %broadcast_in_dim3A_1126 = vector.broadcast %broadcast_in_dim3A_1125 : i32 to vector<128x128xi32>
    %slice3A_1127 = vector.extract_strided_slice %add3A_1124 {offsets = [0, 0], sizes = [1122, 128], strides = [1, 1]} : vector<1250x128xi32> to vector<1122x128xi32>
    %concatenate3A_1128 = tpu.concatenate %broadcast_in_dim3A_1126, %slice3A_1127 in 0 : vector<128x128xi32>, vector<1122x128xi32> -> vector<1250x128xi32>
    %add3A_1129 = arith.addi %add3A_1124, %concatenate3A_1128 : vector<1250x128xi32>
    %broadcast_in_dim3A_1130 = arith.constant 0 : i32
    %broadcast_in_dim3A_1131 = vector.broadcast %broadcast_in_dim3A_1130 : i32 to vector<256x128xi32>
    %slice3A_1132 = vector.extract_strided_slice %add3A_1129 {offsets = [0, 0], sizes = [994, 128], strides = [1, 1]} : vector<1250x128xi32> to vector<994x128xi32>
    %concatenate3A_1133 = tpu.concatenate %broadcast_in_dim3A_1131, %slice3A_1132 in 0 : vector<256x128xi32>, vector<994x128xi32> -> vector<1250x128xi32>
    %add3A_1134 = arith.addi %add3A_1129, %concatenate3A_1133 : vector<1250x128xi32>
    %broadcast_in_dim3A_1135 = arith.constant 0 : i32
    %broadcast_in_dim3A_1136 = vector.broadcast %broadcast_in_dim3A_1135 : i32 to vector<512x128xi32>
    %slice3A_1137 = vector.extract_strided_slice %add3A_1134 {offsets = [0, 0], sizes = [738, 128], strides = [1, 1]} : vector<1250x128xi32> to vector<738x128xi32>
    %concatenate3A_1138 = tpu.concatenate %broadcast_in_dim3A_1136, %slice3A_1137 in 0 : vector<512x128xi32>, vector<738x128xi32> -> vector<1250x128xi32>
    %add3A_1139 = arith.addi %add3A_1134, %concatenate3A_1138 : vector<1250x128xi32>
    %broadcast_in_dim3A_1140 = arith.constant 0 : i32
    %broadcast_in_dim3A_1141 = vector.broadcast %broadcast_in_dim3A_1140 : i32 to vector<1024x128xi32>
    %slice3A_1142 = vector.extract_strided_slice %add3A_1139 {offsets = [0, 0], sizes = [226, 128], strides = [1, 1]} : vector<1250x128xi32> to vector<226x128xi32>
    %concatenate3A_1143 = tpu.concatenate %broadcast_in_dim3A_1141, %slice3A_1142 in 0 : vector<1024x128xi32>, vector<226x128xi32> -> vector<1250x128xi32>
    %add3A_1144 = arith.addi %add3A_1139, %concatenate3A_1143 : vector<1250x128xi32>
    %add3A_1145 = vector.broadcast %add3A_312 : i32 to vector<1x128xi32>
    %add3A_1146 = arith.addi %add3A_1145, %sub3A_1089 : vector<1x128xi32>
    %add3A_1147 = vector.broadcast %add3A_1146 : vector<1x128xi32> to vector<1250x128xi32>
    %add3A_1148 = arith.addi %add3A_1147, %add3A_1144 : vector<1250x128xi32>
    %sub3A_1149 = arith.constant 1 : i32
    %sub3A_1150 = vector.broadcast %sub3A_1149 : i32 to vector<1250x128xi32>
    %sub3A_1151 = arith.subi %add3A_1148, %sub3A_1150 : vector<1250x128xi32>
    %eq3A_1152 = arith.constant 5 : i32
    %eq3A_1153 = vector.broadcast %eq3A_1152 : i32 to vector<1250x128xi32>
    %eq3A_1154 = arith.cmpi eq, %get3A_1, %eq3A_1153 : vector<1250x128xi32>
    %select_n3A_1155 = arith.select %eq3A_1154, %sub3A_1151, %select_n3A_1046 : vector<1250x128xi1>, vector<1250x128xi32>
    %eq3A_1156 = arith.constant 6 : i32
    %eq3A_1157 = vector.broadcast %eq3A_1156 : i32 to vector<1250x128xi32>
    %eq3A_1158 = arith.cmpi eq, %get3A_1, %eq3A_1157 : vector<1250x128xi32>
    %convert_element_type3A_1159 = arith.extui %eq3A_1158 : vector<1250x128xi1> to vector<1250x128xi32>
    %reduce_sum3A_1160 = arith.constant dense<0> : vector<128xi32>
    %reduce_sum3A_1161 = vector.multi_reduction <add>, %convert_element_type3A_1159, %reduce_sum3A_1160 [0] : vector<1250x128xi32> to vector<128xi32>
    %broadcast_in_dim3A_1162 = vector.shape_cast %reduce_sum3A_1161 : vector<128xi32> to vector<1x128xi32>
    %broadcast_in_dim3A_1163 = arith.constant 0 : i32
    %broadcast_in_dim3A_1164 = vector.broadcast %broadcast_in_dim3A_1163 : i32 to vector<1x1xi32>
    %slice3A_1165 = vector.extract_strided_slice %broadcast_in_dim3A_1162 {offsets = [0, 0], sizes = [1, 127], strides = [1, 1]} : vector<1x128xi32> to vector<1x127xi32>
    %concatenate3A_1166 = tpu.concatenate %broadcast_in_dim3A_1164, %slice3A_1165 in 1 : vector<1x1xi32>, vector<1x127xi32> -> vector<1x128xi32>
    %add3A_1167 = arith.addi %broadcast_in_dim3A_1162, %concatenate3A_1166 : vector<1x128xi32>
    %broadcast_in_dim3A_1168 = arith.constant 0 : i32
    %broadcast_in_dim3A_1169 = vector.broadcast %broadcast_in_dim3A_1168 : i32 to vector<1x2xi32>
    %slice3A_1170 = vector.extract_strided_slice %add3A_1167 {offsets = [0, 0], sizes = [1, 126], strides = [1, 1]} : vector<1x128xi32> to vector<1x126xi32>
    %concatenate3A_1171 = tpu.concatenate %broadcast_in_dim3A_1169, %slice3A_1170 in 1 : vector<1x2xi32>, vector<1x126xi32> -> vector<1x128xi32>
    %add3A_1172 = arith.addi %add3A_1167, %concatenate3A_1171 : vector<1x128xi32>
    %broadcast_in_dim3A_1173 = arith.constant 0 : i32
    %broadcast_in_dim3A_1174 = vector.broadcast %broadcast_in_dim3A_1173 : i32 to vector<1x4xi32>
    %slice3A_1175 = vector.extract_strided_slice %add3A_1172 {offsets = [0, 0], sizes = [1, 124], strides = [1, 1]} : vector<1x128xi32> to vector<1x124xi32>
    %concatenate3A_1176 = tpu.concatenate %broadcast_in_dim3A_1174, %slice3A_1175 in 1 : vector<1x4xi32>, vector<1x124xi32> -> vector<1x128xi32>
    %add3A_1177 = arith.addi %add3A_1172, %concatenate3A_1176 : vector<1x128xi32>
    %broadcast_in_dim3A_1178 = arith.constant 0 : i32
    %broadcast_in_dim3A_1179 = vector.broadcast %broadcast_in_dim3A_1178 : i32 to vector<1x8xi32>
    %slice3A_1180 = vector.extract_strided_slice %add3A_1177 {offsets = [0, 0], sizes = [1, 120], strides = [1, 1]} : vector<1x128xi32> to vector<1x120xi32>
    %concatenate3A_1181 = tpu.concatenate %broadcast_in_dim3A_1179, %slice3A_1180 in 1 : vector<1x8xi32>, vector<1x120xi32> -> vector<1x128xi32>
    %add3A_1182 = arith.addi %add3A_1177, %concatenate3A_1181 : vector<1x128xi32>
    %broadcast_in_dim3A_1183 = arith.constant 0 : i32
    %broadcast_in_dim3A_1184 = vector.broadcast %broadcast_in_dim3A_1183 : i32 to vector<1x16xi32>
    %slice3A_1185 = vector.extract_strided_slice %add3A_1182 {offsets = [0, 0], sizes = [1, 112], strides = [1, 1]} : vector<1x128xi32> to vector<1x112xi32>
    %concatenate3A_1186 = tpu.concatenate %broadcast_in_dim3A_1184, %slice3A_1185 in 1 : vector<1x16xi32>, vector<1x112xi32> -> vector<1x128xi32>
    %add3A_1187 = arith.addi %add3A_1182, %concatenate3A_1186 : vector<1x128xi32>
    %broadcast_in_dim3A_1188 = arith.constant 0 : i32
    %broadcast_in_dim3A_1189 = vector.broadcast %broadcast_in_dim3A_1188 : i32 to vector<1x32xi32>
    %slice3A_1190 = vector.extract_strided_slice %add3A_1187 {offsets = [0, 0], sizes = [1, 96], strides = [1, 1]} : vector<1x128xi32> to vector<1x96xi32>
    %concatenate3A_1191 = tpu.concatenate %broadcast_in_dim3A_1189, %slice3A_1190 in 1 : vector<1x32xi32>, vector<1x96xi32> -> vector<1x128xi32>
    %add3A_1192 = arith.addi %add3A_1187, %concatenate3A_1191 : vector<1x128xi32>
    %broadcast_in_dim3A_1193 = arith.constant 0 : i32
    %broadcast_in_dim3A_1194 = vector.broadcast %broadcast_in_dim3A_1193 : i32 to vector<1x64xi32>
    %slice3A_1195 = vector.extract_strided_slice %add3A_1192 {offsets = [0, 0], sizes = [1, 64], strides = [1, 1]} : vector<1x128xi32> to vector<1x64xi32>
    %concatenate3A_1196 = tpu.concatenate %broadcast_in_dim3A_1194, %slice3A_1195 in 1 : vector<1x64xi32>, vector<1x64xi32> -> vector<1x128xi32>
    %add3A_1197 = arith.addi %add3A_1192, %concatenate3A_1196 : vector<1x128xi32>
    %sub3A_1198 = arith.subi %add3A_1197, %broadcast_in_dim3A_1162 : vector<1x128xi32>
    %broadcast_in_dim3A_1199 = arith.constant 0 : i32
    %broadcast_in_dim3A_1200 = vector.broadcast %broadcast_in_dim3A_1199 : i32 to vector<1x128xi32>
    %slice3A_1201 = vector.extract_strided_slice %convert_element_type3A_1159 {offsets = [0, 0], sizes = [1249, 128], strides = [1, 1]} : vector<1250x128xi32> to vector<1249x128xi32>
    %concatenate3A_1202 = tpu.concatenate %broadcast_in_dim3A_1200, %slice3A_1201 in 0 : vector<1x128xi32>, vector<1249x128xi32> -> vector<1250x128xi32>
    %add3A_1203 = arith.addi %convert_element_type3A_1159, %concatenate3A_1202 : vector<1250x128xi32>
    %broadcast_in_dim3A_1204 = arith.constant 0 : i32
    %broadcast_in_dim3A_1205 = vector.broadcast %broadcast_in_dim3A_1204 : i32 to vector<2x128xi32>
    %slice3A_1206 = vector.extract_strided_slice %add3A_1203 {offsets = [0, 0], sizes = [1248, 128], strides = [1, 1]} : vector<1250x128xi32> to vector<1248x128xi32>
    %concatenate3A_1207 = tpu.concatenate %broadcast_in_dim3A_1205, %slice3A_1206 in 0 : vector<2x128xi32>, vector<1248x128xi32> -> vector<1250x128xi32>
    %add3A_1208 = arith.addi %add3A_1203, %concatenate3A_1207 : vector<1250x128xi32>
    %broadcast_in_dim3A_1209 = arith.constant 0 : i32
    %broadcast_in_dim3A_1210 = vector.broadcast %broadcast_in_dim3A_1209 : i32 to vector<4x128xi32>
    %slice3A_1211 = vector.extract_strided_slice %add3A_1208 {offsets = [0, 0], sizes = [1246, 128], strides = [1, 1]} : vector<1250x128xi32> to vector<1246x128xi32>
    %concatenate3A_1212 = tpu.concatenate %broadcast_in_dim3A_1210, %slice3A_1211 in 0 : vector<4x128xi32>, vector<1246x128xi32> -> vector<1250x128xi32>
    %add3A_1213 = arith.addi %add3A_1208, %concatenate3A_1212 : vector<1250x128xi32>
    %broadcast_in_dim3A_1214 = arith.constant 0 : i32
    %broadcast_in_dim3A_1215 = vector.broadcast %broadcast_in_dim3A_1214 : i32 to vector<8x128xi32>
    %slice3A_1216 = vector.extract_strided_slice %add3A_1213 {offsets = [0, 0], sizes = [1242, 128], strides = [1, 1]} : vector<1250x128xi32> to vector<1242x128xi32>
    %concatenate3A_1217 = tpu.concatenate %broadcast_in_dim3A_1215, %slice3A_1216 in 0 : vector<8x128xi32>, vector<1242x128xi32> -> vector<1250x128xi32>
    %add3A_1218 = arith.addi %add3A_1213, %concatenate3A_1217 : vector<1250x128xi32>
    %broadcast_in_dim3A_1219 = arith.constant 0 : i32
    %broadcast_in_dim3A_1220 = vector.broadcast %broadcast_in_dim3A_1219 : i32 to vector<16x128xi32>
    %slice3A_1221 = vector.extract_strided_slice %add3A_1218 {offsets = [0, 0], sizes = [1234, 128], strides = [1, 1]} : vector<1250x128xi32> to vector<1234x128xi32>
    %concatenate3A_1222 = tpu.concatenate %broadcast_in_dim3A_1220, %slice3A_1221 in 0 : vector<16x128xi32>, vector<1234x128xi32> -> vector<1250x128xi32>
    %add3A_1223 = arith.addi %add3A_1218, %concatenate3A_1222 : vector<1250x128xi32>
    %broadcast_in_dim3A_1224 = arith.constant 0 : i32
    %broadcast_in_dim3A_1225 = vector.broadcast %broadcast_in_dim3A_1224 : i32 to vector<32x128xi32>
    %slice3A_1226 = vector.extract_strided_slice %add3A_1223 {offsets = [0, 0], sizes = [1218, 128], strides = [1, 1]} : vector<1250x128xi32> to vector<1218x128xi32>
    %concatenate3A_1227 = tpu.concatenate %broadcast_in_dim3A_1225, %slice3A_1226 in 0 : vector<32x128xi32>, vector<1218x128xi32> -> vector<1250x128xi32>
    %add3A_1228 = arith.addi %add3A_1223, %concatenate3A_1227 : vector<1250x128xi32>
    %broadcast_in_dim3A_1229 = arith.constant 0 : i32
    %broadcast_in_dim3A_1230 = vector.broadcast %broadcast_in_dim3A_1229 : i32 to vector<64x128xi32>
    %slice3A_1231 = vector.extract_strided_slice %add3A_1228 {offsets = [0, 0], sizes = [1186, 128], strides = [1, 1]} : vector<1250x128xi32> to vector<1186x128xi32>
    %concatenate3A_1232 = tpu.concatenate %broadcast_in_dim3A_1230, %slice3A_1231 in 0 : vector<64x128xi32>, vector<1186x128xi32> -> vector<1250x128xi32>
    %add3A_1233 = arith.addi %add3A_1228, %concatenate3A_1232 : vector<1250x128xi32>
    %broadcast_in_dim3A_1234 = arith.constant 0 : i32
    %broadcast_in_dim3A_1235 = vector.broadcast %broadcast_in_dim3A_1234 : i32 to vector<128x128xi32>
    %slice3A_1236 = vector.extract_strided_slice %add3A_1233 {offsets = [0, 0], sizes = [1122, 128], strides = [1, 1]} : vector<1250x128xi32> to vector<1122x128xi32>
    %concatenate3A_1237 = tpu.concatenate %broadcast_in_dim3A_1235, %slice3A_1236 in 0 : vector<128x128xi32>, vector<1122x128xi32> -> vector<1250x128xi32>
    %add3A_1238 = arith.addi %add3A_1233, %concatenate3A_1237 : vector<1250x128xi32>
    %broadcast_in_dim3A_1239 = arith.constant 0 : i32
    %broadcast_in_dim3A_1240 = vector.broadcast %broadcast_in_dim3A_1239 : i32 to vector<256x128xi32>
    %slice3A_1241 = vector.extract_strided_slice %add3A_1238 {offsets = [0, 0], sizes = [994, 128], strides = [1, 1]} : vector<1250x128xi32> to vector<994x128xi32>
    %concatenate3A_1242 = tpu.concatenate %broadcast_in_dim3A_1240, %slice3A_1241 in 0 : vector<256x128xi32>, vector<994x128xi32> -> vector<1250x128xi32>
    %add3A_1243 = arith.addi %add3A_1238, %concatenate3A_1242 : vector<1250x128xi32>
    %broadcast_in_dim3A_1244 = arith.constant 0 : i32
    %broadcast_in_dim3A_1245 = vector.broadcast %broadcast_in_dim3A_1244 : i32 to vector<512x128xi32>
    %slice3A_1246 = vector.extract_strided_slice %add3A_1243 {offsets = [0, 0], sizes = [738, 128], strides = [1, 1]} : vector<1250x128xi32> to vector<738x128xi32>
    %concatenate3A_1247 = tpu.concatenate %broadcast_in_dim3A_1245, %slice3A_1246 in 0 : vector<512x128xi32>, vector<738x128xi32> -> vector<1250x128xi32>
    %add3A_1248 = arith.addi %add3A_1243, %concatenate3A_1247 : vector<1250x128xi32>
    %broadcast_in_dim3A_1249 = arith.constant 0 : i32
    %broadcast_in_dim3A_1250 = vector.broadcast %broadcast_in_dim3A_1249 : i32 to vector<1024x128xi32>
    %slice3A_1251 = vector.extract_strided_slice %add3A_1248 {offsets = [0, 0], sizes = [226, 128], strides = [1, 1]} : vector<1250x128xi32> to vector<226x128xi32>
    %concatenate3A_1252 = tpu.concatenate %broadcast_in_dim3A_1250, %slice3A_1251 in 0 : vector<1024x128xi32>, vector<226x128xi32> -> vector<1250x128xi32>
    %add3A_1253 = arith.addi %add3A_1248, %concatenate3A_1252 : vector<1250x128xi32>
    %add3A_1254 = vector.broadcast %add3A_367 : i32 to vector<1x128xi32>
    %add3A_1255 = arith.addi %add3A_1254, %sub3A_1198 : vector<1x128xi32>
    %add3A_1256 = vector.broadcast %add3A_1255 : vector<1x128xi32> to vector<1250x128xi32>
    %add3A_1257 = arith.addi %add3A_1256, %add3A_1253 : vector<1250x128xi32>
    %sub3A_1258 = arith.constant 1 : i32
    %sub3A_1259 = vector.broadcast %sub3A_1258 : i32 to vector<1250x128xi32>
    %sub3A_1260 = arith.subi %add3A_1257, %sub3A_1259 : vector<1250x128xi32>
    %eq3A_1261 = arith.constant 6 : i32
    %eq3A_1262 = vector.broadcast %eq3A_1261 : i32 to vector<1250x128xi32>
    %eq3A_1263 = arith.cmpi eq, %get3A_1, %eq3A_1262 : vector<1250x128xi32>
    %select_n3A_1264 = arith.select %eq3A_1263, %sub3A_1260, %select_n3A_1155 : vector<1250x128xi1>, vector<1250x128xi32>
    %eq3A_1265 = arith.constant 7 : i32
    %eq3A_1266 = vector.broadcast %eq3A_1265 : i32 to vector<1250x128xi32>
    %eq3A_1267 = arith.cmpi eq, %get3A_1, %eq3A_1266 : vector<1250x128xi32>
    %convert_element_type3A_1268 = arith.extui %eq3A_1267 : vector<1250x128xi1> to vector<1250x128xi32>
    %reduce_sum3A_1269 = arith.constant dense<0> : vector<128xi32>
    %reduce_sum3A_1270 = vector.multi_reduction <add>, %convert_element_type3A_1268, %reduce_sum3A_1269 [0] : vector<1250x128xi32> to vector<128xi32>
    %broadcast_in_dim3A_1271 = vector.shape_cast %reduce_sum3A_1270 : vector<128xi32> to vector<1x128xi32>
    %broadcast_in_dim3A_1272 = arith.constant 0 : i32
    %broadcast_in_dim3A_1273 = vector.broadcast %broadcast_in_dim3A_1272 : i32 to vector<1x1xi32>
    %slice3A_1274 = vector.extract_strided_slice %broadcast_in_dim3A_1271 {offsets = [0, 0], sizes = [1, 127], strides = [1, 1]} : vector<1x128xi32> to vector<1x127xi32>
    %concatenate3A_1275 = tpu.concatenate %broadcast_in_dim3A_1273, %slice3A_1274 in 1 : vector<1x1xi32>, vector<1x127xi32> -> vector<1x128xi32>
    %add3A_1276 = arith.addi %broadcast_in_dim3A_1271, %concatenate3A_1275 : vector<1x128xi32>
    %broadcast_in_dim3A_1277 = arith.constant 0 : i32
    %broadcast_in_dim3A_1278 = vector.broadcast %broadcast_in_dim3A_1277 : i32 to vector<1x2xi32>
    %slice3A_1279 = vector.extract_strided_slice %add3A_1276 {offsets = [0, 0], sizes = [1, 126], strides = [1, 1]} : vector<1x128xi32> to vector<1x126xi32>
    %concatenate3A_1280 = tpu.concatenate %broadcast_in_dim3A_1278, %slice3A_1279 in 1 : vector<1x2xi32>, vector<1x126xi32> -> vector<1x128xi32>
    %add3A_1281 = arith.addi %add3A_1276, %concatenate3A_1280 : vector<1x128xi32>
    %broadcast_in_dim3A_1282 = arith.constant 0 : i32
    %broadcast_in_dim3A_1283 = vector.broadcast %broadcast_in_dim3A_1282 : i32 to vector<1x4xi32>
    %slice3A_1284 = vector.extract_strided_slice %add3A_1281 {offsets = [0, 0], sizes = [1, 124], strides = [1, 1]} : vector<1x128xi32> to vector<1x124xi32>
    %concatenate3A_1285 = tpu.concatenate %broadcast_in_dim3A_1283, %slice3A_1284 in 1 : vector<1x4xi32>, vector<1x124xi32> -> vector<1x128xi32>
    %add3A_1286 = arith.addi %add3A_1281, %concatenate3A_1285 : vector<1x128xi32>
    %broadcast_in_dim3A_1287 = arith.constant 0 : i32
    %broadcast_in_dim3A_1288 = vector.broadcast %broadcast_in_dim3A_1287 : i32 to vector<1x8xi32>
    %slice3A_1289 = vector.extract_strided_slice %add3A_1286 {offsets = [0, 0], sizes = [1, 120], strides = [1, 1]} : vector<1x128xi32> to vector<1x120xi32>
    %concatenate3A_1290 = tpu.concatenate %broadcast_in_dim3A_1288, %slice3A_1289 in 1 : vector<1x8xi32>, vector<1x120xi32> -> vector<1x128xi32>
    %add3A_1291 = arith.addi %add3A_1286, %concatenate3A_1290 : vector<1x128xi32>
    %broadcast_in_dim3A_1292 = arith.constant 0 : i32
    %broadcast_in_dim3A_1293 = vector.broadcast %broadcast_in_dim3A_1292 : i32 to vector<1x16xi32>
    %slice3A_1294 = vector.extract_strided_slice %add3A_1291 {offsets = [0, 0], sizes = [1, 112], strides = [1, 1]} : vector<1x128xi32> to vector<1x112xi32>
    %concatenate3A_1295 = tpu.concatenate %broadcast_in_dim3A_1293, %slice3A_1294 in 1 : vector<1x16xi32>, vector<1x112xi32> -> vector<1x128xi32>
    %add3A_1296 = arith.addi %add3A_1291, %concatenate3A_1295 : vector<1x128xi32>
    %broadcast_in_dim3A_1297 = arith.constant 0 : i32
    %broadcast_in_dim3A_1298 = vector.broadcast %broadcast_in_dim3A_1297 : i32 to vector<1x32xi32>
    %slice3A_1299 = vector.extract_strided_slice %add3A_1296 {offsets = [0, 0], sizes = [1, 96], strides = [1, 1]} : vector<1x128xi32> to vector<1x96xi32>
    %concatenate3A_1300 = tpu.concatenate %broadcast_in_dim3A_1298, %slice3A_1299 in 1 : vector<1x32xi32>, vector<1x96xi32> -> vector<1x128xi32>
    %add3A_1301 = arith.addi %add3A_1296, %concatenate3A_1300 : vector<1x128xi32>
    %broadcast_in_dim3A_1302 = arith.constant 0 : i32
    %broadcast_in_dim3A_1303 = vector.broadcast %broadcast_in_dim3A_1302 : i32 to vector<1x64xi32>
    %slice3A_1304 = vector.extract_strided_slice %add3A_1301 {offsets = [0, 0], sizes = [1, 64], strides = [1, 1]} : vector<1x128xi32> to vector<1x64xi32>
    %concatenate3A_1305 = tpu.concatenate %broadcast_in_dim3A_1303, %slice3A_1304 in 1 : vector<1x64xi32>, vector<1x64xi32> -> vector<1x128xi32>
    %add3A_1306 = arith.addi %add3A_1301, %concatenate3A_1305 : vector<1x128xi32>
    %sub3A_1307 = arith.subi %add3A_1306, %broadcast_in_dim3A_1271 : vector<1x128xi32>
    %broadcast_in_dim3A_1308 = arith.constant 0 : i32
    %broadcast_in_dim3A_1309 = vector.broadcast %broadcast_in_dim3A_1308 : i32 to vector<1x128xi32>
    %slice3A_1310 = vector.extract_strided_slice %convert_element_type3A_1268 {offsets = [0, 0], sizes = [1249, 128], strides = [1, 1]} : vector<1250x128xi32> to vector<1249x128xi32>
    %concatenate3A_1311 = tpu.concatenate %broadcast_in_dim3A_1309, %slice3A_1310 in 0 : vector<1x128xi32>, vector<1249x128xi32> -> vector<1250x128xi32>
    %add3A_1312 = arith.addi %convert_element_type3A_1268, %concatenate3A_1311 : vector<1250x128xi32>
    %broadcast_in_dim3A_1313 = arith.constant 0 : i32
    %broadcast_in_dim3A_1314 = vector.broadcast %broadcast_in_dim3A_1313 : i32 to vector<2x128xi32>
    %slice3A_1315 = vector.extract_strided_slice %add3A_1312 {offsets = [0, 0], sizes = [1248, 128], strides = [1, 1]} : vector<1250x128xi32> to vector<1248x128xi32>
    %concatenate3A_1316 = tpu.concatenate %broadcast_in_dim3A_1314, %slice3A_1315 in 0 : vector<2x128xi32>, vector<1248x128xi32> -> vector<1250x128xi32>
    %add3A_1317 = arith.addi %add3A_1312, %concatenate3A_1316 : vector<1250x128xi32>
    %broadcast_in_dim3A_1318 = arith.constant 0 : i32
    %broadcast_in_dim3A_1319 = vector.broadcast %broadcast_in_dim3A_1318 : i32 to vector<4x128xi32>
    %slice3A_1320 = vector.extract_strided_slice %add3A_1317 {offsets = [0, 0], sizes = [1246, 128], strides = [1, 1]} : vector<1250x128xi32> to vector<1246x128xi32>
    %concatenate3A_1321 = tpu.concatenate %broadcast_in_dim3A_1319, %slice3A_1320 in 0 : vector<4x128xi32>, vector<1246x128xi32> -> vector<1250x128xi32>
    %add3A_1322 = arith.addi %add3A_1317, %concatenate3A_1321 : vector<1250x128xi32>
    %broadcast_in_dim3A_1323 = arith.constant 0 : i32
    %broadcast_in_dim3A_1324 = vector.broadcast %broadcast_in_dim3A_1323 : i32 to vector<8x128xi32>
    %slice3A_1325 = vector.extract_strided_slice %add3A_1322 {offsets = [0, 0], sizes = [1242, 128], strides = [1, 1]} : vector<1250x128xi32> to vector<1242x128xi32>
    %concatenate3A_1326 = tpu.concatenate %broadcast_in_dim3A_1324, %slice3A_1325 in 0 : vector<8x128xi32>, vector<1242x128xi32> -> vector<1250x128xi32>
    %add3A_1327 = arith.addi %add3A_1322, %concatenate3A_1326 : vector<1250x128xi32>
    %broadcast_in_dim3A_1328 = arith.constant 0 : i32
    %broadcast_in_dim3A_1329 = vector.broadcast %broadcast_in_dim3A_1328 : i32 to vector<16x128xi32>
    %slice3A_1330 = vector.extract_strided_slice %add3A_1327 {offsets = [0, 0], sizes = [1234, 128], strides = [1, 1]} : vector<1250x128xi32> to vector<1234x128xi32>
    %concatenate3A_1331 = tpu.concatenate %broadcast_in_dim3A_1329, %slice3A_1330 in 0 : vector<16x128xi32>, vector<1234x128xi32> -> vector<1250x128xi32>
    %add3A_1332 = arith.addi %add3A_1327, %concatenate3A_1331 : vector<1250x128xi32>
    %broadcast_in_dim3A_1333 = arith.constant 0 : i32
    %broadcast_in_dim3A_1334 = vector.broadcast %broadcast_in_dim3A_1333 : i32 to vector<32x128xi32>
    %slice3A_1335 = vector.extract_strided_slice %add3A_1332 {offsets = [0, 0], sizes = [1218, 128], strides = [1, 1]} : vector<1250x128xi32> to vector<1218x128xi32>
    %concatenate3A_1336 = tpu.concatenate %broadcast_in_dim3A_1334, %slice3A_1335 in 0 : vector<32x128xi32>, vector<1218x128xi32> -> vector<1250x128xi32>
    %add3A_1337 = arith.addi %add3A_1332, %concatenate3A_1336 : vector<1250x128xi32>
    %broadcast_in_dim3A_1338 = arith.constant 0 : i32
    %broadcast_in_dim3A_1339 = vector.broadcast %broadcast_in_dim3A_1338 : i32 to vector<64x128xi32>
    %slice3A_1340 = vector.extract_strided_slice %add3A_1337 {offsets = [0, 0], sizes = [1186, 128], strides = [1, 1]} : vector<1250x128xi32> to vector<1186x128xi32>
    %concatenate3A_1341 = tpu.concatenate %broadcast_in_dim3A_1339, %slice3A_1340 in 0 : vector<64x128xi32>, vector<1186x128xi32> -> vector<1250x128xi32>
    %add3A_1342 = arith.addi %add3A_1337, %concatenate3A_1341 : vector<1250x128xi32>
    %broadcast_in_dim3A_1343 = arith.constant 0 : i32
    %broadcast_in_dim3A_1344 = vector.broadcast %broadcast_in_dim3A_1343 : i32 to vector<128x128xi32>
    %slice3A_1345 = vector.extract_strided_slice %add3A_1342 {offsets = [0, 0], sizes = [1122, 128], strides = [1, 1]} : vector<1250x128xi32> to vector<1122x128xi32>
    %concatenate3A_1346 = tpu.concatenate %broadcast_in_dim3A_1344, %slice3A_1345 in 0 : vector<128x128xi32>, vector<1122x128xi32> -> vector<1250x128xi32>
    %add3A_1347 = arith.addi %add3A_1342, %concatenate3A_1346 : vector<1250x128xi32>
    %broadcast_in_dim3A_1348 = arith.constant 0 : i32
    %broadcast_in_dim3A_1349 = vector.broadcast %broadcast_in_dim3A_1348 : i32 to vector<256x128xi32>
    %slice3A_1350 = vector.extract_strided_slice %add3A_1347 {offsets = [0, 0], sizes = [994, 128], strides = [1, 1]} : vector<1250x128xi32> to vector<994x128xi32>
    %concatenate3A_1351 = tpu.concatenate %broadcast_in_dim3A_1349, %slice3A_1350 in 0 : vector<256x128xi32>, vector<994x128xi32> -> vector<1250x128xi32>
    %add3A_1352 = arith.addi %add3A_1347, %concatenate3A_1351 : vector<1250x128xi32>
    %broadcast_in_dim3A_1353 = arith.constant 0 : i32
    %broadcast_in_dim3A_1354 = vector.broadcast %broadcast_in_dim3A_1353 : i32 to vector<512x128xi32>
    %slice3A_1355 = vector.extract_strided_slice %add3A_1352 {offsets = [0, 0], sizes = [738, 128], strides = [1, 1]} : vector<1250x128xi32> to vector<738x128xi32>
    %concatenate3A_1356 = tpu.concatenate %broadcast_in_dim3A_1354, %slice3A_1355 in 0 : vector<512x128xi32>, vector<738x128xi32> -> vector<1250x128xi32>
    %add3A_1357 = arith.addi %add3A_1352, %concatenate3A_1356 : vector<1250x128xi32>
    %broadcast_in_dim3A_1358 = arith.constant 0 : i32
    %broadcast_in_dim3A_1359 = vector.broadcast %broadcast_in_dim3A_1358 : i32 to vector<1024x128xi32>
    %slice3A_1360 = vector.extract_strided_slice %add3A_1357 {offsets = [0, 0], sizes = [226, 128], strides = [1, 1]} : vector<1250x128xi32> to vector<226x128xi32>
    %concatenate3A_1361 = tpu.concatenate %broadcast_in_dim3A_1359, %slice3A_1360 in 0 : vector<1024x128xi32>, vector<226x128xi32> -> vector<1250x128xi32>
    %add3A_1362 = arith.addi %add3A_1357, %concatenate3A_1361 : vector<1250x128xi32>
    %add3A_1363 = vector.broadcast %add3A_422 : i32 to vector<1x128xi32>
    %add3A_1364 = arith.addi %add3A_1363, %sub3A_1307 : vector<1x128xi32>
    %add3A_1365 = vector.broadcast %add3A_1364 : vector<1x128xi32> to vector<1250x128xi32>
    %add3A_1366 = arith.addi %add3A_1365, %add3A_1362 : vector<1250x128xi32>
    %sub3A_1367 = arith.constant 1 : i32
    %sub3A_1368 = vector.broadcast %sub3A_1367 : i32 to vector<1250x128xi32>
    %sub3A_1369 = arith.subi %add3A_1366, %sub3A_1368 : vector<1250x128xi32>
    %eq3A_1370 = arith.constant 7 : i32
    %eq3A_1371 = vector.broadcast %eq3A_1370 : i32 to vector<1250x128xi32>
    %eq3A_1372 = arith.cmpi eq, %get3A_1, %eq3A_1371 : vector<1250x128xi32>
    %select_n3A_1373 = arith.select %eq3A_1372, %sub3A_1369, %select_n3A_1264 : vector<1250x128xi1>, vector<1250x128xi32>
    %swap3A = arith.constant 0 : index
    %swap3A_1374 = arith.constant 0 : index
    %swap3A_1375 = vector.load %arg1[%swap3A, %swap3A_1374] : memref<1250x128xi32, #tpu.memory_space<vmem>>, vector<1250x128xi32>
    tpu.vector_store %arg1[%swap3A, %swap3A_1374], %select_n3A_1373 {strides = array<i32>} : memref<1250x128xi32, #tpu.memory_space<vmem>>, vector<1250x128xi32>,
    %iota3A = tpu.iota {dimensions = array<i32: 0>} : vector<8x128xi32>
    %mul3A_1376 = arith.constant 128 : i32
    %mul3A_1377 = vector.broadcast %mul3A_1376 : i32 to vector<8x128xi32>
    %mul3A_1378 = arith.muli %iota3A, %mul3A_1377 : vector<8x128xi32>
    %iota3A_1379 = tpu.iota {dimensions = array<i32: 1>} : vector<8x128xi32>
    %add3A_1380 = arith.addi %mul3A_1378, %iota3A_1379 : vector<8x128xi32>
    %ge3A = vector.broadcast %select_n3A_116 : i32 to vector<8x128xi32>
    %ge3A_1381 = arith.cmpi sge, %add3A_1380, %ge3A : vector<8x128xi32>
    %convert_element_type3A_1382 = arith.extui %ge3A_1381 : vector<8x128xi1> to vector<8x128xi32>
    %ge3A_1383 = vector.broadcast %select_n3A_171 : i32 to vector<8x128xi32>
    %ge3A_1384 = arith.cmpi sge, %add3A_1380, %ge3A_1383 : vector<8x128xi32>
    %convert_element_type3A_1385 = arith.extui %ge3A_1384 : vector<8x128xi1> to vector<8x128xi32>
    %ge3A_1386 = vector.broadcast %select_n3A_226 : i32 to vector<8x128xi32>
    %ge3A_1387 = arith.cmpi sge, %add3A_1380, %ge3A_1386 : vector<8x128xi32>
    %convert_element_type3A_1388 = arith.extui %ge3A_1387 : vector<8x128xi1> to vector<8x128xi32>
    %ge3A_1389 = vector.broadcast %select_n3A_281 : i32 to vector<8x128xi32>
    %ge3A_1390 = arith.cmpi sge, %add3A_1380, %ge3A_1389 : vector<8x128xi32>
    %convert_element_type3A_1391 = arith.extui %ge3A_1390 : vector<8x128xi1> to vector<8x128xi32>
    %ge3A_1392 = vector.broadcast %select_n3A_336 : i32 to vector<8x128xi32>
    %ge3A_1393 = arith.cmpi sge, %add3A_1380, %ge3A_1392 : vector<8x128xi32>
    %convert_element_type3A_1394 = arith.extui %ge3A_1393 : vector<8x128xi1> to vector<8x128xi32>
    %ge3A_1395 = vector.broadcast %select_n3A_391 : i32 to vector<8x128xi32>
    %ge3A_1396 = arith.cmpi sge, %add3A_1380, %ge3A_1395 : vector<8x128xi32>
    %convert_element_type3A_1397 = arith.extui %ge3A_1396 : vector<8x128xi1> to vector<8x128xi32>
    %ge3A_1398 = vector.broadcast %select_n3A_446 : i32 to vector<8x128xi32>
    %ge3A_1399 = arith.cmpi sge, %add3A_1380, %ge3A_1398 : vector<8x128xi32>
    %convert_element_type3A_1400 = arith.extui %ge3A_1399 : vector<8x128xi1> to vector<8x128xi32>
    %ge3A_1401 = vector.broadcast %select_n3A_501 : i32 to vector<8x128xi32>
    %ge3A_1402 = arith.cmpi sge, %add3A_1380, %ge3A_1401 : vector<8x128xi32>
    %convert_element_type3A_1403 = arith.extui %ge3A_1402 : vector<8x128xi1> to vector<8x128xi32>
    %add3A_1404 = arith.constant 0 : i32
    %add3A_1405 = vector.broadcast %add3A_1404 : i32 to vector<8x128xi32>
    %add3A_1406 = arith.addi %add3A_1405, %convert_element_type3A_1382 : vector<8x128xi32>
    %add3A_1407 = arith.addi %add3A_1406, %convert_element_type3A_1385 : vector<8x128xi32>
    %add3A_1408 = arith.addi %add3A_1407, %convert_element_type3A_1388 : vector<8x128xi32>
    %add3A_1409 = arith.addi %add3A_1408, %convert_element_type3A_1391 : vector<8x128xi32>
    %add3A_1410 = arith.addi %add3A_1409, %convert_element_type3A_1394 : vector<8x128xi32>
    %add3A_1411 = arith.addi %add3A_1410, %convert_element_type3A_1397 : vector<8x128xi32>
    %add3A_1412 = arith.addi %add3A_1411, %convert_element_type3A_1400 : vector<8x128xi32>
    %add3A_1413 = arith.addi %add3A_1412, %convert_element_type3A_1403 : vector<8x128xi32>
    %min3A = arith.constant 7 : i32
    %min3A_1414 = vector.broadcast %min3A : i32 to vector<8x128xi32>
    %min3A_1415 = arith.minsi %add3A_1413, %min3A_1414 : vector<8x128xi32>
    %swap3A_1416 = arith.constant 0 : index
    %swap3A_1417 = arith.constant 0 : index
    %swap3A_1418 = vector.load %arg2[%swap3A_1416, %swap3A_1417] : memref<8x128xi32, #tpu.memory_space<vmem>>, vector<8x128xi32>
    tpu.vector_store %arg2[%swap3A_1416, %swap3A_1417], %min3A_1415 {strides = array<i32>} : memref<8x128xi32, #tpu.memory_space<vmem>>, vector<8x128xi32>,
    return
  }
}

module attributes {stable_mosaic.version = 14 : i64} {
  func.func @_mlp_kernel(%arg0: i32, %arg1: memref<1024xi32, #tpu.memory_space<smem>>, %arg2: memref<2048x128xf32, #tpu.memory_space<vmem>>, %arg3: memref<8x50x128xbf16, #tpu.memory_space<vmem>>, %arg4: memref<8x128xf32, #tpu.memory_space<vmem>>, %arg5: memref<8x128x128xbf16, #tpu.memory_space<vmem>>, %arg6: memref<8x128xf32, #tpu.memory_space<vmem>>, %arg7: memref<2048x128xf32, #tpu.memory_space<vmem>>) attributes {dimension_semantics = [#tpu.dimension_semantics<parallel>], iteration_bounds = array<i64: 86>, scalar_prefetch = 1 : i64, scratch_operands = 0 : i64, tpu.core_type = #tpu.core_type<tc>, window_params = [{transform_indices = @transform_0, window_bounds = array<i64: 2048, 128>}, {pipeline_mode = #tpu.pipeline_mode<synchronous>, transform_indices = @transform_1, window_bounds = array<i64: 8, 50, 128>}, {pipeline_mode = #tpu.pipeline_mode<synchronous>, transform_indices = @transform_2, window_bounds = array<i64: 8, 128>}, {pipeline_mode = #tpu.pipeline_mode<synchronous>, transform_indices = @transform_3, window_bounds = array<i64: 8, 128, 128>}, {pipeline_mode = #tpu.pipeline_mode<synchronous>, transform_indices = @transform_4, window_bounds = array<i64: 8, 128>}, {transform_indices = @transform_5, window_bounds = array<i64: 2048, 128>}]} {
    %get3A = arith.index_cast %arg0 : i32 to index
    %get3A_0 = memref.load %arg1[%get3A] : memref<1024xi32, #tpu.memory_space<smem>>
    %get3A_1 = arith.constant 0 : index
    %get3A_2 = arith.constant 0 : index
    %get3A_3 = vector.load %arg2[%get3A_1, %get3A_2] : memref<2048x128xf32, #tpu.memory_space<vmem>>, vector<2048x128xf32>
    %slice3A = vector.extract_strided_slice %get3A_3 {offsets = [0, 0], sizes = [2048, 50], strides = [1, 1]} : vector<2048x128xf32> to vector<2048x50xf32>
    %convert_element_type3A = arith.truncf %slice3A : vector<2048x50xf32> to vector<2048x50xbf16>
    %get3A_4 = arith.index_cast %get3A_0 : i32 to index
    %get3A_5 = arith.constant 0 : index
    %get3A_6 = arith.constant 0 : index
    %get3A_7 = vector.load %arg3[%get3A_4, %get3A_5, %get3A_6] : memref<8x50x128xbf16, #tpu.memory_space<vmem>>, vector<1x50x128xbf16>
    %squeeze3A = vector.shape_cast %get3A_7 : vector<1x50x128xbf16> to vector<50x128xbf16>
    %dot_general3A = arith.constant dense<0.000000e+00> : vector<2048x128xf32>
    %dot_general3A_8 = tpu.matmul %convert_element_type3A, %squeeze3A, %dot_general3A {dimension_numbers = #tpu.dot_dimension_numbers<[1], [0], [0], [1], [0, 0, 1, 1], [], []>, transpose_lhs_hint = false} : vector<2048x50xbf16>, vector<50x128xbf16>, vector<2048x128xf32> -> vector<2048x128xf32>
    %get3A_9 = arith.index_cast %get3A_0 : i32 to index
    %get3A_10 = arith.constant 0 : index
    %get3A_11 = vector.load %arg4[%get3A_9, %get3A_10] : memref<8x128xf32, #tpu.memory_space<vmem>>, vector<1x128xf32>
    %add3A = vector.broadcast %get3A_11 : vector<1x128xf32> to vector<2048x128xf32>
    %add3A_12 = arith.addf %dot_general3A_8, %add3A : vector<2048x128xf32>
    %max3A = arith.constant 0.000000e+00 : f32
    %max3A_13 = vector.broadcast %max3A : f32 to vector<2048x128xf32>
    %max3A_14 = arith.maximumf %add3A_12, %max3A_13 : vector<2048x128xf32>
    %abs3A = math.absf %add3A_12 : vector<2048x128xf32>
    %neg3A = arith.constant 0.000000e+00 : f32
    %neg3A_15 = vector.broadcast %neg3A : f32 to vector<2048x128xf32>
    %neg3A_16 = arith.subf %neg3A_15, %abs3A : vector<2048x128xf32>
    %exp3A = math.exp %neg3A_16 : vector<2048x128xf32>
    %add3A_17 = arith.constant 1.000000e+00 : f32
    %add3A_18 = vector.broadcast %add3A_17 : f32 to vector<2048x128xf32>
    %add3A_19 = arith.addf %add3A_18, %exp3A : vector<2048x128xf32>
    %log3A = math.log %add3A_19 : vector<2048x128xf32>
    %add3A_20 = arith.addf %max3A_14, %log3A : vector<2048x128xf32>
    %sub3A = arith.constant 0.693147182 : f32
    %sub3A_21 = vector.broadcast %sub3A : f32 to vector<2048x128xf32>
    %sub3A_22 = arith.subf %add3A_20, %sub3A_21 : vector<2048x128xf32>
    %get3A_23 = arith.index_cast %get3A_0 : i32 to index
    %get3A_24 = arith.constant 0 : index
    %get3A_25 = arith.constant 0 : index
    %get3A_26 = vector.load %arg5[%get3A_23, %get3A_24, %get3A_25] : memref<8x128x128xbf16, #tpu.memory_space<vmem>>, vector<1x128x128xbf16>
    %squeeze3A_27 = vector.shape_cast %get3A_26 : vector<1x128x128xbf16> to vector<128x128xbf16>
    %convert_element_type3A_28 = arith.truncf %sub3A_22 : vector<2048x128xf32> to vector<2048x128xbf16>
    %dot_general3A_29 = arith.constant dense<0.000000e+00> : vector<2048x128xf32>
    %dot_general3A_30 = tpu.matmul %convert_element_type3A_28, %squeeze3A_27, %dot_general3A_29 {dimension_numbers = #tpu.dot_dimension_numbers<[1], [0], [0], [1], [0, 0, 1, 1], [], []>, transpose_lhs_hint = false} : vector<2048x128xbf16>, vector<128x128xbf16>, vector<2048x128xf32> -> vector<2048x128xf32>
    %get3A_31 = arith.index_cast %get3A_0 : i32 to index
    %get3A_32 = arith.constant 0 : index
    %get3A_33 = vector.load %arg6[%get3A_31, %get3A_32] : memref<8x128xf32, #tpu.memory_space<vmem>>, vector<1x128xf32>
    %add3A_34 = vector.broadcast %get3A_33 : vector<1x128xf32> to vector<2048x128xf32>
    %add3A_35 = arith.addf %dot_general3A_30, %add3A_34 : vector<2048x128xf32>
    %swap3A = arith.constant 0 : index
    %swap3A_36 = arith.constant 0 : index
    %swap3A_37 = vector.load %arg7[%swap3A, %swap3A_36] : memref<2048x128xf32, #tpu.memory_space<vmem>>, vector<2048x128xf32>
    tpu.vector_store %arg7[%swap3A, %swap3A_36], %add3A_35 {strides = array<i32>} : memref<2048x128xf32, #tpu.memory_space<vmem>>, vector<2048x128xf32>,
    return
  }
  func.func @transform_0(%arg0: i32, %arg1: memref<1024xi32, #tpu.memory_space<smem>>) -> (i32, i32) {
    %c0_i32 = arith.constant 0 : i32
    %c0_i32_0 = arith.constant 0 : i32
    return %arg0, %c0_i32 : i32, i32
  }
  func.func @transform_1(%arg0: i32, %arg1: memref<1024xi32, #tpu.memory_space<smem>>) -> (i32, i32, i32) {
    %c0_i32 = arith.constant 0 : i32
    %c0_i32_0 = arith.constant 0 : i32
    %c0_i32_1 = arith.constant 0 : i32
    %c0_i32_2 = arith.constant 0 : i32
    return %c0_i32, %c0_i32_0, %c0_i32_1 : i32, i32, i32
  }
  func.func @transform_2(%arg0: i32, %arg1: memref<1024xi32, #tpu.memory_space<smem>>) -> (i32, i32) {
    %c0_i32 = arith.constant 0 : i32
    %c0_i32_0 = arith.constant 0 : i32
    %c0_i32_1 = arith.constant 0 : i32
    return %c0_i32, %c0_i32_0 : i32, i32
  }
  func.func @transform_3(%arg0: i32, %arg1: memref<1024xi32, #tpu.memory_space<smem>>) -> (i32, i32, i32) {
    %c0_i32 = arith.constant 0 : i32
    %c0_i32_0 = arith.constant 0 : i32
    %c0_i32_1 = arith.constant 0 : i32
    %c0_i32_2 = arith.constant 0 : i32
    return %c0_i32, %c0_i32_0, %c0_i32_1 : i32, i32, i32
  }
  func.func @transform_4(%arg0: i32, %arg1: memref<1024xi32, #tpu.memory_space<smem>>) -> (i32, i32) {
    %c0_i32 = arith.constant 0 : i32
    %c0_i32_0 = arith.constant 0 : i32
    %c0_i32_1 = arith.constant 0 : i32
    return %c0_i32, %c0_i32_0 : i32, i32
  }
  func.func @transform_5(%arg0: i32, %arg1: memref<1024xi32, #tpu.memory_space<smem>>) -> (i32, i32) {
    %c0_i32 = arith.constant 0 : i32
    %c0_i32_0 = arith.constant 0 : i32
    return %arg0, %c0_i32 : i32, i32
  }
}

</mosaic_0001>

<sc_bundles>
// kernel: kernel.6.cloned.1.call-start
scs
__scs_entry_jumppad:
0x0: {  	(pc) =	sbr.rel $0x88, $3  }
0x1: {  	(tag) =	ssettag $0x0;
	lr =	simm.s32 $0x1  }
0x2: {  	[smem:$0x3F9B] =	sst lr;
	_ =	strace $0xD0000000  }
0x3: {  	_ = 	snop  }
0x4: {  	_ = 	snop  }
0x5: {  	_ = 	snop  }
0x6: {  	_ = 	snop  }
0x7: {  	_ = 	snop  }
__scs_overlays_trampoline_lowered:
0x8: {  	[smem:$0x3FAA] =	sst s0  }
0x9: {  	[smem:$0x3FAB] =	sst s1  }
0xa: {  	[smem:$0x3FAC] =	sst s2  }
0xb: {  	[smem:$0x3FAD] =	sst s3  }
0xc: {  	[smem:$0x3FAE] =	sst s4  }
0xd: {  	[smem:$0x3FAF] =	sst s5  }
0xe: {  	[smem:$0x3FB0] =	sst s6  }
0xf: {  	[smem:$0x3FB1] =	sst s7  }
0x10: {  	[smem:$0x3FB2] =	sst s8  }
0x11: {  	[smem:$0x3FB3] =	sst s9;
	s0 =	simm.s32 @!p0 $0x0  }
0x12: {  	s1 =	sld [smem:$0x3F99];
	s0 =	simm.s32 @p0 $0x1  }
0x13: {  	[smem:$0x3FB4] =	sst s0;
	s0 =	simm.s32 @!p1 $0x0  }
0x14: {  	s2 =	sld [smem:$0x3F98];
	s0 =	simm.s32 @p1 $0x1  }
0x15: {  	[smem:$0x3FB5] =	sst s0;
	s0 =	simm.s32 @!p2 $0x0  }
0x16: {  	s3 =	sld [smem:$0x3FDB];
	s0 =	simm.s32 @p2 $0x1  }
0x17: {  	s4 =	simm.s32 $0x1BF5;
	[smem:$0x3FB7] =	sst s0  }
0x18: {  	s0 =	sld [smem:$0x3F9A];
	_ =	swait.ge [sflag:s4], $0x0  }
0x19: {  	s7 =	sld [smem:$0x3F9B]  }
0x1a: {  	s8 =	sadd.s32 $0xFFFFE003, lr  }
0x1b: {  	s9 =	sadd.s32 $0xFFFFFEF7, lr;
	s5 =	simm.s32 $0xFFFFFFFF;
	p2 =	slt.u32 s8, $0xFFFFF086  }
0x1c: {  	p1 =	slt.u32 s9, $0xF7A;
	s5 =	simm.s32 @!p2 $0x0  }
0x1d: {  	s5 =	simm.s32 @p1 $0x1;
	p0 =	seq.s32 s7, s2  }
0x1e: {  	s7 =	smul.u32 @!p0 $0xF7A, s2;
	p2 =	seq.s32 @!p0 s5, $0x0  }
0x1f: {  	s9 =	smul.u32 $0xF7A, s1;
	s8 =	simm.s32 @!p0 $0x1BF5;
	p2 =	por !p2, p0  }
0x20: {  	[sflag:s8] =	ssyncset.s32 @!p0 $0xFFFFF086;
	s6 =	sadd.s32 @!p0 s3, s7;
	s7 =	simm.s32 @!p0 $0x108  }
0x21: {  	s3 =	sadd.s32 s3, s9;
	s6 =	sadd.s32 @!p0 $0x88, s6;
	s7 =	simm.s32 @p2 $0x1082  }
0x22: {  	[simem:s7], [sflag:s8] =	dma.local @!p0 [hbm:s6], $0xF7A  }
0x23: {  	s9 =	sor.u32 $0xD0000000, s2;
	s6 =	simm.s32 $0x108;
	_ =	swait.ge @!p0 [sflag:s8], $0x0  }
0x24: {  	s3 =	sadd.s32 $0x88, s3;
	s6 =	simm.s32 @!p1 $0x1082;
	[sflag:s4] =	ssyncset.s32 $0xFFFFF086  }
0x25: {  	[simem:s6], [sflag:s4] =	dma.local [hbm:s3], $0xF7A  }
0x26: {  	[smem:$0x3F9B] =	sst s1;
	(tag) =	ssettag s2;
	_ =	strace s9  }
0x27: {  	s1 =	sld [smem:$0x3FAB]  }
0x28: {  	s2 =	sld [smem:$0x3FAC]  }
0x29: {  	s4 =	sld [smem:$0x3FAE]  }
0x2a: {  	p0 =	seq.s32 s5, $0x0;
	s5 =	sld [smem:$0x3FAF]  }
0x2b: {  	s6 =	sld [smem:$0x3FB0]  }
0x2c: {  	s7 =	sld [smem:$0x3FB1]  }
0x2d: {  	s3 =	simm.s32 $0x108;
	s8 =	sld [smem:$0x3FB2]  }
0x2e: {  	s3 =	simm.s32 @!p0 $0x1082;
	s9 =	sld [smem:$0x3FB3]  }
0x2f: {  	lr =	sadd.s32 s0, s3;
	s0 =	sld [smem:$0x3FAA]  }
0x30: {  	s3 =	sld [smem:$0x3FAD]  }
0x31: {  	[smem:$0x3FB6] =	sst s10  }
0x32: {  	s10 =	sld [smem:$0x3FB4];
	_ =	sdelay $0x3  }
0x33: {  	p0 =	seq.s32 s10, $0x1;
	s10 =	sld [smem:$0x3FB6];
	_ =	sdelay $0x3  }
0x34: {  	[smem:$0x3FB6] =	sst s10  }
0x35: {  	s10 =	sld [smem:$0x3FB5];
	_ =	sdelay $0x3  }
0x36: {  	p1 =	seq.s32 s10, $0x1;
	s10 =	sld [smem:$0x3FB6];
	_ =	sdelay $0x3  }
0x37: {  	[smem:$0x3FB6] =	sst s10  }
0x38: {  	s10 =	sld [smem:$0x3FB7]  }
0x39: {  	_ = 	snop;
	(pc) =	sbr.ind lr, $3  }
0x3a: {  	_ = 	snop  }
0x3b: {  	_ = 	snop  }
0x3c: {  	p2 =	seq.s32 s10, $0x1;
	s10 =	sld [smem:$0x3FB6]  }
0x3d: {  	_ =	shalt  }
0x3e: {  	_ =	shalt  }
0x3f: {  	_ =	shalt  }
0x40: {  	_ =	shalt  }
0x41: {  	_ =	shalt  }
0x42: {  	_ =	shalt  }
0x43: {  	_ =	shalt  }
0x44: {  	_ =	shalt  }
0x45: {  	_ =	shalt  }
0x46: {  	_ =	shalt  }
0x47: {  	_ =	shalt  }
0x48: {  	_ =	shalt  }
0x49: {  	_ =	shalt  }
0x4a: {  	_ =	shalt  }
0x4b: {  	_ =	shalt  }
0x4c: {  	_ =	shalt  }
0x4d: {  	_ =	shalt  }
0x4e: {  	_ =	shalt  }
0x4f: {  	_ =	shalt  }
0x50: {  	_ =	shalt  }
0x51: {  	_ =	shalt  }
0x52: {  	_ =	shalt  }
0x53: {  	_ =	shalt  }
0x54: {  	_ =	shalt  }
0x55: {  	_ =	shalt  }
0x56: {  	_ =	shalt  }
0x57: {  	_ =	shalt  }
0x58: {  	_ =	shalt  }
0x59: {  	_ =	shalt  }
0x5a: {  	_ =	shalt  }
0x5b: {  	_ =	shalt  }
0x5c: {  	_ =	shalt  }
0x5d: {  	_ =	shalt  }
0x5e: {  	_ =	shalt  }
0x5f: {  	_ =	shalt  }
0x60: {  	_ =	shalt  }
0x61: {  	_ =	shalt  }
0x62: {  	_ =	shalt  }
0x63: {  	_ =	shalt  }
0x64: {  	_ =	shalt  }
0x65: {  	_ =	shalt  }
0x66: {  	_ =	shalt  }
0x67: {  	_ =	shalt  }
0x68: {  	_ =	shalt  }
0x69: {  	_ =	shalt  }
0x6a: {  	_ =	shalt  }
0x6b: {  	_ =	shalt  }
0x6c: {  	_ =	shalt  }
0x6d: {  	_ =	shalt  }
0x6e: {  	_ =	shalt  }
0x6f: {  	_ =	shalt  }
0x70: {  	_ =	shalt  }
0x71: {  	_ =	shalt  }
0x72: {  	_ =	shalt  }
0x73: {  	_ =	shalt  }
0x74: {  	_ =	shalt  }
0x75: {  	_ =	shalt  }
0x76: {  	_ =	shalt  }
0x77: {  	_ =	shalt  }
0x78: {  	_ =	shalt  }
0x79: {  	_ =	shalt  }
0x7a: {  	_ =	shalt  }
0x7b: {  	_ =	shalt  }
0x7c: {  	_ =	shalt  }
0x7d: {  	_ =	shalt  }
0x7e: {  	_ =	shalt  }
0x7f: {  	_ =	shalt  }
0x80: {  	_ =	shalt  }
0x81: {  	_ =	shalt  }
0x82: {  	_ =	shalt  }
0x83: {  	_ =	shalt  }
0x84: {  	_ =	shalt  }
0x85: {  	_ =	shalt  }
0x86: {  	_ =	shalt  }
0x87: {  	_ =	shalt  }
.Lfunc_end0:
.L_simem_size_0:
called_computation_lowered:
.L_overlay_start_0:
0x88: {  	s2 =	sld [smem:$0x3FD9]  }
0x89: {  	s3 =	sld [smem:$0x3FFE];
	_ =	sdelay $0x1  }
0x8a: {  	s1 =	srdreg.scid  }
0x8b: {  	s0 =	sand.u32 $0x1, s1  }
0x8c: {  	s16 =	sshll.u32 s0, $0xA;
	s2 =	sadd.s32 s3, s2  }
0x8d: {  	s2 =	sadd.s32 s2, s16  }
0x8e: {  	[smem:$0x3FC2] =	sst s2  }
0x8f: {  	_ = 	snop  }
0x90: {  	(tm) =	ssettm $0x1  }
0x91: {  	s17 =	sld [smem:$0x3FFB];
	_ =	sdelay $0x3  }
0x92: {  	_ =	strace s17  }
0x93: {  	s2 =	sld [smem:$0x3FFC];
	_ =	sdelay $0x3  }
0x94: {  	_ =	strace s2  }
0x95: {  	s2 =	sld [smem:$0x3FFD];
	_ =	sdelay $0x3  }
0x96: {  	_ =	strace s2  }
0x97: {  	_ =	strace $0x8FFFFFFF  }
0x98: {  	s18 =	sld [smem:$0x3FDB];
	_ =	sdelay $0x1  }
0x99: {  	s19 =	simm.s32 $_scs_section_size  }
0x9a: {  	s4 =	simm.s32 $_size__tile_overlayer_lowered;
	s5 =	simm.s32 $_tile_overlayer_lowered  }
0x9b: {  	s22 =	simm.s32 $0x1BFF;
	s21 =	sshll.u32 s5, $0x1;
	s2 =	sadd.s32 s19, s18  }
0x9c: {  	s6 =	simm.s32 $0x0;
	s20 =	sshll.u32 s4, $0x1;
	s4 =	sadd.s32 s21, s2  }
0x9d: {  	[timem:s6], [sflag:s22] =	dma.local [hbm:s4], s20  }
0x9e: {  	_ =	swait.ge [sflag:s22], s20  }
0x9f: {  	s3 =	ssub.s32 $0x0, s20;
	[sflag:s22] =	ssyncset.done $0x0  }
0xa0: {  	[sflag:s22] =	ssyncadd.s32 s3;
	_ =	sdelay $0x1  }
0xa1: {  	s23 =	simm.s32 $0x1B8B  }
0xa2: {  	_ =	swait.ge [sflag:s23], $0x1  }
0xa3: {  	[sflag:s23] =	ssyncset.done $0x0  }
0xa4: {  	s25 =	simm.s32 $0x1B8E;
	s24 =	sld [smem:$0x3FFE];
	[sflag:s23] =	ssyncadd.s32 $0xFFFFFFFF  }
0xa5: {  	s26 =	simm.s32 $execute0_lowered;
	[smem:$0x3FD2] =	sst s25  }
0xa6: {  	s4 =	sshll.u32 s26, $0x1;
	_ =	strace $0x80000046;
	[dreg:$0x1] =	wrdreg $0xFFFFFFFF  }
0xa7: {  	s28 =	simm.s32 $_size_execute0_lowered;
	s2 =	sadd.s32 s2, s4;
	[dreg:$0x0] =	wrdreg $0x0  }
0xa8: {  	s4 =	sshll.u32 s28, $0x1;
	[dreg:$0x2] =	wrdreg s2  }
0xa9: {  	[dreg:$0x3] =	wrdreg s4  }
0xaa: {  	[dreg:$0x4] =	wrdreg $0xC0  }
0xab: {  	_ =	task [dreg:s6], $0x5FFFF  }
0xac: {  	[dreg:$0x1] =	wrdreg $0xFFFFFFFF  }
0xad: {  	[dreg:$0x0] =	wrdreg $0x60  }
0xae: {  	[dreg:$0x2] =	wrdreg s24  }
0xaf: {  	[dreg:$0x3] =	wrdreg $0x9  }
0xb0: {  	_ =	task.clear_ibuf [dreg:s6], $0x4FFFF;
	_ =	strace $0x90000046  }
0xb1: {  	s29 =	simm.s32 $0x9;
	_ =	strace $0x80000048  }
0xb2: {  	_ =	swait.ge [sflag:s29], $0x1  }
0xb3: {  	[sflag:s29] =	ssyncadd.s32 $0xFFFFFFFF  }
0xb4: {  	_ =	strace $0x90000048  }
0xb5: {  	_ =	sfence  }
0xb6: {  	s30 =	sld [smem:$0x0];
	_ =	sdelay $0x2  }
0xb7: {  	s31 =	sshll.u32 s1, $0xD;
	s1 =	sshrl.u32 s1, $0x2  }
0xb8: {  	s3 =	sand.u32 $0x4000, s31;
	s1 =	sadd.s32 s1, s30  }
0xb9: {  	s0 =	sor.u32 s3, s0;
	s1 =	sshll.u32 s1, $0x11  }
0xba: {  	s0 =	sor.u32 s1, s0  }
0xbb: {  	s0 =	sadd.s32 $0x8F2B, s0  }
0xbc: {  	[sflag:s0] =	ssyncadd.remote.s32 $0x1  }
0xbd: {  	_ =	sfence.sel $0xFFFF  }
0xbe: {  	[dreg:$0x0] =	wrdreg $0xFFFFFFFF;
	(pc) =	sbr.abs _section_cstart, $3  }
0xbf: {  	[dreg:$0x1] =	wrdreg $0xFFFFFFFF  }
0xc0: {  	_ =	task.clear_ibuf [dreg:s6], $0x2FFFF;
	_ =	strace $0x9FFFFFFF  }
0xc1: {  	(tm) =	ssettm $0x7FFFFFFF  }
tec
execute0_lowered:
.L_overlay_start_1:
0x0: {  	(tag) =	ssettag $0x1  }
0x1: {  	s0 =	rddreg [dreg:$0x0]  }
0x2: {  	s2 =	simm.s32 $0x0;
	s1 =	srdreg.scid;
	s11 =	stileid.u32  }
0x3: {  	s4 =	simm.s32 $0x29;
	s17 =	simm.s32 $0x80;
	s18 =	simm.s32 $0x4200  }
0x4: {  	s1 =	sand.u32 $0x1, s1;
	s3 =	sshll.u32 s11, $0x1;
	s13 =	smul.u32 $0x4E, s11  }
0x5: {  	s5 =	sor.u32 s1, s3;
	s22 =	ssub.s32 $0x2, s1;
	s1 =	smul.u32 $0x27, s1  }
0x6: {  	s21 =	simm.s32 $0x1;
	[smem:$0x7FF] =	sst s2;
	s6 =	smul.u32 $0x1380, s5  }
0x7: {  	s14 =	sadd.s32 $0x1A00, s0;
	_ =	strace $0x80000047;
	s7 =	smul.u32 $0x380, s5  }
0x8: {  	s15 =	sadd.s32 $0x6C00, s0;
	s3 =	sadd.s32 $0x277C00, s0;
	s10 =	smul.u32 $0x27, s5  }
0x9: {  	s8 =	sshrl.u32 s22, $0x1;
	p0 =	seq.s32 s5, $0x1F;
	s23 =	smul.u32 $0x13800, s5  }
0xa: {  	s0 =	ssub.s32 s22, s8;
	s4 =	simm.s32 @!p0 $0x27;
	s28 =	sadd.s32 s1, s13  }
0xb: {  	s22 =	simm.s32 $0x180;
	s6 =	sand.u32 $0x3FC00, s6;
	s7 =	sand.u32 $0x380, s7  }
0xc: {  	s24 =	sadd.s32 $0x1, s10;
	s25 =	sadd.s32 $0x2, s10;
	s16 =	sadd.s32 $0x3, s10  }
0xd: {  	s30 =	sshll.u32 s28, $0x4;
	s6 =	sor.u32 s7, s6;
	s9 =	sshll.u32 s24, $0x4  }
0xe: {  	s8 =	sshll.u32 s24, $0xB;
	s26 =	sshll.u32 s25, $0x4;
	s12 =	sshll.u32 s16, $0x4  }
0xf: {  	s29 =	sshll.u32 s16, $0xB;
	s31 =	sadd.s32 s14, s30;
	s16 =	simm.s32 $0x200  }
0x10: {  	s24 =	simm.s32 $0x2;
	s6 =	sshrl.u32 s6, $0x3;
	s7 =	sadd.s32 s14, s9  }
0x11: {  	s8 =	sadd.s32 s15, s8;
	s9 =	smax.u32 s0, $0x1;
	s10 =	sadd.s32 s14, s26  }
0x12: {  	s0 =	sshll.u32 s25, $0xB;
	s12 =	sadd.s32 s14, s12;
	s13 =	sadd.s32 s15, s29  }
0x13: {  	s25 =	simm.s32 $0x0;
	s11 =	sadd.s32 s15, s0;
	s0 =	sshll.u32 s28, $0xB  }
0x14: {  	s5 =	sadd.s32 s14, s6;
	s6 =	sadd.s32 s15, s23;
	s0 =	sadd.s32 s15, s0  }
0x15: {  	s14 =	sadd.s32 $0x40, s31;
	s23 =	simm.s32 $0xC200;
	s15 =	sadd.s32 $0x2000, s0  }
.LBB2_1:
0x16: {  	[tilespmem:s2], [sflag:$0x1] =	stream.linear.gather [hbm4b:s5+s2], $0x80, $0x38;
	[tilespmem:$0x10200] =	vst v63  }
0x17: {  	_ = 	snop  }
0x18: {  	[tilespmem:s16], [sflag:$0x1] =	stream.linear.gather [hbm4b:s6+s2], $0x4000, $0x38;
	[tilespmem:$0x10200] =	vst v63  }
0x19: {  	_ = 	snop  }
0x1a: {  	[tilespmem:s17], [sflag:$0x1] =	stream.linear.gather [hbm4b:s7+s2], $0x80, $0x38;
	[tilespmem:$0x10200] =	vst v63  }
0x1b: {  	_ = 	snop  }
0x1c: {  	[tilespmem:s18], [sflag:$0x1] =	stream.linear.gather [hbm4b:s8+s2], $0x4000, $0x38;
	[tilespmem:$0x10200] =	vst v63  }
0x1d: {  	s0 =	simm.s32 $0x100  }
0x1e: {  	[tilespmem:s0], [sflag:$0x1] =	stream.linear.gather [hbm4b:s10+s2], $0x80, $0x38;
	[tilespmem:$0x10200] =	vst v63  }
0x1f: {  	s30 =	simm.s32 $0x8200  }
0x20: {  	[tilespmem:s30], [sflag:$0x1] =	stream.linear.gather [hbm4b:s11+s2], $0x4000, $0x38;
	[tilespmem:$0x10200] =	vst v63  }
0x21: {  	_ =	swait.ge [sflag:s21], $0x80  }
0x22: {  	[sflag:s21] =	ssyncset.done $0x0  }
0x23: {  	[sflag:s21] =	ssyncadd.s32 $0xFFFFFF80  }
0x24: {  	_ =	swait.ge [sflag:s21], $0x4000  }
0x25: {  	[sflag:s21] =	ssyncset.done $0x0  }
0x26: {  	[sflag:s21] =	ssyncadd.s32 $0xFFFFC000  }
0x27: {  	[hbm4b:s3+s17] =	stream.indirect.scatter [tilespmem:s16], [sflag:$0x2], $0x80, s2, s17, $0xb8;
	[tilespmem:$0x10200] =	vst v63  }
0x28: {  	_ = 	snop  }
0x29: {  	[tilespmem:s22], [sflag:$0x1] =	stream.linear.gather [hbm4b:s12+s2], $0x80, $0x38;
	[tilespmem:$0x10200] =	vst v63  }
0x2a: {  	_ = 	snop  }
0x2b: {  	[tilespmem:s23], [sflag:$0x1] =	stream.linear.gather [hbm4b:s13+s2], $0x4000, $0x38;
	[tilespmem:$0x10200] =	vst v63  }
0x2c: {  	_ =	swait.ge [sflag:s21], $0x80  }
0x2d: {  	p1 =	sne.s32 s4, $0x3;
	[sflag:s21] =	ssyncset.done $0x0  }
.Ltmp0:
0x2e: {  	[sflag:s21] =	ssyncadd.s32 $0xFFFFFF80;
	(pc) =	sbr.rel @!p1 .LBB2_2-.Ltmp0, $4  }
0x2f: {  	_ =	swait.ge [sflag:s21], $0x4000  }
0x30: {  	s31 =	simm.s32 $0x4;
	[sflag:s21] =	ssyncset.done $0x0  }
0x31: {  	s26 =	simm.s32 $0x3;
	p0 =	por $0x0, $0x0;
	[sflag:s21] =	ssyncadd.s32 $0xFFFFC000  }
0x32: {  	[hbm4b:s3+s17] =	stream.indirect.scatter [tilespmem:s18], [sflag:$0x2], $0x80, s17, s17, $0xb8;
	[tilespmem:$0x10200] =	vst v63  }
0x33: {  	_ =	swait.ge [sflag:s24], $0x4000;
	p0 =	sle.u32 s4, $0x4  }
0x34: {  	[sflag:s24] =	ssyncset.done $0x0;
	s0 =	sand.u32 @!p0 $0x3, s31;
	s1 =	simm.s32 @!p0 $0x0  }
0x35: {  	[sflag:s24] =	ssyncadd.s32 $0xFFFFC000;
	s28 =	sshll.u32 @!p0 s0, $0x7;
	s0 =	sshll.u32 @!p0 s0, $0xE  }
0x36: {  	[tilespmem:s28], [sflag:$0x1] =	stream.linear.gather @!p0 [hbm4b:s14+s1], $0x80, $0x38;
	[tilespmem:$0x10200] =	vst v63  }
0x37: {  	s0 =	sor.u32 @!p0 $0x200, s0  }
0x38: {  	[tilespmem:s0], [sflag:$0x1] =	stream.linear.gather @!p0 [hbm4b:s15+s1], $0x4000, $0x38;
	[tilespmem:$0x10200] =	vst v63  }
0x39: {  	p1 =	sne.s32 s4, $0x4;
	_ =	swait.ge [sflag:s21], $0x80  }
.Ltmp1:
0x3a: {  	s30 =	simm.s32 $0x4;
	[sflag:s21] =	ssyncset.done $0x0;
	(pc) =	sbr.rel @!p1 .LBB2_4-.Ltmp1, $4  }
0x3b: {  	s19 =	sand.u32 $0x3, s24;
	s29 =	sadd.s32 $0x10, s14;
	[sflag:s21] =	ssyncadd.s32 $0xFFFFFF80  }
0x3c: {  	s31 =	simm.s32 $0x5;
	s20 =	sshll.u32 s19, $0xE;
	_ =	swait.ge [sflag:s21], $0x4000  }
0x3d: {  	s28 =	sadd.s32 $0x800, s15;
	s0 =	sshll.u32 s19, $0x7;
	[sflag:s21] =	ssyncset.done $0x0  }
0x3e: {  	s1 =	sor.u32 $0x200, s20;
	p0 =	por $0x1, $0x1;
	[sflag:s21] =	ssyncadd.s32 $0xFFFFC000  }
.LBB2_5:
0x3f: {  	[hbm4b:s3+s17] =	stream.indirect.scatter [tilespmem:s1], [sflag:$0x2], $0x80, s0, s17, $0xb8;
	[tilespmem:$0x10200] =	vst v63  }
0x40: {  	s0 =	smov.u32 s26;
	s26 =	smov.u32 s30  }
0x41: {  	s1 =	sadd.s32 $0x2, s30;
	p1 =	sge.u32 s31, s4;
	_ =	swait.ge [sflag:s24], $0x4000  }
0x42: {  	s31 =	sand.u32 @!p1 $0x3, s31;
	s19 =	simm.s32 @!p1 $0x0;
	[sflag:s24] =	ssyncset.done $0x0  }
0x43: {  	s20 =	sshll.u32 @!p1 s31, $0x7;
	s31 =	sshll.u32 @!p1 s31, $0xE;
	[sflag:s24] =	ssyncadd.s32 $0xFFFFC000  }
0x44: {  	[tilespmem:s20], [sflag:$0x1] =	stream.linear.gather @!p1 [hbm4b:s29+s19], $0x80, $0x38;
	[tilespmem:$0x10200] =	vst v63  }
0x45: {  	s30 =	sadd.s32 $0x1, s30;
	s20 =	sor.u32 @!p1 $0x200, s31;
	s31 =	smov.u32 s1  }
0x46: {  	[tilespmem:s20], [sflag:$0x1] =	stream.linear.gather @!p1 [hbm4b:s28+s19], $0x4000, $0x38;
	[tilespmem:$0x10200] =	vst v63  }
0x47: {  	p1 =	sne.s32 s4, s30;
	_ =	swait.ge [sflag:s21], $0x80  }
.Ltmp2:
0x48: {  	[sflag:s21] =	ssyncset.done $0x0;
	(pc) =	sbr.rel @p1 .LBB2_5-.Ltmp2, $4  }
0x49: {  	[sflag:s21] =	ssyncadd.s32 $0xFFFFFF80  }
0x4a: {  	s0 =	sand.u32 $0x3, s0;
	s28 =	sadd.s32 $0x800, s28;
	_ =	swait.ge [sflag:s21], $0x4000  }
0x4b: {  	s1 =	sshll.u32 s0, $0xE;
	s29 =	sadd.s32 $0x10, s29;
	[sflag:s21] =	ssyncset.done $0x0  }
0x4c: {  	s0 =	sshll.u32 s0, $0x7;
	s1 =	sor.u32 $0x200, s1;
	[sflag:s21] =	ssyncadd.s32 $0xFFFFC000  }
.LBB2_6:
0x4d: {  	[hbm4b:s3+s17] =	stream.indirect.scatter @p0 [tilespmem:s1], [sflag:$0x2], $0x80, s0, s17, $0xb8;
	[tilespmem:$0x10200] =	vst v63  }
0x4e: {  	p0 =	sge.u32 s31, s4;
	_ =	swait.ge [sflag:s24], $0x4000  }
0x4f: {  	s0 =	sand.u32 @!p0 $0x3, s31;
	s1 =	simm.s32 @!p0 $0x0;
	[sflag:s24] =	ssyncset.done $0x0  }
0x50: {  	s19 =	sshll.u32 @!p0 s0, $0x7;
	s0 =	sshll.u32 @!p0 s0, $0xE;
	[sflag:s24] =	ssyncadd.s32 $0xFFFFC000  }
0x51: {  	[tilespmem:s19], [sflag:$0x1] =	stream.linear.gather @!p0 [hbm4b:s29+s1], $0x80, $0x38;
	[tilespmem:$0x10200] =	vst v63  }
0x52: {  	s0 =	sor.u32 @!p0 $0x200, s0  }
0x53: {  	[tilespmem:s0], [sflag:$0x1] =	stream.linear.gather @!p0 [hbm4b:s28+s1], $0x4000, $0x38;
	[tilespmem:$0x10200] =	vst v63  }
0x54: {  	_ =	swait.ge [sflag:s21], $0x80  }
0x55: {  	[sflag:s21] =	ssyncset.done $0x0  }
0x56: {  	[sflag:s21] =	ssyncadd.s32 $0xFFFFFF80  }
0x57: {  	s30 =	sand.u32 $0x3, s26;
	_ =	swait.ge [sflag:s21], $0x4000  }
0x58: {  	s25 =	sadd.s32 $0x1, s25;
	s31 =	sshll.u32 s30, $0xE;
	[sflag:s21] =	ssyncset.done $0x0  }
0x59: {  	s0 =	sshll.u32 s30, $0x7;
	s1 =	sor.u32 $0x200, s31;
	[sflag:s21] =	ssyncadd.s32 $0xFFFFC000  }
0x5a: {  	[hbm4b:s3+s17] =	stream.indirect.scatter [tilespmem:s1], [sflag:$0x2], $0x80, s0, s17, $0xb8;
	[tilespmem:$0x10200] =	vst v63  }
0x5b: {  	p0 =	sne.s32 s25, s9;
	_ =	swait.ge [sflag:s24], $0x4000  }
.Ltmp3:
0x5c: {  	[sflag:s24] =	ssyncset.done $0x0;
	(pc) =	sbr.rel @p0 .LBB2_1-.Ltmp3, $4  }
.Ltmp4:
0x5d: {  	[sflag:s24] =	ssyncadd.s32 $0xFFFFC000;
	(pc) =	sbr.rel @!p0 .LBB2_7-.Ltmp4, $4  }
0x5e: {  	_ =	swait.ge [sflag:s24], $0x4000  }
0x5f: {  	[sflag:s24] =	ssyncset.done $0x0  }
0x60: {  	[sflag:s24] =	ssyncadd.s32 $0xFFFFC000  }
0x61: {  	_ = 	snop  }
.LBB2_2:
.Ltmp5:
0x62: {  	(pc) =	sbr.rel .LBB2_6-.Ltmp5, $2  }
0x63: {  	_ =	sdelay $0x2  }
0x64: {  	s26 =	simm.s32 $0x2;
	s29 =	smov.u32 s14;
	s28 =	smov.u32 s15  }
.LBB2_4:
.Ltmp6:
0x65: {  	(pc) =	sbr.rel .LBB2_6-.Ltmp6, $2  }
0x66: {  	_ =	sdelay $0x2  }
0x67: {  	s31 =	simm.s32 $0x5  }
.LBB2_7:
0x68: {  	_ =	sfence.sel $0x180000  }
0x69: {  	[bflag:$0x0] =	sbarrier.arrive $0xFFFF  }
0x6a: {  	_ =	strace $0x90000047  }
0x6b: {  	s0 =	stileid.u32;
	[bflag:$0x2] =	sbarrier.arrive $0xFFFF  }
0x6c: {  	p0 =	sne.s32 s0, $0x0;
	s0 =	rddreg [dreg:$0x1]  }
0x6d: {  	s0 =	sadd.s32 @!p0 $0x100000, s0  }
0x6e: {  	[sflag:s0] =	ssyncadd.tile.s32 @!p0 $0x1;
	_ =	shalt  }
.Lfunc_end2:
_tile_overlayer_lowered:
.L_overlay_start_2:
0x6f: {  	(tag) =	ssettag $0x2  }
0x70: {  	s0 =	rddreg [dreg:$0x0];
	s2 =	stileid.u32  }
0x71: {  	s1 =	rddreg [dreg:$0x1];
	p0 =	sne.s32 s2, $0x0  }
0x72: {  	s3 =	rddreg [dreg:$0x2];
	[bflag:$0x3] =	sbarrier.arrive $0xFFFF;
	s2 =	simm.s32 @!p0 $0x1C03  }
0x73: {  	[timem:s3], [sflag:s2] =	dma.local @!p0 [hbm:s0], s1  }
0x74: {  	s0 =	simm.s32 @!p0 $0x3  }
0x75: {  	_ =	swait.ge @!p0 [sflag:s0], s1  }
0x76: {  	s1 =	ssub.s32 @!p0 $0x0, s1;
	[sflag:s0] =	ssyncset.done @!p0 $0x0  }
0x77: {  	[sflag:s0] =	ssyncadd.s32 @!p0 s1  }
0x78: {  	[bflag:$0x3] =	sbarrier.arrive $0xFFFF  }
0x79: {  	_ =	shalt  }

// kernel: kernel.9.cloned.1.call-start
scs
__scs_entry_jumppad:
0x0: {  	(pc) =	sbr.rel $0x88, $3  }
0x1: {  	(tag) =	ssettag $0x0;
	lr =	simm.s32 $0x1  }
0x2: {  	[smem:$0x3F9B] =	sst lr;
	_ =	strace $0xD0000000  }
0x3: {  	_ = 	snop  }
0x4: {  	_ = 	snop  }
0x5: {  	_ = 	snop  }
0x6: {  	_ = 	snop  }
0x7: {  	_ = 	snop  }
__scs_overlays_trampoline_lowered:
0x8: {  	[smem:$0x3FAA] =	sst s0  }
0x9: {  	[smem:$0x3FAB] =	sst s1  }
0xa: {  	[smem:$0x3FAC] =	sst s2  }
0xb: {  	[smem:$0x3FAD] =	sst s3  }
0xc: {  	[smem:$0x3FAE] =	sst s4  }
0xd: {  	[smem:$0x3FAF] =	sst s5  }
0xe: {  	[smem:$0x3FB0] =	sst s6  }
0xf: {  	[smem:$0x3FB1] =	sst s7  }
0x10: {  	[smem:$0x3FB2] =	sst s8  }
0x11: {  	[smem:$0x3FB3] =	sst s9;
	s0 =	simm.s32 @!p0 $0x0  }
0x12: {  	s1 =	sld [smem:$0x3F99];
	s0 =	simm.s32 @p0 $0x1  }
0x13: {  	[smem:$0x3FB4] =	sst s0;
	s0 =	simm.s32 @!p1 $0x0  }
0x14: {  	s2 =	sld [smem:$0x3F98];
	s0 =	simm.s32 @p1 $0x1  }
0x15: {  	[smem:$0x3FB5] =	sst s0;
	s0 =	simm.s32 @!p2 $0x0  }
0x16: {  	s3 =	sld [smem:$0x3FDB];
	s0 =	simm.s32 @p2 $0x1  }
0x17: {  	s4 =	simm.s32 $0x1BF5;
	[smem:$0x3FB7] =	sst s0  }
0x18: {  	s0 =	sld [smem:$0x3F9A];
	_ =	swait.ge [sflag:s4], $0x0  }
0x19: {  	s7 =	sld [smem:$0x3F9B]  }
0x1a: {  	s8 =	sadd.s32 $0xFFFFE003, lr  }
0x1b: {  	s9 =	sadd.s32 $0xFFFFFEF7, lr;
	s5 =	simm.s32 $0xFFFFFFFF;
	p2 =	slt.u32 s8, $0xFFFFF086  }
0x1c: {  	p1 =	slt.u32 s9, $0xF7A;
	s5 =	simm.s32 @!p2 $0x0  }
0x1d: {  	s5 =	simm.s32 @p1 $0x1;
	p0 =	seq.s32 s7, s2  }
0x1e: {  	s7 =	smul.u32 @!p0 $0xF7A, s2;
	p2 =	seq.s32 @!p0 s5, $0x0  }
0x1f: {  	s9 =	smul.u32 $0xF7A, s1;
	s8 =	simm.s32 @!p0 $0x1BF5;
	p2 =	por !p2, p0  }
0x20: {  	[sflag:s8] =	ssyncset.s32 @!p0 $0xFFFFF086;
	s6 =	sadd.s32 @!p0 s3, s7;
	s7 =	simm.s32 @!p0 $0x108  }
0x21: {  	s3 =	sadd.s32 s3, s9;
	s6 =	sadd.s32 @!p0 $0x88, s6;
	s7 =	simm.s32 @p2 $0x1082  }
0x22: {  	[simem:s7], [sflag:s8] =	dma.local @!p0 [hbm:s6], $0xF7A  }
0x23: {  	s9 =	sor.u32 $0xD0000000, s2;
	s6 =	simm.s32 $0x108;
	_ =	swait.ge @!p0 [sflag:s8], $0x0  }
0x24: {  	s3 =	sadd.s32 $0x88, s3;
	s6 =	simm.s32 @!p1 $0x1082;
	[sflag:s4] =	ssyncset.s32 $0xFFFFF086  }
0x25: {  	[simem:s6], [sflag:s4] =	dma.local [hbm:s3], $0xF7A  }
0x26: {  	[smem:$0x3F9B] =	sst s1;
	(tag) =	ssettag s2;
	_ =	strace s9  }
0x27: {  	s1 =	sld [smem:$0x3FAB]  }
0x28: {  	s2 =	sld [smem:$0x3FAC]  }
0x29: {  	s4 =	sld [smem:$0x3FAE]  }
0x2a: {  	p0 =	seq.s32 s5, $0x0;
	s5 =	sld [smem:$0x3FAF]  }
0x2b: {  	s6 =	sld [smem:$0x3FB0]  }
0x2c: {  	s7 =	sld [smem:$0x3FB1]  }
0x2d: {  	s3 =	simm.s32 $0x108;
	s8 =	sld [smem:$0x3FB2]  }
0x2e: {  	s3 =	simm.s32 @!p0 $0x1082;
	s9 =	sld [smem:$0x3FB3]  }
0x2f: {  	lr =	sadd.s32 s0, s3;
	s0 =	sld [smem:$0x3FAA]  }
0x30: {  	s3 =	sld [smem:$0x3FAD]  }
0x31: {  	[smem:$0x3FB6] =	sst s10  }
0x32: {  	s10 =	sld [smem:$0x3FB4];
	_ =	sdelay $0x3  }
0x33: {  	p0 =	seq.s32 s10, $0x1;
	s10 =	sld [smem:$0x3FB6];
	_ =	sdelay $0x3  }
0x34: {  	[smem:$0x3FB6] =	sst s10  }
0x35: {  	s10 =	sld [smem:$0x3FB5];
	_ =	sdelay $0x3  }
0x36: {  	p1 =	seq.s32 s10, $0x1;
	s10 =	sld [smem:$0x3FB6];
	_ =	sdelay $0x3  }
0x37: {  	[smem:$0x3FB6] =	sst s10  }
0x38: {  	s10 =	sld [smem:$0x3FB7]  }
0x39: {  	_ = 	snop;
	(pc) =	sbr.ind lr, $3  }
0x3a: {  	_ = 	snop  }
0x3b: {  	_ = 	snop  }
0x3c: {  	p2 =	seq.s32 s10, $0x1;
	s10 =	sld [smem:$0x3FB6]  }
0x3d: {  	_ =	shalt  }
0x3e: {  	_ =	shalt  }
0x3f: {  	_ =	shalt  }
0x40: {  	_ =	shalt  }
0x41: {  	_ =	shalt  }
0x42: {  	_ =	shalt  }
0x43: {  	_ =	shalt  }
0x44: {  	_ =	shalt  }
0x45: {  	_ =	shalt  }
0x46: {  	_ =	shalt  }
0x47: {  	_ =	shalt  }
0x48: {  	_ =	shalt  }
0x49: {  	_ =	shalt  }
0x4a: {  	_ =	shalt  }
0x4b: {  	_ =	shalt  }
0x4c: {  	_ =	shalt  }
0x4d: {  	_ =	shalt  }
0x4e: {  	_ =	shalt  }
0x4f: {  	_ =	shalt  }
0x50: {  	_ =	shalt  }
0x51: {  	_ =	shalt  }
0x52: {  	_ =	shalt  }
0x53: {  	_ =	shalt  }
0x54: {  	_ =	shalt  }
0x55: {  	_ =	shalt  }
0x56: {  	_ =	shalt  }
0x57: {  	_ =	shalt  }
0x58: {  	_ =	shalt  }
0x59: {  	_ =	shalt  }
0x5a: {  	_ =	shalt  }
0x5b: {  	_ =	shalt  }
0x5c: {  	_ =	shalt  }
0x5d: {  	_ =	shalt  }
0x5e: {  	_ =	shalt  }
0x5f: {  	_ =	shalt  }
0x60: {  	_ =	shalt  }
0x61: {  	_ =	shalt  }
0x62: {  	_ =	shalt  }
0x63: {  	_ =	shalt  }
0x64: {  	_ =	shalt  }
0x65: {  	_ =	shalt  }
0x66: {  	_ =	shalt  }
0x67: {  	_ =	shalt  }
0x68: {  	_ =	shalt  }
0x69: {  	_ =	shalt  }
0x6a: {  	_ =	shalt  }
0x6b: {  	_ =	shalt  }
0x6c: {  	_ =	shalt  }
0x6d: {  	_ =	shalt  }
0x6e: {  	_ =	shalt  }
0x6f: {  	_ =	shalt  }
0x70: {  	_ =	shalt  }
0x71: {  	_ =	shalt  }
0x72: {  	_ =	shalt  }
0x73: {  	_ =	shalt  }
0x74: {  	_ =	shalt  }
0x75: {  	_ =	shalt  }
0x76: {  	_ =	shalt  }
0x77: {  	_ =	shalt  }
0x78: {  	_ =	shalt  }
0x79: {  	_ =	shalt  }
0x7a: {  	_ =	shalt  }
0x7b: {  	_ =	shalt  }
0x7c: {  	_ =	shalt  }
0x7d: {  	_ =	shalt  }
0x7e: {  	_ =	shalt  }
0x7f: {  	_ =	shalt  }
0x80: {  	_ =	shalt  }
0x81: {  	_ =	shalt  }
0x82: {  	_ =	shalt  }
0x83: {  	_ =	shalt  }
0x84: {  	_ =	shalt  }
0x85: {  	_ =	shalt  }
0x86: {  	_ =	shalt  }
0x87: {  	_ =	shalt  }
.Lfunc_end0:
.L_simem_size_0:
called_computation.1_lowered:
.L_overlay_start_0:
0x88: {  	s2 =	sld [smem:$0x3FD9]  }
0x89: {  	s3 =	sld [smem:$0x3FFE];
	_ =	sdelay $0x1  }
0x8a: {  	s1 =	srdreg.scid  }
0x8b: {  	s0 =	sand.u32 $0x1, s1  }
0x8c: {  	s17 =	sshll.u32 s0, $0xA;
	s2 =	sadd.s32 s3, s2  }
0x8d: {  	s2 =	sadd.s32 s2, s17  }
0x8e: {  	[smem:$0x3FC2] =	sst s2  }
0x8f: {  	_ = 	snop  }
0x90: {  	s2 =	sld [smem:$0x3FD0];
	(tm) =	ssettm $0x1  }
0x91: {  	s18 =	sld [smem:$0x3FFB];
	_ =	sdelay $0x3  }
0x92: {  	_ =	strace s18  }
0x93: {  	s3 =	sld [smem:$0x3FFC];
	_ =	sdelay $0x3  }
0x94: {  	_ =	strace s3  }
0x95: {  	s3 =	sld [smem:$0x3FFD];
	_ =	sdelay $0x3  }
0x96: {  	_ =	strace s3  }
0x97: {  	_ =	strace $0x8FFFFFFF  }
0x98: {  	s19 =	sld [smem:$0x3FDB];
	_ =	sdelay $0x1  }
0x99: {  	s4 =	simm.s32 $_scs_section_size  }
0x9a: {  	s5 =	simm.s32 $_size__tile_overlayer_lowered;
	s6 =	simm.s32 $_tile_overlayer_lowered  }
0x9b: {  	s22 =	simm.s32 $0x1BFF;
	s21 =	sshll.u32 s6, $0x1;
	s3 =	sadd.s32 s4, s19  }
0x9c: {  	s7 =	simm.s32 $0x0;
	s20 =	sshll.u32 s5, $0x1;
	s5 =	sadd.s32 s21, s3  }
0x9d: {  	[timem:s7], [sflag:s22] =	dma.local [hbm:s5], s20  }
0x9e: {  	_ =	swait.ge [sflag:s22], s20  }
0x9f: {  	s4 =	ssub.s32 $0x0, s20;
	[sflag:s22] =	ssyncset.done $0x0  }
0xa0: {  	[sflag:s22] =	ssyncadd.s32 s4;
	_ =	sdelay $0x1  }
0xa1: {  	s23 =	simm.s32 $0x1B8B  }
0xa2: {  	_ =	swait.ge [sflag:s23], $0x1  }
0xa3: {  	[sflag:s23] =	ssyncset.done $0x0  }
0xa4: {  	s25 =	simm.s32 $0x1B8E;
	s24 =	sld [smem:$0x3FFE];
	[sflag:s23] =	ssyncadd.s32 $0xFFFFFFFF  }
0xa5: {  	s26 =	simm.s32 $execute0_lowered;
	[smem:$0x3FD2] =	sst s25  }
0xa6: {  	s5 =	sshll.u32 s26, $0x1;
	_ =	strace $0x80000049;
	[dreg:$0x1] =	wrdreg $0xFFFFFFFF  }
0xa7: {  	s28 =	simm.s32 $_size_execute0_lowered;
	s3 =	sadd.s32 s3, s5;
	[dreg:$0x0] =	wrdreg $0x0  }
0xa8: {  	s5 =	sshll.u32 s28, $0x1;
	[dreg:$0x2] =	wrdreg s3  }
0xa9: {  	[dreg:$0x3] =	wrdreg s5  }
0xaa: {  	[dreg:$0x4] =	wrdreg $0xC0  }
0xab: {  	_ =	task [dreg:s7], $0x5FFFF  }
0xac: {  	[dreg:$0x1] =	wrdreg $0xFFFFFFFF  }
0xad: {  	[dreg:$0x0] =	wrdreg $0x60  }
0xae: {  	[dreg:$0x2] =	wrdreg s24  }
0xaf: {  	[dreg:$0x3] =	wrdreg s2  }
0xb0: {  	[dreg:$0x4] =	wrdreg $0x9  }
0xb1: {  	_ =	task.clear_ibuf [dreg:s7], $0x5FFFF;
	_ =	strace $0x90000049  }
0xb2: {  	s29 =	simm.s32 $0x9;
	_ =	strace $0x8000004B  }
0xb3: {  	_ =	swait.ge [sflag:s29], $0x1  }
0xb4: {  	[sflag:s29] =	ssyncadd.s32 $0xFFFFFFFF  }
0xb5: {  	_ =	strace $0x9000004B  }
0xb6: {  	_ =	sfence  }
0xb7: {  	s30 =	sld [smem:$0x0];
	_ =	sdelay $0x2  }
0xb8: {  	s31 =	sshll.u32 s1, $0xD;
	s1 =	sshrl.u32 s1, $0x2  }
0xb9: {  	s3 =	sand.u32 $0x4000, s31;
	s1 =	sadd.s32 s1, s30  }
0xba: {  	s0 =	sor.u32 s3, s0;
	s1 =	sshll.u32 s1, $0x11  }
0xbb: {  	s0 =	sor.u32 s1, s0  }
0xbc: {  	s0 =	sadd.s32 $0x8F2B, s0  }
0xbd: {  	[sflag:s0] =	ssyncadd.remote.s32 $0x1  }
0xbe: {  	_ =	sfence.sel $0xFFFF  }
0xbf: {  	[dreg:$0x0] =	wrdreg $0xFFFFFFFF;
	(pc) =	sbr.abs _section_cstart, $3  }
0xc0: {  	[dreg:$0x1] =	wrdreg $0xFFFFFFFF  }
0xc1: {  	_ =	task.clear_ibuf [dreg:s7], $0x2FFFF;
	_ =	strace $0x9FFFFFFF  }
0xc2: {  	(tm) =	ssettm $0x7FFFFFFF  }
0xc3: {  	_ =	shalt  }
tec
execute0_lowered:
.L_overlay_start_1:
0x0: {  	(tag) =	ssettag $0x1  }
0x1: {  	s0 =	rddreg [dreg:$0x0];
	s1 =	srdreg.scid  }
0x2: {  	s15 =	stileid.u32;
	s12 =	rddreg [dreg:$0x1]  }
0x3: {  	s2 =	simm.s32 $0x0;
	s16 =	simm.s32 $0x80;
	s17 =	simm.s32 $0x1  }
0x4: {  	s18 =	simm.s32 $0x200;
	s19 =	simm.s32 $0x100;
	s20 =	simm.s32 $0x4200  }
0x5: {  	s21 =	simm.s32 $0x2;
	s23 =	simm.s32 $0x8200;
	s10 =	smul.u32 $0x4E, s15  }
0x6: {  	s24 =	simm.s32 $0x3;
	s1 =	sand.u32 $0x1, s1;
	s31 =	smul.u32 $0x27000, s15  }
0x7: {  	s3 =	sshll.u32 s15, $0x1;
	[smem:$0x7FF] =	sst s2;
	s14 =	smul.u32 $0x27, s1  }
0x8: {  	s5 =	sor.u32 s1, s3;
	s4 =	ssub.s32 $0x2, s1;
	s1 =	smul.u32 $0x13800, s1  }
0x9: {  	s25 =	simm.s32 $0x0;
	_ =	strace $0x8000004A;
	s6 =	smul.u32 $0x1380, s5  }
0xa: {  	s13 =	sadd.s32 $0x1A00, s0;
	s3 =	sadd.s32 $0x527C00, s0;
	s8 =	smul.u32 $0x380, s5  }
0xb: {  	s7 =	sshrl.u32 s4, $0x1;
	p0 =	seq.s32 s5, $0x1F;
	s29 =	smul.u32 $0x270, s5  }
0xc: {  	s9 =	smul.u32 $0x13800, s5;
	s26 =	ssub.s32 s4, s7;
	s4 =	simm.s32 $0x29  }
0xd: {  	s30 =	sadd.s32 s14, s10;
	s14 =	sadd.s32 s31, s12;
	s28 =	sand.u32 $0x3FC00, s6  }
0xe: {  	s8 =	sand.u32 $0x380, s8;
	s4 =	simm.s32 @!p0 $0x27;
	s6 =	sshrl.u32 s6, $0x3  }
0xf: {  	s11 =	sadd.s32 s13, s29;
	s9 =	sadd.s32 s12, s9;
	s0 =	sshll.u32 s30, $0x4  }
0x10: {  	s1 =	sadd.s32 s1, s14;
	s7 =	sor.u32 s8, s28;
	s6 =	sadd.s32 s13, s6  }
0x11: {  	s8 =	sadd.s32 $0x20, s11;
	s10 =	sadd.s32 $0x30, s11;
	s11 =	sadd.s32 $0x800, s9  }
0x12: {  	s0 =	sadd.s32 s13, s0;
	s14 =	sadd.s32 $0x1000, s1;
	s7 =	sshrl.u32 s7, $0x3  }
0x13: {  	s6 =	sadd.s32 $0x10, s6;
	s12 =	ssub.s32 $0xFFFFFFC0, s0;
	s1 =	sadd.s32 $0x40, s0  }
0x14: {  	s5 =	sadd.s32 s13, s7;
	s7 =	smax.u32 s26, $0x1;
	s13 =	ssub.s32 $0x0, s4  }
.LBB2_1:
0x15: {  	[tilespmem:s2], [sflag:$0x1] =	stream.linear.gather [hbm4b:s5+s2], $0x80, $0x38;
	[tilespmem:$0x10200] =	vst v63  }
0x16: {  	_ = 	snop  }
0x17: {  	[tilespmem:s16], [sflag:$0x1] =	stream.linear.gather [hbm4b:s6+s2], $0x80, $0x38;
	[tilespmem:$0x10200] =	vst v63  }
0x18: {  	_ =	swait.ge [sflag:s17], $0x80  }
0x19: {  	[sflag:s17] =	ssyncset.done $0x0  }
0x1a: {  	[sflag:s17] =	ssyncadd.s32 $0xFFFFFF80  }
0x1b: {  	[tilespmem:s18], [sflag:$0x2] =	stream.indirect.gather [hbm4b:s3+s16], $0x80, s2, s16, $0xb8;
	[tilespmem:$0x10200] =	vst v63  }
0x1c: {  	_ = 	snop  }
0x1d: {  	[tilespmem:s19], [sflag:$0x1] =	stream.linear.gather [hbm4b:s8+s2], $0x80, $0x38;
	[tilespmem:$0x10200] =	vst v63  }
0x1e: {  	_ =	swait.ge [sflag:s17], $0x80  }
0x1f: {  	[sflag:s17] =	ssyncset.done $0x0  }
0x20: {  	[sflag:s17] =	ssyncadd.s32 $0xFFFFFF80  }
0x21: {  	[tilespmem:s20], [sflag:$0x2] =	stream.indirect.gather [hbm4b:s3+s16], $0x80, s16, s16, $0xb8;
	[tilespmem:$0x10200] =	vst v63  }
0x22: {  	_ =	swait.ge [sflag:s21], $0x4000  }
0x23: {  	[sflag:s21] =	ssyncset.done $0x0  }
0x24: {  	[sflag:s21] =	ssyncadd.s32 $0xFFFFC000  }
0x25: {  	[hbm4b:s9+s2] =	stream.linear.scatter [tilespmem:s18], [sflag:$0x3], $0x4000, $0x38;
	[tilespmem:$0x10200] =	vst v63  }
0x26: {  	s0 =	simm.s32 $0x180  }
0x27: {  	[tilespmem:s0], [sflag:$0x1] =	stream.linear.gather [hbm4b:s10+s2], $0x80, $0x38;
	[tilespmem:$0x10200] =	vst v63  }
0x28: {  	_ =	swait.ge [sflag:s17], $0x80  }
0x29: {  	[sflag:s17] =	ssyncset.done $0x0  }
0x2a: {  	[sflag:s17] =	ssyncadd.s32 $0xFFFFFF80  }
0x2b: {  	[tilespmem:s23], [sflag:$0x2] =	stream.indirect.gather [hbm4b:s3+s16], $0x80, s19, s16, $0xb8;
	[tilespmem:$0x10200] =	vst v63  }
0x2c: {  	s29 =	simm.s32 $0x800;
	s30 =	simm.s32 $0x4;
	_ =	swait.ge [sflag:s21], $0x4000  }
0x2d: {  	s28 =	simm.s32 $0x20000;
	s15 =	smov.u32 s1;
	[sflag:s21] =	ssyncset.done $0x0  }
0x2e: {  	s26 =	smov.u32 s14;
	s31 =	smov.u32 s12;
	[sflag:s21] =	ssyncadd.s32 $0xFFFFC000  }
0x2f: {  	[hbm4b:s11+s2] =	stream.linear.scatter [tilespmem:s20], [sflag:$0x3], $0x4000, $0x38;
	[tilespmem:$0x10200] =	vst v63  }
.LBB2_2:
0x30: {  	_ =	swait.ge [sflag:s24], $0x4000;
	p0 =	sge.u32 s30, s4  }
0x31: {  	s0 =	smov.u32 s30;
	[sflag:s24] =	ssyncset.done $0x0;
	s30 =	sand.u32 @!p0 $0x600, s29  }
0x32: {  	s22 =	simm.s32 @!p0 $0x0;
	[sflag:s24] =	ssyncadd.s32 $0xFFFFC000;
	s30 =	sshrl.u32 @!p0 s30, $0x2  }
0x33: {  	[tilespmem:s30], [sflag:$0x1] =	stream.linear.gather @!p0 [hbm4b:s15+s22], $0x80, $0x38;
	[tilespmem:$0x10200] =	vst v63  }
0x34: {  	s22 =	sadd.s32 $0xFFFFFFFF, s0  }
0x35: {  	s22 =	sand.u32 $0x3, s22;
	_ =	swait.ge [sflag:s17], $0x80  }
0x36: {  	[sflag:s17] =	ssyncset.done $0x0;
	s30 =	sshll.u32 s22, $0xE  }
0x37: {  	s22 =	sshll.u32 s22, $0x7;
	[sflag:s17] =	ssyncadd.s32 $0xFFFFFF80;
	s30 =	sor.u32 $0x200, s30  }
0x38: {  	[tilespmem:s30], [sflag:$0x2] =	stream.indirect.gather [hbm4b:s3+s16], $0x80, s22, s16, $0xb8;
	[tilespmem:$0x10200] =	vst v63  }
0x39: {  	s22 =	sand.u32 $0x30000, s28;
	_ =	swait.ge [sflag:s21], $0x4000  }
0x3a: {  	s22 =	sshrl.u32 s22, $0x2;
	[sflag:s21] =	ssyncset.done $0x0  }
0x3b: {  	s30 =	sadd.s32 $0x1, s0;
	s22 =	sor.u32 $0x200, s22;
	[sflag:s21] =	ssyncadd.s32 $0xFFFFC000  }
0x3c: {  	[hbm4b:s26+s2] =	stream.linear.scatter [tilespmem:s22], [sflag:$0x3], $0x4000, $0x38;
	[tilespmem:$0x10200] =	vst v63  }
0x3d: {  	s22 =	sadd.s32 s30, s13  }
0x3e: {  	p1 =	sne.s32 s22, $0x1  }
.Ltmp0:
0x3f: {  	_ = 	snop;
	(pc) =	sbr.rel @p1 .LBB2_2-.Ltmp0, $3  }
0x40: {  	_ =	sdelay $0x1  }
0x41: {  	s31 =	sadd.s32 $0xFFFFFFF0, s31;
	s29 =	sadd.s32 $0x200, s29  }
0x42: {  	s15 =	sadd.s32 $0x10, s15;
	s28 =	sadd.s32 $0x10000, s28;
	s26 =	sadd.s32 $0x800, s26  }
0x43: {  	_ =	swait.ge [sflag:s24], $0x4000;
	p1 =	sge.u32 s30, s4  }
0x44: {  	[sflag:s24] =	ssyncset.done $0x0;
	s15 =	sand.u32 @!p1 $0x600, s29;
	s22 =	ssub.s32 @!p1 $0x0, s31  }
0x45: {  	s29 =	simm.s32 @!p1 $0x0;
	[sflag:s24] =	ssyncadd.s32 $0xFFFFC000;
	s15 =	sshrl.u32 @!p1 s15, $0x2  }
0x46: {  	[tilespmem:s15], [sflag:$0x1] =	stream.linear.gather @!p1 [hbm4b:s22+s29], $0x80, $0x38;
	[tilespmem:$0x10200] =	vst v63  }
0x47: {  	s15 =	simm.s32 @!p0 $0x1  }
0x48: {  	s0 =	sand.u32 @!p0 $0x3, s0;
	_ =	swait.ge @!p0 [sflag:s15], $0x80  }
0x49: {  	s22 =	sshll.u32 @!p0 s0, $0x7;
	s0 =	sshll.u32 @!p0 s0, $0xE;
	[sflag:s15] =	ssyncset.done @!p0 $0x0  }
0x4a: {  	s0 =	sor.u32 @!p0 $0x200, s0;
	[sflag:s15] =	ssyncadd.s32 @!p0 $0xFFFFFF80;
	s15 =	simm.s32 @!p0 $0x80  }
0x4b: {  	[tilespmem:s0], [sflag:$0x2] =	stream.indirect.gather @!p0 [hbm4b:s3+s15], $0x80, s22, s15, $0xb8;
	[tilespmem:$0x10200] =	vst v63  }
0x4c: {  	s31 =	sand.u32 $0x30000, s28;
	_ =	swait.ge [sflag:s21], $0x4000  }
0x4d: {  	s0 =	sshrl.u32 s31, $0x2;
	[sflag:s21] =	ssyncset.done $0x0  }
0x4e: {  	s25 =	sadd.s32 $0x1, s25;
	s0 =	sor.u32 $0x200, s0;
	[sflag:s21] =	ssyncadd.s32 $0xFFFFC000  }
0x4f: {  	[hbm4b:s26+s2] =	stream.linear.scatter [tilespmem:s0], [sflag:$0x3], $0x4000, $0x38;
	[tilespmem:$0x10200] =	vst v63  }
0x50: {  	p0 =	sne.s32 s25, s7;
	_ =	swait.ge [sflag:s24], $0x4000  }
.Ltmp1:
0x51: {  	[sflag:s24] =	ssyncset.done $0x0;
	(pc) =	sbr.rel @p0 .LBB2_1-.Ltmp1, $4  }
0x52: {  	[sflag:s24] =	ssyncadd.s32 $0xFFFFC000  }
0x53: {  	_ =	swait.ge [sflag:s24], $0x4000  }
0x54: {  	[sflag:s24] =	ssyncset.done $0x0  }
0x55: {  	[sflag:s24] =	ssyncadd.s32 $0xFFFFC000  }
0x56: {  	_ =	sfence.sel $0x180000  }
0x57: {  	[bflag:$0x0] =	sbarrier.arrive $0xFFFF  }
0x58: {  	_ =	strace $0x9000004A  }
0x59: {  	s0 =	stileid.u32;
	[bflag:$0x2] =	sbarrier.arrive $0xFFFF  }
0x5a: {  	p0 =	sne.s32 s0, $0x0;
	s0 =	rddreg [dreg:$0x2]  }
0x5b: {  	s0 =	sadd.s32 @!p0 $0x100000, s0  }
0x5c: {  	[sflag:s0] =	ssyncadd.tile.s32 @!p0 $0x1;
	_ =	shalt  }
.Lfunc_end2:
_tile_overlayer_lowered:
.L_overlay_start_2:
0x5d: {  	(tag) =	ssettag $0x2  }
0x5e: {  	s0 =	rddreg [dreg:$0x0];
	s2 =	stileid.u32  }
0x5f: {  	s1 =	rddreg [dreg:$0x1];
	p0 =	sne.s32 s2, $0x0  }
0x60: {  	s3 =	rddreg [dreg:$0x2];
	[bflag:$0x3] =	sbarrier.arrive $0xFFFF;
	s2 =	simm.s32 @!p0 $0x1C04  }
0x61: {  	[timem:s3], [sflag:s2] =	dma.local @!p0 [hbm:s0], s1  }
0x62: {  	s0 =	simm.s32 @!p0 $0x4  }
0x63: {  	_ =	swait.ge @!p0 [sflag:s0], s1  }
0x64: {  	s1 =	ssub.s32 @!p0 $0x0, s1;
	[sflag:s0] =	ssyncset.done @!p0 $0x0  }
0x65: {  	[sflag:s0] =	ssyncadd.s32 @!p0 s1  }
0x66: {  	[bflag:$0x3] =	sbarrier.arrive $0xFFFF  }
0x67: {  	_ =	shalt  }

</sc_bundles>
